<compile_context>
chip_gen: v7x
topology: tpu7x:2x2x1
jax: 0.10.2.dev20260603
libtpu: 0.0.44.dev20260713+nightly
codegen_flags: <defaults>
</compile_context>

<pallas_src>
import functools

import jax
import jax.numpy as jnp
from jax import lax
from jax.experimental import pallas as pl
from jax.experimental.pallas import tpu as pltpu
from jax.experimental.pallas import tpu_sc as plsc

N = 10000
E = 320000
D_IN = 128
D_HID = 128
N_CLS = 40

NP = 10240
EP = 327680
NC = 2
NS = 16
NW = NC * NS
K = 128
NCH = EP // NW // K
KS = 64
NCHS = EP // NW // KS
RPT = NP // NS
D2 = 48

@functools.lru_cache(maxsize=None)
def _build_deg_kernel():
    mesh = plsc.VectorSubcoreMesh(core_axis_name="c", subcore_axis_name="s")
    return functools.partial(
        pl.kernel,
        out_type=jax.ShapeDtypeStruct((NC, NP), jnp.float32),
        mesh=mesh,
        scratch_types=[
            pltpu.VMEM((K,), jnp.float32),
            pltpu.VMEM((RPT,), jnp.float32),
            pltpu.VMEM((NCH, K), jnp.int32),
            pltpu.VMEM_SHARED((NP,), jnp.float32),
        ],
    )(_deg_body)


def _deg_body(dst_hbm, out_hbm, ones_v, zst_v, dst_v, deg_sh):
    c = lax.axis_index("c")
    s = lax.axis_index("s")
    wid = c * NS + s

    def _fill16(i, _):
        ones_v[pl.ds(i * 16, 16)] = jnp.ones((16,), jnp.float32)
        return 0

    lax.fori_loop(0, K // 16, _fill16, 0)

    def _zfill(i, _):
        zst_v[pl.ds(i * 16, 16)] = jnp.zeros((16,), jnp.float32)
        return 0

    lax.fori_loop(0, RPT // 16, _zfill, 0)
    pltpu.sync_copy(zst_v, deg_sh.at[pl.ds(s * RPT, RPT)])
    plsc.subcore_barrier()

    pltpu.sync_copy(dst_hbm.at[wid], dst_v)

    def _chunk(j, _):
        pltpu.sync_copy(ones_v, deg_sh.at[dst_v.at[j]], add=True)
        return 0

    lax.fori_loop(0, NCH, _chunk, 0)
    plsc.subcore_barrier()
    pltpu.sync_copy(deg_sh.at[pl.ds(s * RPT, RPT)],
                    out_hbm.at[c, pl.ds(s * RPT, RPT)])


@functools.lru_cache(maxsize=None)
def _make_edge_scatter(D):
    mesh = plsc.VectorSubcoreMesh(core_axis_name="c", subcore_axis_name="s")

    NB = 4
    IB = 32

    @functools.partial(
        pl.kernel,
        out_type=jax.ShapeDtypeStruct((NC, NP, D), jnp.float32),
        mesh=mesh,
        scratch_types=[
            [pltpu.VMEM((KS, D), jnp.float32) for _ in range(NB)],
            pltpu.VMEM((IB, KS), jnp.int32),
            pltpu.VMEM((IB, KS), jnp.int32),
            pltpu.VMEM_SHARED((NP, D), jnp.float32),
            [pltpu.SemaphoreType.DMA for _ in range(NB)],
            [pltpu.SemaphoreType.DMA for _ in range(NB)],
        ],
        compiler_params=pltpu.CompilerParams(use_tc_tiling_on_sc=False),
    )
    def _scatter(g_hbm, src_hbm, dst_hbm, out_hbm,
                 rows, src_v, dst_v, acc_sh, gsems, ssems):
        c = lax.axis_index("c")
        s = lax.axis_index("s")
        wid = c * NS + s

        def _zrow(r, _):
            for b in range(NB):
                for j in range(D // 16):
                    rows[b][r, pl.ds(j * 16, 16)] = jnp.zeros((16,),
                                                              jnp.float32)
            return 0

        lax.fori_loop(0, KS, _zrow, 0)

        def _zcp(i, _):
            pltpu.sync_copy(rows[0],
                            acc_sh.at[pl.ds(s * RPT + i * KS, KS)])
            return 0

        lax.fori_loop(0, RPT // KS, _zcp, 0)
        plsc.subcore_barrier()

        def _startg(j, b):
            pltpu.async_copy(g_hbm.at[src_v.at[j]], rows[b], gsems[b])

        def _waitg(j, b):
            pltpu.make_async_copy(g_hbm.at[src_v.at[j]], rows[b],
                                  gsems[b]).wait()

        def _starts(j, b):
            pltpu.async_copy(rows[b], acc_sh.at[dst_v.at[j]], ssems[b],
                             add=True)

        def _waits(j, b):
            pltpu.make_async_copy(rows[b], acc_sh.at[dst_v.at[j]],
                                  ssems[b]).wait()

        def _block(ib, _):
            pltpu.sync_copy(src_hbm.at[wid, pl.ds(ib * IB, IB)], src_v)
            pltpu.sync_copy(dst_hbm.at[wid, pl.ds(ib * IB, IB)], dst_v)
            _startg(0, 0)
            _startg(1, 1)
            _startg(2, 2)

            def _quad(j4, _):
                for b in range(NB):
                    j = j4 * NB + b
                    _waitg(j, b)
                    _starts(j, b)
                    bn = (b + NB - 1) % NB

                    @pl.when(j + NB - 1 < IB)
                    def _():
                        @pl.when(j > 0)
                        def _():
                            _waits(j - 1, bn)

                        _startg(j + NB - 1, bn)

                return 0

            lax.fori_loop(0, IB // NB, _quad, 0)
            for b in range(NB):
                _waits(IB - NB + b, b)
            return 0

        lax.fori_loop(0, NCHS // IB, _block, 0)
        plsc.subcore_barrier()
        pltpu.sync_copy(acc_sh.at[pl.ds(s * RPT, RPT)],
                        out_hbm.at[c, pl.ds(s * RPT, RPT)])

    return _scatter


def _tc1_body(deg_ref, x_ref, w_ref, g_ref, dis_ref):
    d = deg_ref[0] + deg_ref[1] + 1.0
    dis = lax.rsqrt(d)
    h = jnp.dot(x_ref[...], w_ref[...], preferred_element_type=jnp.float32)
    g_ref[...] = h * dis
    dis_ref[...] = dis


def _tc2_body(s_ref, g_ref, dis_ref, b_ref, w_ref, out_ref):
    dis = dis_ref[...]
    pre = dis * (s_ref[0] + s_ref[1] + g_ref[...]) + b_ref[...]
    h = jnp.maximum(pre, 0.0)
    out_ref[...] = jnp.dot(h, w_ref[...],
                           preferred_element_type=jnp.float32) * dis


def _tc3_body(s_ref, g_ref, dis_ref, b_ref, out_ref):
    pre = dis_ref[...] * (s_ref[0] + s_ref[1] + g_ref[...]) + b_ref[...]
    z = pre[:, :N_CLS]
    m = jnp.max(z, axis=1, keepdims=True)
    ez = jnp.exp(z - m)
    lse = jnp.log(jnp.sum(ez, axis=1, keepdims=True))
    out_ref[...] = z - m - lse


def _f32(*shape):
    return jax.ShapeDtypeStruct(shape, jnp.float32)


def kernel(x, edge_index, W1, b1, W2, b2):
    ei = edge_index.astype(jnp.int32)
    src_pad = jnp.full((EP - E,), NP - 1, jnp.int32)
    dst_pad = N + (jnp.arange(EP - E, dtype=jnp.int32) % (NP - N))
    src3 = jnp.concatenate([ei[0], src_pad]).reshape(NW, NCH, K)
    dst3 = jnp.concatenate([ei[1], dst_pad]).reshape(NW, NCH, K)
    x_p = jnp.pad(x, ((0, NP - N), (0, 0)))
    b1r = b1.reshape(1, D_HID)
    W2p = jnp.pad(W2, ((0, 0), (0, D2 - N_CLS)))
    b2r = jnp.pad(b2, (0, D2 - N_CLS)).reshape(1, D2)

    src3s = src3.reshape(NW, NCHS, KS)
    dst3s = dst3.reshape(NW, NCHS, KS)

    deg2 = _build_deg_kernel()(dst3)
    deg3 = deg2.reshape(NC, NP, 1)

    g1, dis = pl.pallas_call(
        _tc1_body,
        out_shape=(_f32(NP, D_HID), _f32(NP, 1)),
    )(deg3, x_p, W1)

    s1 = _make_edge_scatter(D_HID)(g1, src3s, dst3s)

    g2 = pl.pallas_call(
        _tc2_body,
        out_shape=_f32(NP, D2),
    )(s1, g1, dis, b1r, W2p)

    s2 = _make_edge_scatter(D2)(g2, src3s, dst3s)

    out = pl.pallas_call(
        _tc3_body,
        out_shape=_f32(NP, N_CLS),
    )(s2, g2, dis, b2r)

    return out[:N]

# --- scband reference (transcript-rebuilt; emitter-appended) ---
"""Pipeline reference for scband-net-30030411333954 (READ-ONLY COPY).

The authoritative reference and input builder live on the scoring server;
editing this copy changes nothing except your own understanding.
"""

import jax, jax.numpy as jnp
import numpy as np

N_NODES = 10000
N_EDGES = 320000
D_IN = 128
D_HID = 128
N_CLS = 40


def gcn_conv(x, edge_index, W, b, n_nodes):
    # PyG GCNConv: x' = D^{-1/2} (A + I) D^{-1/2} X W + b
    x = x @ W
    src = edge_index[0]
    dst = edge_index[1]
    loop = jnp.arange(n_nodes, dtype=src.dtype)
    src = jnp.concatenate([src, loop])
    dst = jnp.concatenate([dst, loop])
    deg = jnp.zeros((n_nodes,), dtype=x.dtype).at[dst].add(1.0)
    deg_inv_sqrt = jnp.where(deg > 0, jax.lax.rsqrt(jnp.maximum(deg, 1e-12)), 0.0)
    norm = deg_inv_sqrt[src] * deg_inv_sqrt[dst]
    msg = x[src] * norm[:, None]
    out = jnp.zeros((n_nodes, x.shape[1]), dtype=x.dtype).at[dst].add(msg)
    return out + b


def setup_inputs(seed: int = 0) -> dict:
    key = jax.random.key(seed)
    k1, k2, k3, k4, k5, k6 = jax.random.split(key, 6)
    x = jax.random.normal(k1, (N_NODES, D_IN), dtype=jnp.float32)
    edge_index = jax.random.randint(k2, (2, N_EDGES), 0, N_NODES).astype(jnp.int64)
    W1 = jax.random.normal(k3, (D_IN, D_HID), dtype=jnp.float32) / np.sqrt(D_IN)
    b1 = jnp.zeros((D_HID,), dtype=jnp.float32)
    W2 = jax.random.normal(k4, (D_HID, N_CLS), dtype=jnp.float32) / np.sqrt(D_HID)
    b2 = jnp.zeros((N_CLS,), dtype=jnp.float32)
    return {"x": x, "edge_index": edge_index, "W1": W1, "b1": b1, "W2": W2, "b2": b2}


def reference(x, edge_index, W1, b1, W2, b2):
    h = gcn_conv(x, edge_index, W1, b1, N_NODES)
    h = jax.nn.relu(h)
    # dropout is identity in eval mode
    h = gcn_conv(h, edge_index, W2, b2, N_NODES)
    return jax.nn.log_softmax(h, axis=1)

if __name__ == "__main__":
    import jax
    _d = setup_inputs()
    print(jax.jit(kernel)(*tuple(_d.values())))

</pallas_src>

<mosaic_0001>
#map = affine_map<(d0, d1) -> (0, 0)>
#map1 = affine_map<(d0, d1) -> (0, 0, 0)>
module attributes {stable_mosaic.version = 14 : i64} {
  func.func @_scatter(%arg0: i32, %arg1: i32, %arg2: memref<10240x128xf32, #tpu.memory_space<hbm>>, %arg3: memref<32x160x64xi32, #tpu.memory_space<hbm>>, %arg4: memref<32x160x64xi32, #tpu.memory_space<hbm>>, %arg5: memref<2x10240x128xf32, #tpu.memory_space<hbm>>, %arg6: memref<64x128xf32, #tpu.memory_space<vmem>>, %arg7: memref<64x128xf32, #tpu.memory_space<vmem>>, %arg8: memref<64x128xf32, #tpu.memory_space<vmem>>, %arg9: memref<64x128xf32, #tpu.memory_space<vmem>>, %arg10: memref<32x64xi32, #tpu.memory_space<vmem>>, %arg11: memref<32x64xi32, #tpu.memory_space<vmem>>, %arg12: memref<10240x128xf32, #tpu.memory_space<vmem_shared>>, %arg13: memref<!tpu.dma_semaphore, #tpu.memory_space<semaphore_mem>>, %arg14: memref<!tpu.dma_semaphore, #tpu.memory_space<semaphore_mem>>, %arg15: memref<!tpu.dma_semaphore, #tpu.memory_space<semaphore_mem>>, %arg16: memref<!tpu.dma_semaphore, #tpu.memory_space<semaphore_mem>>, %arg17: memref<!tpu.dma_semaphore, #tpu.memory_space<semaphore_mem>>, %arg18: memref<!tpu.dma_semaphore, #tpu.memory_space<semaphore_mem>>, %arg19: memref<!tpu.dma_semaphore, #tpu.memory_space<semaphore_mem>>, %arg20: memref<!tpu.dma_semaphore, #tpu.memory_space<semaphore_mem>>) attributes {dimension_semantics = [#tpu.dimension_semantics<core_parallel>, #tpu.dimension_semantics<subcore_parallel>], iteration_bounds = array<i64: 2, 16>, scalar_prefetch = 0 : i64, scratch_operands = 15 : i64, tpu.core_type = #tpu.core_type<sc_vector_subcore>, window_params = [{transform_indices = #map}, {transform_indices = #map1}, {transform_indices = #map1}, {transform_indices = #map1}]} {
    %mul3A = arith.constant 16 : i32
    %mul3A_0 = arith.muli %arg0, %mul3A : i32
    %add3A = arith.addi %mul3A_0, %arg1 : i32
    %scan3A = arith.constant 0 : i32
    %scan3A_1 = arith.constant 0 : i32
    %scan3A_2 = arith.constant 64 : i32
    %scan3A_3 = arith.addi %scan3A_1, %scan3A_2 : i32
    %scan3A_4 = arith.constant 1 : i32
    %scan3A_5 = scf.for %scan3A_26 = %scan3A_1 to %scan3A_3 step %scan3A_4 iter_args(%scan3A_27 = %scan3A) -> (i32)  : i32 {
      %broadcast_in_dim3A = arith.constant 0.000000e+00 : f32
      %broadcast_in_dim3A_28 = vector.broadcast %broadcast_in_dim3A : f32 to vector<16xf32>
      %swap3A = arith.index_cast %scan3A_26 : i32 to index
      %swap3A_29 = arith.constant 0 : index
      %swap3A_30 = tpu.vector_load %arg6[%swap3A, %swap3A_29] {strides = array<i32>} : memref<64x128xf32, #tpu.memory_space<vmem>>, vector<1x16xf32>,
      %swap3A_31 = vector.shape_cast %swap3A_30 : vector<1x16xf32> to vector<16xf32>
      %swap3A_32 = vector.shape_cast %broadcast_in_dim3A_28 : vector<16xf32> to vector<1x16xf32>
      tpu.vector_store %arg6[%swap3A, %swap3A_29], %swap3A_32 {strides = array<i32>} : memref<64x128xf32, #tpu.memory_space<vmem>>, vector<1x16xf32>,
      %broadcast_in_dim3A_33 = arith.constant 0.000000e+00 : f32
      %broadcast_in_dim3A_34 = vector.broadcast %broadcast_in_dim3A_33 : f32 to vector<16xf32>
      %swap3A_35 = arith.index_cast %scan3A_26 : i32 to index
      %swap3A_36 = arith.constant 16 : index
      %swap3A_37 = tpu.vector_load %arg6[%swap3A_35, %swap3A_36] {strides = array<i32>} : memref<64x128xf32, #tpu.memory_space<vmem>>, vector<1x16xf32>,
      %swap3A_38 = vector.shape_cast %swap3A_37 : vector<1x16xf32> to vector<16xf32>
      %swap3A_39 = vector.shape_cast %broadcast_in_dim3A_34 : vector<16xf32> to vector<1x16xf32>
      tpu.vector_store %arg6[%swap3A_35, %swap3A_36], %swap3A_39 {strides = array<i32>} : memref<64x128xf32, #tpu.memory_space<vmem>>, vector<1x16xf32>,
      %broadcast_in_dim3A_40 = arith.constant 0.000000e+00 : f32
      %broadcast_in_dim3A_41 = vector.broadcast %broadcast_in_dim3A_40 : f32 to vector<16xf32>
      %swap3A_42 = arith.index_cast %scan3A_26 : i32 to index
      %swap3A_43 = arith.constant 32 : index
      %swap3A_44 = tpu.vector_load %arg6[%swap3A_42, %swap3A_43] {strides = array<i32>} : memref<64x128xf32, #tpu.memory_space<vmem>>, vector<1x16xf32>,
      %swap3A_45 = vector.shape_cast %swap3A_44 : vector<1x16xf32> to vector<16xf32>
      %swap3A_46 = vector.shape_cast %broadcast_in_dim3A_41 : vector<16xf32> to vector<1x16xf32>
      tpu.vector_store %arg6[%swap3A_42, %swap3A_43], %swap3A_46 {strides = array<i32>} : memref<64x128xf32, #tpu.memory_space<vmem>>, vector<1x16xf32>,
      %broadcast_in_dim3A_47 = arith.constant 0.000000e+00 : f32
      %broadcast_in_dim3A_48 = vector.broadcast %broadcast_in_dim3A_47 : f32 to vector<16xf32>
      %swap3A_49 = arith.index_cast %scan3A_26 : i32 to index
      %swap3A_50 = arith.constant 48 : index
      %swap3A_51 = tpu.vector_load %arg6[%swap3A_49, %swap3A_50] {strides = array<i32>} : memref<64x128xf32, #tpu.memory_space<vmem>>, vector<1x16xf32>,
      %swap3A_52 = vector.shape_cast %swap3A_51 : vector<1x16xf32> to vector<16xf32>
      %swap3A_53 = vector.shape_cast %broadcast_in_dim3A_48 : vector<16xf32> to vector<1x16xf32>
      tpu.vector_store %arg6[%swap3A_49, %swap3A_50], %swap3A_53 {strides = array<i32>} : memref<64x128xf32, #tpu.memory_space<vmem>>, vector<1x16xf32>,
      %broadcast_in_dim3A_54 = arith.constant 0.000000e+00 : f32
      %broadcast_in_dim3A_55 = vector.broadcast %broadcast_in_dim3A_54 : f32 to vector<16xf32>
      %swap3A_56 = arith.index_cast %scan3A_26 : i32 to index
      %swap3A_57 = arith.constant 64 : index
      %swap3A_58 = tpu.vector_load %arg6[%swap3A_56, %swap3A_57] {strides = array<i32>} : memref<64x128xf32, #tpu.memory_space<vmem>>, vector<1x16xf32>,
      %swap3A_59 = vector.shape_cast %swap3A_58 : vector<1x16xf32> to vector<16xf32>
      %swap3A_60 = vector.shape_cast %broadcast_in_dim3A_55 : vector<16xf32> to vector<1x16xf32>
      tpu.vector_store %arg6[%swap3A_56, %swap3A_57], %swap3A_60 {strides = array<i32>} : memref<64x128xf32, #tpu.memory_space<vmem>>, vector<1x16xf32>,
      %broadcast_in_dim3A_61 = arith.constant 0.000000e+00 : f32
      %broadcast_in_dim3A_62 = vector.broadcast %broadcast_in_dim3A_61 : f32 to vector<16xf32>
      %swap3A_63 = arith.index_cast %scan3A_26 : i32 to index
      %swap3A_64 = arith.constant 80 : index
      %swap3A_65 = tpu.vector_load %arg6[%swap3A_63, %swap3A_64] {strides = array<i32>} : memref<64x128xf32, #tpu.memory_space<vmem>>, vector<1x16xf32>,
      %swap3A_66 = vector.shape_cast %swap3A_65 : vector<1x16xf32> to vector<16xf32>
      %swap3A_67 = vector.shape_cast %broadcast_in_dim3A_62 : vector<16xf32> to vector<1x16xf32>
      tpu.vector_store %arg6[%swap3A_63, %swap3A_64], %swap3A_67 {strides = array<i32>} : memref<64x128xf32, #tpu.memory_space<vmem>>, vector<1x16xf32>,
      %broadcast_in_dim3A_68 = arith.constant 0.000000e+00 : f32
      %broadcast_in_dim3A_69 = vector.broadcast %broadcast_in_dim3A_68 : f32 to vector<16xf32>
      %swap3A_70 = arith.index_cast %scan3A_26 : i32 to index
      %swap3A_71 = arith.constant 96 : index
      %swap3A_72 = tpu.vector_load %arg6[%swap3A_70, %swap3A_71] {strides = array<i32>} : memref<64x128xf32, #tpu.memory_space<vmem>>, vector<1x16xf32>,
      %swap3A_73 = vector.shape_cast %swap3A_72 : vector<1x16xf32> to vector<16xf32>
      %swap3A_74 = vector.shape_cast %broadcast_in_dim3A_69 : vector<16xf32> to vector<1x16xf32>
      tpu.vector_store %arg6[%swap3A_70, %swap3A_71], %swap3A_74 {strides = array<i32>} : memref<64x128xf32, #tpu.memory_space<vmem>>, vector<1x16xf32>,
      %broadcast_in_dim3A_75 = arith.constant 0.000000e+00 : f32
      %broadcast_in_dim3A_76 = vector.broadcast %broadcast_in_dim3A_75 : f32 to vector<16xf32>
      %swap3A_77 = arith.index_cast %scan3A_26 : i32 to index
      %swap3A_78 = arith.constant 112 : index
      %swap3A_79 = tpu.vector_load %arg6[%swap3A_77, %swap3A_78] {strides = array<i32>} : memref<64x128xf32, #tpu.memory_space<vmem>>, vector<1x16xf32>,
      %swap3A_80 = vector.shape_cast %swap3A_79 : vector<1x16xf32> to vector<16xf32>
      %swap3A_81 = vector.shape_cast %broadcast_in_dim3A_76 : vector<16xf32> to vector<1x16xf32>
      tpu.vector_store %arg6[%swap3A_77, %swap3A_78], %swap3A_81 {strides = array<i32>} : memref<64x128xf32, #tpu.memory_space<vmem>>, vector<1x16xf32>,
      %broadcast_in_dim3A_82 = arith.constant 0.000000e+00 : f32
      %broadcast_in_dim3A_83 = vector.broadcast %broadcast_in_dim3A_82 : f32 to vector<16xf32>
      %swap3A_84 = arith.index_cast %scan3A_26 : i32 to index
      %swap3A_85 = arith.constant 0 : index
      %swap3A_86 = tpu.vector_load %arg7[%swap3A_84, %swap3A_85] {strides = array<i32>} : memref<64x128xf32, #tpu.memory_space<vmem>>, vector<1x16xf32>,
      %swap3A_87 = vector.shape_cast %swap3A_86 : vector<1x16xf32> to vector<16xf32>
      %swap3A_88 = vector.shape_cast %broadcast_in_dim3A_83 : vector<16xf32> to vector<1x16xf32>
      tpu.vector_store %arg7[%swap3A_84, %swap3A_85], %swap3A_88 {strides = array<i32>} : memref<64x128xf32, #tpu.memory_space<vmem>>, vector<1x16xf32>,
      %broadcast_in_dim3A_89 = arith.constant 0.000000e+00 : f32
      %broadcast_in_dim3A_90 = vector.broadcast %broadcast_in_dim3A_89 : f32 to vector<16xf32>
      %swap3A_91 = arith.index_cast %scan3A_26 : i32 to index
      %swap3A_92 = arith.constant 16 : index
      %swap3A_93 = tpu.vector_load %arg7[%swap3A_91, %swap3A_92] {strides = array<i32>} : memref<64x128xf32, #tpu.memory_space<vmem>>, vector<1x16xf32>,
      %swap3A_94 = vector.shape_cast %swap3A_93 : vector<1x16xf32> to vector<16xf32>
      %swap3A_95 = vector.shape_cast %broadcast_in_dim3A_90 : vector<16xf32> to vector<1x16xf32>
      tpu.vector_store %arg7[%swap3A_91, %swap3A_92], %swap3A_95 {strides = array<i32>} : memref<64x128xf32, #tpu.memory_space<vmem>>, vector<1x16xf32>,
      %broadcast_in_dim3A_96 = arith.constant 0.000000e+00 : f32
      %broadcast_in_dim3A_97 = vector.broadcast %broadcast_in_dim3A_96 : f32 to vector<16xf32>
      %swap3A_98 = arith.index_cast %scan3A_26 : i32 to index
      %swap3A_99 = arith.constant 32 : index
      %swap3A_100 = tpu.vector_load %arg7[%swap3A_98, %swap3A_99] {strides = array<i32>} : memref<64x128xf32, #tpu.memory_space<vmem>>, vector<1x16xf32>,
      %swap3A_101 = vector.shape_cast %swap3A_100 : vector<1x16xf32> to vector<16xf32>
      %swap3A_102 = vector.shape_cast %broadcast_in_dim3A_97 : vector<16xf32> to vector<1x16xf32>
      tpu.vector_store %arg7[%swap3A_98, %swap3A_99], %swap3A_102 {strides = array<i32>} : memref<64x128xf32, #tpu.memory_space<vmem>>, vector<1x16xf32>,
      %broadcast_in_dim3A_103 = arith.constant 0.000000e+00 : f32
      %broadcast_in_dim3A_104 = vector.broadcast %broadcast_in_dim3A_103 : f32 to vector<16xf32>
      %swap3A_105 = arith.index_cast %scan3A_26 : i32 to index
      %swap3A_106 = arith.constant 48 : index
      %swap3A_107 = tpu.vector_load %arg7[%swap3A_105, %swap3A_106] {strides = array<i32>} : memref<64x128xf32, #tpu.memory_space<vmem>>, vector<1x16xf32>,
      %swap3A_108 = vector.shape_cast %swap3A_107 : vector<1x16xf32> to vector<16xf32>
      %swap3A_109 = vector.shape_cast %broadcast_in_dim3A_104 : vector<16xf32> to vector<1x16xf32>
      tpu.vector_store %arg7[%swap3A_105, %swap3A_106], %swap3A_109 {strides = array<i32>} : memref<64x128xf32, #tpu.memory_space<vmem>>, vector<1x16xf32>,
      %broadcast_in_dim3A_110 = arith.constant 0.000000e+00 : f32
      %broadcast_in_dim3A_111 = vector.broadcast %broadcast_in_dim3A_110 : f32 to vector<16xf32>
      %swap3A_112 = arith.index_cast %scan3A_26 : i32 to index
      %swap3A_113 = arith.constant 64 : index
      %swap3A_114 = tpu.vector_load %arg7[%swap3A_112, %swap3A_113] {strides = array<i32>} : memref<64x128xf32, #tpu.memory_space<vmem>>, vector<1x16xf32>,
      %swap3A_115 = vector.shape_cast %swap3A_114 : vector<1x16xf32> to vector<16xf32>
      %swap3A_116 = vector.shape_cast %broadcast_in_dim3A_111 : vector<16xf32> to vector<1x16xf32>
      tpu.vector_store %arg7[%swap3A_112, %swap3A_113], %swap3A_116 {strides = array<i32>} : memref<64x128xf32, #tpu.memory_space<vmem>>, vector<1x16xf32>,
      %broadcast_in_dim3A_117 = arith.constant 0.000000e+00 : f32
      %broadcast_in_dim3A_118 = vector.broadcast %broadcast_in_dim3A_117 : f32 to vector<16xf32>
      %swap3A_119 = arith.index_cast %scan3A_26 : i32 to index
      %swap3A_120 = arith.constant 80 : index
      %swap3A_121 = tpu.vector_load %arg7[%swap3A_119, %swap3A_120] {strides = array<i32>} : memref<64x128xf32, #tpu.memory_space<vmem>>, vector<1x16xf32>,
      %swap3A_122 = vector.shape_cast %swap3A_121 : vector<1x16xf32> to vector<16xf32>
      %swap3A_123 = vector.shape_cast %broadcast_in_dim3A_118 : vector<16xf32> to vector<1x16xf32>
      tpu.vector_store %arg7[%swap3A_119, %swap3A_120], %swap3A_123 {strides = array<i32>} : memref<64x128xf32, #tpu.memory_space<vmem>>, vector<1x16xf32>,
      %broadcast_in_dim3A_124 = arith.constant 0.000000e+00 : f32
      %broadcast_in_dim3A_125 = vector.broadcast %broadcast_in_dim3A_124 : f32 to vector<16xf32>
      %swap3A_126 = arith.index_cast %scan3A_26 : i32 to index
      %swap3A_127 = arith.constant 96 : index
      %swap3A_128 = tpu.vector_load %arg7[%swap3A_126, %swap3A_127] {strides = array<i32>} : memref<64x128xf32, #tpu.memory_space<vmem>>, vector<1x16xf32>,
      %swap3A_129 = vector.shape_cast %swap3A_128 : vector<1x16xf32> to vector<16xf32>
      %swap3A_130 = vector.shape_cast %broadcast_in_dim3A_125 : vector<16xf32> to vector<1x16xf32>
      tpu.vector_store %arg7[%swap3A_126, %swap3A_127], %swap3A_130 {strides = array<i32>} : memref<64x128xf32, #tpu.memory_space<vmem>>, vector<1x16xf32>,
      %broadcast_in_dim3A_131 = arith.constant 0.000000e+00 : f32
      %broadcast_in_dim3A_132 = vector.broadcast %broadcast_in_dim3A_131 : f32 to vector<16xf32>
      %swap3A_133 = arith.index_cast %scan3A_26 : i32 to index
      %swap3A_134 = arith.constant 112 : index
      %swap3A_135 = tpu.vector_load %arg7[%swap3A_133, %swap3A_134] {strides = array<i32>} : memref<64x128xf32, #tpu.memory_space<vmem>>, vector<1x16xf32>,
      %swap3A_136 = vector.shape_cast %swap3A_135 : vector<1x16xf32> to vector<16xf32>
      %swap3A_137 = vector.shape_cast %broadcast_in_dim3A_132 : vector<16xf32> to vector<1x16xf32>
      tpu.vector_store %arg7[%swap3A_133, %swap3A_134], %swap3A_137 {strides = array<i32>} : memref<64x128xf32, #tpu.memory_space<vmem>>, vector<1x16xf32>,
      %broadcast_in_dim3A_138 = arith.constant 0.000000e+00 : f32
      %broadcast_in_dim3A_139 = vector.broadcast %broadcast_in_dim3A_138 : f32 to vector<16xf32>
      %swap3A_140 = arith.index_cast %scan3A_26 : i32 to index
      %swap3A_141 = arith.constant 0 : index
      %swap3A_142 = tpu.vector_load %arg8[%swap3A_140, %swap3A_141] {strides = array<i32>} : memref<64x128xf32, #tpu.memory_space<vmem>>, vector<1x16xf32>,
      %swap3A_143 = vector.shape_cast %swap3A_142 : vector<1x16xf32> to vector<16xf32>
      %swap3A_144 = vector.shape_cast %broadcast_in_dim3A_139 : vector<16xf32> to vector<1x16xf32>
      tpu.vector_store %arg8[%swap3A_140, %swap3A_141], %swap3A_144 {strides = array<i32>} : memref<64x128xf32, #tpu.memory_space<vmem>>, vector<1x16xf32>,
      %broadcast_in_dim3A_145 = arith.constant 0.000000e+00 : f32
      %broadcast_in_dim3A_146 = vector.broadcast %broadcast_in_dim3A_145 : f32 to vector<16xf32>
      %swap3A_147 = arith.index_cast %scan3A_26 : i32 to index
      %swap3A_148 = arith.constant 16 : index
      %swap3A_149 = tpu.vector_load %arg8[%swap3A_147, %swap3A_148] {strides = array<i32>} : memref<64x128xf32, #tpu.memory_space<vmem>>, vector<1x16xf32>,
      %swap3A_150 = vector.shape_cast %swap3A_149 : vector<1x16xf32> to vector<16xf32>
      %swap3A_151 = vector.shape_cast %broadcast_in_dim3A_146 : vector<16xf32> to vector<1x16xf32>
      tpu.vector_store %arg8[%swap3A_147, %swap3A_148], %swap3A_151 {strides = array<i32>} : memref<64x128xf32, #tpu.memory_space<vmem>>, vector<1x16xf32>,
      %broadcast_in_dim3A_152 = arith.constant 0.000000e+00 : f32
      %broadcast_in_dim3A_153 = vector.broadcast %broadcast_in_dim3A_152 : f32 to vector<16xf32>
      %swap3A_154 = arith.index_cast %scan3A_26 : i32 to index
      %swap3A_155 = arith.constant 32 : index
      %swap3A_156 = tpu.vector_load %arg8[%swap3A_154, %swap3A_155] {strides = array<i32>} : memref<64x128xf32, #tpu.memory_space<vmem>>, vector<1x16xf32>,
      %swap3A_157 = vector.shape_cast %swap3A_156 : vector<1x16xf32> to vector<16xf32>
      %swap3A_158 = vector.shape_cast %broadcast_in_dim3A_153 : vector<16xf32> to vector<1x16xf32>
      tpu.vector_store %arg8[%swap3A_154, %swap3A_155], %swap3A_158 {strides = array<i32>} : memref<64x128xf32, #tpu.memory_space<vmem>>, vector<1x16xf32>,
      %broadcast_in_dim3A_159 = arith.constant 0.000000e+00 : f32
      %broadcast_in_dim3A_160 = vector.broadcast %broadcast_in_dim3A_159 : f32 to vector<16xf32>
      %swap3A_161 = arith.index_cast %scan3A_26 : i32 to index
      %swap3A_162 = arith.constant 48 : index
      %swap3A_163 = tpu.vector_load %arg8[%swap3A_161, %swap3A_162] {strides = array<i32>} : memref<64x128xf32, #tpu.memory_space<vmem>>, vector<1x16xf32>,
      %swap3A_164 = vector.shape_cast %swap3A_163 : vector<1x16xf32> to vector<16xf32>
      %swap3A_165 = vector.shape_cast %broadcast_in_dim3A_160 : vector<16xf32> to vector<1x16xf32>
      tpu.vector_store %arg8[%swap3A_161, %swap3A_162], %swap3A_165 {strides = array<i32>} : memref<64x128xf32, #tpu.memory_space<vmem>>, vector<1x16xf32>,
      %broadcast_in_dim3A_166 = arith.constant 0.000000e+00 : f32
      %broadcast_in_dim3A_167 = vector.broadcast %broadcast_in_dim3A_166 : f32 to vector<16xf32>
      %swap3A_168 = arith.index_cast %scan3A_26 : i32 to index
      %swap3A_169 = arith.constant 64 : index
      %swap3A_170 = tpu.vector_load %arg8[%swap3A_168, %swap3A_169] {strides = array<i32>} : memref<64x128xf32, #tpu.memory_space<vmem>>, vector<1x16xf32>,
      %swap3A_171 = vector.shape_cast %swap3A_170 : vector<1x16xf32> to vector<16xf32>
      %swap3A_172 = vector.shape_cast %broadcast_in_dim3A_167 : vector<16xf32> to vector<1x16xf32>
      tpu.vector_store %arg8[%swap3A_168, %swap3A_169], %swap3A_172 {strides = array<i32>} : memref<64x128xf32, #tpu.memory_space<vmem>>, vector<1x16xf32>,
      %broadcast_in_dim3A_173 = arith.constant 0.000000e+00 : f32
      %broadcast_in_dim3A_174 = vector.broadcast %broadcast_in_dim3A_173 : f32 to vector<16xf32>
      %swap3A_175 = arith.index_cast %scan3A_26 : i32 to index
      %swap3A_176 = arith.constant 80 : index
      %swap3A_177 = tpu.vector_load %arg8[%swap3A_175, %swap3A_176] {strides = array<i32>} : memref<64x128xf32, #tpu.memory_space<vmem>>, vector<1x16xf32>,
      %swap3A_178 = vector.shape_cast %swap3A_177 : vector<1x16xf32> to vector<16xf32>
      %swap3A_179 = vector.shape_cast %broadcast_in_dim3A_174 : vector<16xf32> to vector<1x16xf32>
      tpu.vector_store %arg8[%swap3A_175, %swap3A_176], %swap3A_179 {strides = array<i32>} : memref<64x128xf32, #tpu.memory_space<vmem>>, vector<1x16xf32>,
      %broadcast_in_dim3A_180 = arith.constant 0.000000e+00 : f32
      %broadcast_in_dim3A_181 = vector.broadcast %broadcast_in_dim3A_180 : f32 to vector<16xf32>
      %swap3A_182 = arith.index_cast %scan3A_26 : i32 to index
      %swap3A_183 = arith.constant 96 : index
      %swap3A_184 = tpu.vector_load %arg8[%swap3A_182, %swap3A_183] {strides = array<i32>} : memref<64x128xf32, #tpu.memory_space<vmem>>, vector<1x16xf32>,
      %swap3A_185 = vector.shape_cast %swap3A_184 : vector<1x16xf32> to vector<16xf32>
      %swap3A_186 = vector.shape_cast %broadcast_in_dim3A_181 : vector<16xf32> to vector<1x16xf32>
      tpu.vector_store %arg8[%swap3A_182, %swap3A_183], %swap3A_186 {strides = array<i32>} : memref<64x128xf32, #tpu.memory_space<vmem>>, vector<1x16xf32>,
      %broadcast_in_dim3A_187 = arith.constant 0.000000e+00 : f32
      %broadcast_in_dim3A_188 = vector.broadcast %broadcast_in_dim3A_187 : f32 to vector<16xf32>
      %swap3A_189 = arith.index_cast %scan3A_26 : i32 to index
      %swap3A_190 = arith.constant 112 : index
      %swap3A_191 = tpu.vector_load %arg8[%swap3A_189, %swap3A_190] {strides = array<i32>} : memref<64x128xf32, #tpu.memory_space<vmem>>, vector<1x16xf32>,
      %swap3A_192 = vector.shape_cast %swap3A_191 : vector<1x16xf32> to vector<16xf32>
      %swap3A_193 = vector.shape_cast %broadcast_in_dim3A_188 : vector<16xf32> to vector<1x16xf32>
      tpu.vector_store %arg8[%swap3A_189, %swap3A_190], %swap3A_193 {strides = array<i32>} : memref<64x128xf32, #tpu.memory_space<vmem>>, vector<1x16xf32>,
      %broadcast_in_dim3A_194 = arith.constant 0.000000e+00 : f32
      %broadcast_in_dim3A_195 = vector.broadcast %broadcast_in_dim3A_194 : f32 to vector<16xf32>
      %swap3A_196 = arith.index_cast %scan3A_26 : i32 to index
      %swap3A_197 = arith.constant 0 : index
      %swap3A_198 = tpu.vector_load %arg9[%swap3A_196, %swap3A_197] {strides = array<i32>} : memref<64x128xf32, #tpu.memory_space<vmem>>, vector<1x16xf32>,
      %swap3A_199 = vector.shape_cast %swap3A_198 : vector<1x16xf32> to vector<16xf32>
      %swap3A_200 = vector.shape_cast %broadcast_in_dim3A_195 : vector<16xf32> to vector<1x16xf32>
      tpu.vector_store %arg9[%swap3A_196, %swap3A_197], %swap3A_200 {strides = array<i32>} : memref<64x128xf32, #tpu.memory_space<vmem>>, vector<1x16xf32>,
      %broadcast_in_dim3A_201 = arith.constant 0.000000e+00 : f32
      %broadcast_in_dim3A_202 = vector.broadcast %broadcast_in_dim3A_201 : f32 to vector<16xf32>
      %swap3A_203 = arith.index_cast %scan3A_26 : i32 to index
      %swap3A_204 = arith.constant 16 : index
      %swap3A_205 = tpu.vector_load %arg9[%swap3A_203, %swap3A_204] {strides = array<i32>} : memref<64x128xf32, #tpu.memory_space<vmem>>, vector<1x16xf32>,
      %swap3A_206 = vector.shape_cast %swap3A_205 : vector<1x16xf32> to vector<16xf32>
      %swap3A_207 = vector.shape_cast %broadcast_in_dim3A_202 : vector<16xf32> to vector<1x16xf32>
      tpu.vector_store %arg9[%swap3A_203, %swap3A_204], %swap3A_207 {strides = array<i32>} : memref<64x128xf32, #tpu.memory_space<vmem>>, vector<1x16xf32>,
      %broadcast_in_dim3A_208 = arith.constant 0.000000e+00 : f32
      %broadcast_in_dim3A_209 = vector.broadcast %broadcast_in_dim3A_208 : f32 to vector<16xf32>
      %swap3A_210 = arith.index_cast %scan3A_26 : i32 to index
      %swap3A_211 = arith.constant 32 : index
      %swap3A_212 = tpu.vector_load %arg9[%swap3A_210, %swap3A_211] {strides = array<i32>} : memref<64x128xf32, #tpu.memory_space<vmem>>, vector<1x16xf32>,
      %swap3A_213 = vector.shape_cast %swap3A_212 : vector<1x16xf32> to vector<16xf32>
      %swap3A_214 = vector.shape_cast %broadcast_in_dim3A_209 : vector<16xf32> to vector<1x16xf32>
      tpu.vector_store %arg9[%swap3A_210, %swap3A_211], %swap3A_214 {strides = array<i32>} : memref<64x128xf32, #tpu.memory_space<vmem>>, vector<1x16xf32>,
      %broadcast_in_dim3A_215 = arith.constant 0.000000e+00 : f32
      %broadcast_in_dim3A_216 = vector.broadcast %broadcast_in_dim3A_215 : f32 to vector<16xf32>
      %swap3A_217 = arith.index_cast %scan3A_26 : i32 to index
      %swap3A_218 = arith.constant 48 : index
      %swap3A_219 = tpu.vector_load %arg9[%swap3A_217, %swap3A_218] {strides = array<i32>} : memref<64x128xf32, #tpu.memory_space<vmem>>, vector<1x16xf32>,
      %swap3A_220 = vector.shape_cast %swap3A_219 : vector<1x16xf32> to vector<16xf32>
      %swap3A_221 = vector.shape_cast %broadcast_in_dim3A_216 : vector<16xf32> to vector<1x16xf32>
      tpu.vector_store %arg9[%swap3A_217, %swap3A_218], %swap3A_221 {strides = array<i32>} : memref<64x128xf32, #tpu.memory_space<vmem>>, vector<1x16xf32>,
      %broadcast_in_dim3A_222 = arith.constant 0.000000e+00 : f32
      %broadcast_in_dim3A_223 = vector.broadcast %broadcast_in_dim3A_222 : f32 to vector<16xf32>
      %swap3A_224 = arith.index_cast %scan3A_26 : i32 to index
      %swap3A_225 = arith.constant 64 : index
      %swap3A_226 = tpu.vector_load %arg9[%swap3A_224, %swap3A_225] {strides = array<i32>} : memref<64x128xf32, #tpu.memory_space<vmem>>, vector<1x16xf32>,
      %swap3A_227 = vector.shape_cast %swap3A_226 : vector<1x16xf32> to vector<16xf32>
      %swap3A_228 = vector.shape_cast %broadcast_in_dim3A_223 : vector<16xf32> to vector<1x16xf32>
      tpu.vector_store %arg9[%swap3A_224, %swap3A_225], %swap3A_228 {strides = array<i32>} : memref<64x128xf32, #tpu.memory_space<vmem>>, vector<1x16xf32>,
      %broadcast_in_dim3A_229 = arith.constant 0.000000e+00 : f32
      %broadcast_in_dim3A_230 = vector.broadcast %broadcast_in_dim3A_229 : f32 to vector<16xf32>
      %swap3A_231 = arith.index_cast %scan3A_26 : i32 to index
      %swap3A_232 = arith.constant 80 : index
      %swap3A_233 = tpu.vector_load %arg9[%swap3A_231, %swap3A_232] {strides = array<i32>} : memref<64x128xf32, #tpu.memory_space<vmem>>, vector<1x16xf32>,
      %swap3A_234 = vector.shape_cast %swap3A_233 : vector<1x16xf32> to vector<16xf32>
      %swap3A_235 = vector.shape_cast %broadcast_in_dim3A_230 : vector<16xf32> to vector<1x16xf32>
      tpu.vector_store %arg9[%swap3A_231, %swap3A_232], %swap3A_235 {strides = array<i32>} : memref<64x128xf32, #tpu.memory_space<vmem>>, vector<1x16xf32>,
      %broadcast_in_dim3A_236 = arith.constant 0.000000e+00 : f32
      %broadcast_in_dim3A_237 = vector.broadcast %broadcast_in_dim3A_236 : f32 to vector<16xf32>
      %swap3A_238 = arith.index_cast %scan3A_26 : i32 to index
      %swap3A_239 = arith.constant 96 : index
      %swap3A_240 = tpu.vector_load %arg9[%swap3A_238, %swap3A_239] {strides = array<i32>} : memref<64x128xf32, #tpu.memory_space<vmem>>, vector<1x16xf32>,
      %swap3A_241 = vector.shape_cast %swap3A_240 : vector<1x16xf32> to vector<16xf32>
      %swap3A_242 = vector.shape_cast %broadcast_in_dim3A_237 : vector<16xf32> to vector<1x16xf32>
      tpu.vector_store %arg9[%swap3A_238, %swap3A_239], %swap3A_242 {strides = array<i32>} : memref<64x128xf32, #tpu.memory_space<vmem>>, vector<1x16xf32>,
      %broadcast_in_dim3A_243 = arith.constant 0.000000e+00 : f32
      %broadcast_in_dim3A_244 = vector.broadcast %broadcast_in_dim3A_243 : f32 to vector<16xf32>
      %swap3A_245 = arith.index_cast %scan3A_26 : i32 to index
      %swap3A_246 = arith.constant 112 : index
      %swap3A_247 = tpu.vector_load %arg9[%swap3A_245, %swap3A_246] {strides = array<i32>} : memref<64x128xf32, #tpu.memory_space<vmem>>, vector<1x16xf32>,
      %swap3A_248 = vector.shape_cast %swap3A_247 : vector<1x16xf32> to vector<16xf32>
      %swap3A_249 = vector.shape_cast %broadcast_in_dim3A_244 : vector<16xf32> to vector<1x16xf32>
      tpu.vector_store %arg9[%swap3A_245, %swap3A_246], %swap3A_249 {strides = array<i32>} : memref<64x128xf32, #tpu.memory_space<vmem>>, vector<1x16xf32>,
      %scan3A_250 = arith.constant 0 : i32
      scf.yield %scan3A_250 : i32
    }
    %scan3A_6 = arith.constant 64 : i32
    %scan3A_7 = arith.constant 0 : i32
    %scan3A_8 = arith.constant 0 : i32
    %scan3A_9 = arith.constant 10 : i32
    %scan3A_10 = arith.addi %scan3A_8, %scan3A_9 : i32
    %scan3A_11 = arith.constant 1 : i32
    %scan3A_12 = scf.for %scan3A_26 = %scan3A_8 to %scan3A_10 step %scan3A_11 iter_args(%scan3A_27 = %scan3A_7) -> (i32)  : i32 {
      %mul3A_28 = arith.constant 640 : i32
      %mul3A_29 = arith.muli %arg1, %mul3A_28 : i32
      %mul3A_30 = arith.constant 64 : i32
      %mul3A_31 = arith.muli %scan3A_26, %mul3A_30 : i32
      %add3A_32 = arith.addi %mul3A_29, %mul3A_31 : i32
      "tpu.region"() ({
        %run_scoped3A = tpu.sem_alloc : memref<!tpu.dma_semaphore, #tpu.memory_space<semaphore_mem>>
        %dma_start3A = arith.constant 0 : i32
        %dma_start3A_34 = tpu.memref_slice %arg12[%add3A_32, %dma_start3A] : memref<10240x128xf32, #tpu.memory_space<vmem_shared>> -> memref<64x128xf32, #tpu.memory_space<vmem_shared>>
        %dma_start3A_35 = arith.constant 0 : i32
        %dma_start3A_36 = tpu.memref_slice %arg12[%add3A_32, %dma_start3A_35] : memref<10240x128xf32, #tpu.memory_space<vmem_shared>> -> memref<64x128xf32, #tpu.memory_space<vmem_shared>>
        tpu.enqueue_dma source(%arg6 : memref<64x128xf32, #tpu.memory_space<vmem>>) target(%dma_start3A_36 : memref<64x128xf32, #tpu.memory_space<vmem_shared>>) target_semaphore(%run_scoped3A : memref<!tpu.dma_semaphore, #tpu.memory_space<semaphore_mem>>)
        %dma_wait3A = arith.constant 0 : i32
        %dma_wait3A_37 = tpu.memref_slice %arg12[%add3A_32, %dma_wait3A] : memref<10240x128xf32, #tpu.memory_space<vmem_shared>> -> memref<64x128xf32, #tpu.memory_space<vmem_shared>>
        %dma_wait3A_38 = arith.constant 0 : i32
        %dma_wait3A_39 = tpu.memref_slice %arg12[%add3A_32, %dma_wait3A_38] : memref<10240x128xf32, #tpu.memory_space<vmem_shared>> -> memref<64x128xf32, #tpu.memory_space<vmem_shared>>
        tpu.wait_dma2 semaphore(%run_scoped3A : memref<!tpu.dma_semaphore, #tpu.memory_space<semaphore_mem>>) src(%arg6 : memref<64x128xf32, #tpu.memory_space<vmem>>) dst(%dma_wait3A_39 : memref<64x128xf32, #tpu.memory_space<vmem_shared>>)
        tpu.yield
      }) : () -> ()
      %scan3A_33 = arith.constant 0 : i32
      scf.yield %scan3A_33 : i32
    }
    %scan3A_13 = arith.constant 10 : i32
    %barrier3A = arith.constant 0 : index
    tpu.barrier barrier_id(%barrier3A)
    %scan3A_14 = arith.constant 0 : i32
    %scan3A_15 = arith.constant 0 : i32
    %scan3A_16 = arith.constant 5 : i32
    %scan3A_17 = arith.addi %scan3A_15, %scan3A_16 : i32
    %scan3A_18 = arith.constant 1 : i32
    %scan3A_19 = scf.for %scan3A_26 = %scan3A_15 to %scan3A_17 step %scan3A_18 iter_args(%scan3A_27 = %scan3A_14) -> (i32)  : i32 {
      %mul3A_28 = arith.constant 32 : i32
      %mul3A_29 = arith.muli %scan3A_26, %mul3A_28 : i32
      "tpu.region"() ({
        %run_scoped3A = tpu.sem_alloc : memref<!tpu.dma_semaphore, #tpu.memory_space<semaphore_mem>>
        %dma_start3A_87 = arith.constant 0 : i32
        %dma_start3A_88 = tpu.memref_slice %arg3[%add3A, %mul3A_29, %dma_start3A_87] : memref<32x160x64xi32, #tpu.memory_space<hbm>> -> memref<1x32x64xi32, #tpu.memory_space<hbm>>
        %dma_start3A_89 = tpu.memref_squeeze %dma_start3A_88 : memref<1x32x64xi32, #tpu.memory_space<hbm>> -> memref<32x64xi32, #tpu.memory_space<hbm>>
        %dma_start3A_90 = arith.constant 0 : i32
        %dma_start3A_91 = tpu.memref_slice %arg3[%add3A, %mul3A_29, %dma_start3A_90] : memref<32x160x64xi32, #tpu.memory_space<hbm>> -> memref<1x32x64xi32, #tpu.memory_space<hbm>>
        %dma_start3A_92 = tpu.memref_squeeze %dma_start3A_91 : memref<1x32x64xi32, #tpu.memory_space<hbm>> -> memref<32x64xi32, #tpu.memory_space<hbm>>
        tpu.enqueue_dma source(%dma_start3A_92 : memref<32x64xi32, #tpu.memory_space<hbm>>) target(%arg10 : memref<32x64xi32, #tpu.memory_space<vmem>>) target_semaphore(%run_scoped3A : memref<!tpu.dma_semaphore, #tpu.memory_space<semaphore_mem>>)
        %dma_wait3A_93 = arith.constant 0 : i32
        %dma_wait3A_94 = tpu.memref_slice %arg3[%add3A, %mul3A_29, %dma_wait3A_93] : memref<32x160x64xi32, #tpu.memory_space<hbm>> -> memref<1x32x64xi32, #tpu.memory_space<hbm>>
        %dma_wait3A_95 = tpu.memref_squeeze %dma_wait3A_94 : memref<1x32x64xi32, #tpu.memory_space<hbm>> -> memref<32x64xi32, #tpu.memory_space<hbm>>
        %dma_wait3A_96 = arith.constant 0 : i32
        %dma_wait3A_97 = tpu.memref_slice %arg3[%add3A, %mul3A_29, %dma_wait3A_96] : memref<32x160x64xi32, #tpu.memory_space<hbm>> -> memref<1x32x64xi32, #tpu.memory_space<hbm>>
        %dma_wait3A_98 = tpu.memref_squeeze %dma_wait3A_97 : memref<1x32x64xi32, #tpu.memory_space<hbm>> -> memref<32x64xi32, #tpu.memory_space<hbm>>
        tpu.wait_dma2 semaphore(%run_scoped3A : memref<!tpu.dma_semaphore, #tpu.memory_space<semaphore_mem>>) src(%dma_wait3A_98 : memref<32x64xi32, #tpu.memory_space<hbm>>) dst(%arg10 : memref<32x64xi32, #tpu.memory_space<vmem>>)
        tpu.yield
      }) : () -> ()
      %mul3A_30 = arith.constant 32 : i32
      %mul3A_31 = arith.muli %scan3A_26, %mul3A_30 : i32
      "tpu.region"() ({
        %run_scoped3A = tpu.sem_alloc : memref<!tpu.dma_semaphore, #tpu.memory_space<semaphore_mem>>
        %dma_start3A_87 = arith.constant 0 : i32
        %dma_start3A_88 = tpu.memref_slice %arg4[%add3A, %mul3A_31, %dma_start3A_87] : memref<32x160x64xi32, #tpu.memory_space<hbm>> -> memref<1x32x64xi32, #tpu.memory_space<hbm>>
        %dma_start3A_89 = tpu.memref_squeeze %dma_start3A_88 : memref<1x32x64xi32, #tpu.memory_space<hbm>> -> memref<32x64xi32, #tpu.memory_space<hbm>>
        %dma_start3A_90 = arith.constant 0 : i32
        %dma_start3A_91 = tpu.memref_slice %arg4[%add3A, %mul3A_31, %dma_start3A_90] : memref<32x160x64xi32, #tpu.memory_space<hbm>> -> memref<1x32x64xi32, #tpu.memory_space<hbm>>
        %dma_start3A_92 = tpu.memref_squeeze %dma_start3A_91 : memref<1x32x64xi32, #tpu.memory_space<hbm>> -> memref<32x64xi32, #tpu.memory_space<hbm>>
        tpu.enqueue_dma source(%dma_start3A_92 : memref<32x64xi32, #tpu.memory_space<hbm>>) target(%arg11 : memref<32x64xi32, #tpu.memory_space<vmem>>) target_semaphore(%run_scoped3A : memref<!tpu.dma_semaphore, #tpu.memory_space<semaphore_mem>>)
        %dma_wait3A_93 = arith.constant 0 : i32
        %dma_wait3A_94 = tpu.memref_slice %arg4[%add3A, %mul3A_31, %dma_wait3A_93] : memref<32x160x64xi32, #tpu.memory_space<hbm>> -> memref<1x32x64xi32, #tpu.memory_space<hbm>>
        %dma_wait3A_95 = tpu.memref_squeeze %dma_wait3A_94 : memref<1x32x64xi32, #tpu.memory_space<hbm>> -> memref<32x64xi32, #tpu.memory_space<hbm>>
        %dma_wait3A_96 = arith.constant 0 : i32
        %dma_wait3A_97 = tpu.memref_slice %arg4[%add3A, %mul3A_31, %dma_wait3A_96] : memref<32x160x64xi32, #tpu.memory_space<hbm>> -> memref<1x32x64xi32, #tpu.memory_space<hbm>>
        %dma_wait3A_98 = tpu.memref_squeeze %dma_wait3A_97 : memref<1x32x64xi32, #tpu.memory_space<hbm>> -> memref<32x64xi32, #tpu.memory_space<hbm>>
        tpu.wait_dma2 semaphore(%run_scoped3A : memref<!tpu.dma_semaphore, #tpu.memory_space<semaphore_mem>>) src(%dma_wait3A_98 : memref<32x64xi32, #tpu.memory_space<hbm>>) dst(%arg11 : memref<32x64xi32, #tpu.memory_space<vmem>>)
        tpu.yield
      }) : () -> ()
      %dma_start3A = arith.constant 0 : i32
      %dma_start3A_32 = arith.constant 0 : i32
      %dma_start3A_33 = tpu.memref_slice %arg10[%dma_start3A, %dma_start3A_32] : memref<32x64xi32, #tpu.memory_space<vmem>> -> memref<1x64xi32, #tpu.memory_space<vmem>>
      %dma_start3A_34 = tpu.memref_squeeze %dma_start3A_33 : memref<1x64xi32, #tpu.memory_space<vmem>> -> memref<64xi32, #tpu.memory_space<vmem>>
      %dma_start3A_35 = arith.constant 0 : i32
      %dma_start3A_36 = arith.constant 0 : i32
      %dma_start3A_37 = tpu.memref_slice %arg2[%dma_start3A_35, %dma_start3A_36] : memref<10240x128xf32, #tpu.memory_space<hbm>> -> memref<10240x128xf32, #tpu.memory_space<hbm>>
      tpu.enqueue_indirect_dma source(%dma_start3A_37 : memref<10240x128xf32, #tpu.memory_space<hbm>>) target(%arg6 : memref<64x128xf32, #tpu.memory_space<vmem>>) offsets(%dma_start3A_34 : memref<64xi32, #tpu.memory_space<vmem>>) semaphore(%arg13 : memref<!tpu.dma_semaphore, #tpu.memory_space<semaphore_mem>>)
      %dma_start3A_38 = arith.constant 1 : i32
      %dma_start3A_39 = arith.constant 0 : i32
      %dma_start3A_40 = tpu.memref_slice %arg10[%dma_start3A_38, %dma_start3A_39] : memref<32x64xi32, #tpu.memory_space<vmem>> -> memref<1x64xi32, #tpu.memory_space<vmem>>
      %dma_start3A_41 = tpu.memref_squeeze %dma_start3A_40 : memref<1x64xi32, #tpu.memory_space<vmem>> -> memref<64xi32, #tpu.memory_space<vmem>>
      %dma_start3A_42 = arith.constant 0 : i32
      %dma_start3A_43 = arith.constant 0 : i32
      %dma_start3A_44 = tpu.memref_slice %arg2[%dma_start3A_42, %dma_start3A_43] : memref<10240x128xf32, #tpu.memory_space<hbm>> -> memref<10240x128xf32, #tpu.memory_space<hbm>>
      tpu.enqueue_indirect_dma source(%dma_start3A_44 : memref<10240x128xf32, #tpu.memory_space<hbm>>) target(%arg7 : memref<64x128xf32, #tpu.memory_space<vmem>>) offsets(%dma_start3A_41 : memref<64xi32, #tpu.memory_space<vmem>>) semaphore(%arg14 : memref<!tpu.dma_semaphore, #tpu.memory_space<semaphore_mem>>)
      %dma_start3A_45 = arith.constant 2 : i32
      %dma_start3A_46 = arith.constant 0 : i32
      %dma_start3A_47 = tpu.memref_slice %arg10[%dma_start3A_45, %dma_start3A_46] : memref<32x64xi32, #tpu.memory_space<vmem>> -> memref<1x64xi32, #tpu.memory_space<vmem>>
      %dma_start3A_48 = tpu.memref_squeeze %dma_start3A_47 : memref<1x64xi32, #tpu.memory_space<vmem>> -> memref<64xi32, #tpu.memory_space<vmem>>
      %dma_start3A_49 = arith.constant 0 : i32
      %dma_start3A_50 = arith.constant 0 : i32
      %dma_start3A_51 = tpu.memref_slice %arg2[%dma_start3A_49, %dma_start3A_50] : memref<10240x128xf32, #tpu.memory_space<hbm>> -> memref<10240x128xf32, #tpu.memory_space<hbm>>
      tpu.enqueue_indirect_dma source(%dma_start3A_51 : memref<10240x128xf32, #tpu.memory_space<hbm>>) target(%arg8 : memref<64x128xf32, #tpu.memory_space<vmem>>) offsets(%dma_start3A_48 : memref<64xi32, #tpu.memory_space<vmem>>) semaphore(%arg15 : memref<!tpu.dma_semaphore, #tpu.memory_space<semaphore_mem>>)
      %scan3A_52 = arith.constant 0 : i32
      %scan3A_53 = arith.constant 0 : i32
      %scan3A_54 = arith.constant 8 : i32
      %scan3A_55 = arith.addi %scan3A_53, %scan3A_54 : i32
      %scan3A_56 = arith.constant 1 : i32
      %scan3A_57 = scf.for %scan3A_87 = %scan3A_53 to %scan3A_55 step %scan3A_56 iter_args(%scan3A_88 = %scan3A_52) -> (i32)  : i32 {
        %mul3A_89 = arith.constant 4 : i32
        %mul3A_90 = arith.muli %scan3A_87, %mul3A_89 : i32
        %add3A_91 = arith.constant 0 : i32
        %add3A_92 = arith.addi %mul3A_90, %add3A_91 : i32
        %dma_wait3A_93 = arith.constant 0 : i32
        %dma_wait3A_94 = tpu.memref_slice %arg10[%add3A_92, %dma_wait3A_93] : memref<32x64xi32, #tpu.memory_space<vmem>> -> memref<1x64xi32, #tpu.memory_space<vmem>>
        %dma_wait3A_95 = tpu.memref_squeeze %dma_wait3A_94 : memref<1x64xi32, #tpu.memory_space<vmem>> -> memref<64xi32, #tpu.memory_space<vmem>>
        %dma_wait3A_96 = arith.constant 0 : i32
        %dma_wait3A_97 = arith.constant 0 : i32
        %dma_wait3A_98 = tpu.memref_slice %arg2[%dma_wait3A_96, %dma_wait3A_97] : memref<10240x128xf32, #tpu.memory_space<hbm>> -> memref<10240x128xf32, #tpu.memory_space<hbm>>
        tpu.wait_indirect_dma semaphore(%arg13 : memref<!tpu.dma_semaphore, #tpu.memory_space<semaphore_mem>>) src(%dma_wait3A_98 : memref<10240x128xf32, #tpu.memory_space<hbm>>) dst(%arg6 : memref<64x128xf32, #tpu.memory_space<vmem>>)
        %dma_start3A_99 = arith.constant 0 : i32
        %dma_start3A_100 = tpu.memref_slice %arg11[%add3A_92, %dma_start3A_99] : memref<32x64xi32, #tpu.memory_space<vmem>> -> memref<1x64xi32, #tpu.memory_space<vmem>>
        %dma_start3A_101 = tpu.memref_squeeze %dma_start3A_100 : memref<1x64xi32, #tpu.memory_space<vmem>> -> memref<64xi32, #tpu.memory_space<vmem>>
        %dma_start3A_102 = arith.constant 0 : i32
        %dma_start3A_103 = arith.constant 0 : i32
        %dma_start3A_104 = tpu.memref_slice %arg12[%dma_start3A_102, %dma_start3A_103] : memref<10240x128xf32, #tpu.memory_space<vmem_shared>> -> memref<10240x128xf32, #tpu.memory_space<vmem_shared>>
        tpu.enqueue_indirect_dma source(%arg6 : memref<64x128xf32, #tpu.memory_space<vmem>>) target(%dma_start3A_104 : memref<10240x128xf32, #tpu.memory_space<vmem_shared>>) offsets(%dma_start3A_101 : memref<64xi32, #tpu.memory_space<vmem>>) semaphore(%arg17 : memref<!tpu.dma_semaphore, #tpu.memory_space<semaphore_mem>>) {add = true}
        %add3A_105 = arith.constant 4 : i32
        %add3A_106 = arith.addi %add3A_92, %add3A_105 : i32
        %sub3A = arith.constant 1 : i32
        %sub3A_107 = arith.subi %add3A_106, %sub3A : i32
        %lt3A = arith.constant 32 : i32
        %lt3A_108 = arith.cmpi slt, %sub3A_107, %lt3A : i32
        %convert_element_type3A = arith.extui %lt3A_108 : i1 to i32
        %cond3A = arith.constant 0 : i32
        %cond3A_109 = arith.cmpi ne, %convert_element_type3A, %cond3A : i32
        scf.if %cond3A_109 {
          %gt3A = arith.constant 0 : i32
          %gt3A_186 = arith.cmpi sgt, %add3A_92, %gt3A : i32
          %convert_element_type3A_187 = arith.extui %gt3A_186 : i1 to i32
          %cond3A_188 = arith.constant 0 : i32
          %cond3A_189 = arith.cmpi ne, %convert_element_type3A_187, %cond3A_188 : i32
          scf.if %cond3A_189 {
            %sub3A_200 = arith.constant 1 : i32
            %sub3A_201 = arith.subi %add3A_92, %sub3A_200 : i32
            %dma_wait3A_202 = arith.constant 0 : i32
            %dma_wait3A_203 = tpu.memref_slice %arg11[%sub3A_201, %dma_wait3A_202] : memref<32x64xi32, #tpu.memory_space<vmem>> -> memref<1x64xi32, #tpu.memory_space<vmem>>
            %dma_wait3A_204 = tpu.memref_squeeze %dma_wait3A_203 : memref<1x64xi32, #tpu.memory_space<vmem>> -> memref<64xi32, #tpu.memory_space<vmem>>
            %dma_wait3A_205 = arith.constant 0 : i32
            %dma_wait3A_206 = arith.constant 0 : i32
            %dma_wait3A_207 = tpu.memref_slice %arg12[%dma_wait3A_205, %dma_wait3A_206] : memref<10240x128xf32, #tpu.memory_space<vmem_shared>> -> memref<10240x128xf32, #tpu.memory_space<vmem_shared>>
            tpu.wait_indirect_dma semaphore(%arg20 : memref<!tpu.dma_semaphore, #tpu.memory_space<semaphore_mem>>) src(%arg9 : memref<64x128xf32, #tpu.memory_space<vmem>>) dst(%dma_wait3A_207 : memref<10240x128xf32, #tpu.memory_space<vmem_shared>>)
          } else {
          }
          %add3A_190 = arith.constant 4 : i32
          %add3A_191 = arith.addi %add3A_92, %add3A_190 : i32
          %sub3A_192 = arith.constant 1 : i32
          %sub3A_193 = arith.subi %add3A_191, %sub3A_192 : i32
          %dma_start3A_194 = arith.constant 0 : i32
          %dma_start3A_195 = tpu.memref_slice %arg10[%sub3A_193, %dma_start3A_194] : memref<32x64xi32, #tpu.memory_space<vmem>> -> memref<1x64xi32, #tpu.memory_space<vmem>>
          %dma_start3A_196 = tpu.memref_squeeze %dma_start3A_195 : memref<1x64xi32, #tpu.memory_space<vmem>> -> memref<64xi32, #tpu.memory_space<vmem>>
          %dma_start3A_197 = arith.constant 0 : i32
          %dma_start3A_198 = arith.constant 0 : i32
          %dma_start3A_199 = tpu.memref_slice %arg2[%dma_start3A_197, %dma_start3A_198] : memref<10240x128xf32, #tpu.memory_space<hbm>> -> memref<10240x128xf32, #tpu.memory_space<hbm>>
          tpu.enqueue_indirect_dma source(%dma_start3A_199 : memref<10240x128xf32, #tpu.memory_space<hbm>>) target(%arg9 : memref<64x128xf32, #tpu.memory_space<vmem>>) offsets(%dma_start3A_196 : memref<64xi32, #tpu.memory_space<vmem>>) semaphore(%arg16 : memref<!tpu.dma_semaphore, #tpu.memory_space<semaphore_mem>>)
        } else {
        }
        %mul3A_110 = arith.constant 4 : i32
        %mul3A_111 = arith.muli %scan3A_87, %mul3A_110 : i32
        %add3A_112 = arith.constant 1 : i32
        %add3A_113 = arith.addi %mul3A_111, %add3A_112 : i32
        %dma_wait3A_114 = arith.constant 0 : i32
        %dma_wait3A_115 = tpu.memref_slice %arg10[%add3A_113, %dma_wait3A_114] : memref<32x64xi32, #tpu.memory_space<vmem>> -> memref<1x64xi32, #tpu.memory_space<vmem>>
        %dma_wait3A_116 = tpu.memref_squeeze %dma_wait3A_115 : memref<1x64xi32, #tpu.memory_space<vmem>> -> memref<64xi32, #tpu.memory_space<vmem>>
        %dma_wait3A_117 = arith.constant 0 : i32
        %dma_wait3A_118 = arith.constant 0 : i32
        %dma_wait3A_119 = tpu.memref_slice %arg2[%dma_wait3A_117, %dma_wait3A_118] : memref<10240x128xf32, #tpu.memory_space<hbm>> -> memref<10240x128xf32, #tpu.memory_space<hbm>>
        tpu.wait_indirect_dma semaphore(%arg14 : memref<!tpu.dma_semaphore, #tpu.memory_space<semaphore_mem>>) src(%dma_wait3A_119 : memref<10240x128xf32, #tpu.memory_space<hbm>>) dst(%arg7 : memref<64x128xf32, #tpu.memory_space<vmem>>)
        %dma_start3A_120 = arith.constant 0 : i32
        %dma_start3A_121 = tpu.memref_slice %arg11[%add3A_113, %dma_start3A_120] : memref<32x64xi32, #tpu.memory_space<vmem>> -> memref<1x64xi32, #tpu.memory_space<vmem>>
        %dma_start3A_122 = tpu.memref_squeeze %dma_start3A_121 : memref<1x64xi32, #tpu.memory_space<vmem>> -> memref<64xi32, #tpu.memory_space<vmem>>
        %dma_start3A_123 = arith.constant 0 : i32
        %dma_start3A_124 = arith.constant 0 : i32
        %dma_start3A_125 = tpu.memref_slice %arg12[%dma_start3A_123, %dma_start3A_124] : memref<10240x128xf32, #tpu.memory_space<vmem_shared>> -> memref<10240x128xf32, #tpu.memory_space<vmem_shared>>
        tpu.enqueue_indirect_dma source(%arg7 : memref<64x128xf32, #tpu.memory_space<vmem>>) target(%dma_start3A_125 : memref<10240x128xf32, #tpu.memory_space<vmem_shared>>) offsets(%dma_start3A_122 : memref<64xi32, #tpu.memory_space<vmem>>) semaphore(%arg18 : memref<!tpu.dma_semaphore, #tpu.memory_space<semaphore_mem>>) {add = true}
        %add3A_126 = arith.constant 4 : i32
        %add3A_127 = arith.addi %add3A_113, %add3A_126 : i32
        %sub3A_128 = arith.constant 1 : i32
        %sub3A_129 = arith.subi %add3A_127, %sub3A_128 : i32
        %lt3A_130 = arith.constant 32 : i32
        %lt3A_131 = arith.cmpi slt, %sub3A_129, %lt3A_130 : i32
        %convert_element_type3A_132 = arith.extui %lt3A_131 : i1 to i32
        %cond3A_133 = arith.constant 0 : i32
        %cond3A_134 = arith.cmpi ne, %convert_element_type3A_132, %cond3A_133 : i32
        scf.if %cond3A_134 {
          %gt3A = arith.constant 0 : i32
          %gt3A_186 = arith.cmpi sgt, %add3A_113, %gt3A : i32
          %convert_element_type3A_187 = arith.extui %gt3A_186 : i1 to i32
          %cond3A_188 = arith.constant 0 : i32
          %cond3A_189 = arith.cmpi ne, %convert_element_type3A_187, %cond3A_188 : i32
          scf.if %cond3A_189 {
            %sub3A_200 = arith.constant 1 : i32
            %sub3A_201 = arith.subi %add3A_113, %sub3A_200 : i32
            %dma_wait3A_202 = arith.constant 0 : i32
            %dma_wait3A_203 = tpu.memref_slice %arg11[%sub3A_201, %dma_wait3A_202] : memref<32x64xi32, #tpu.memory_space<vmem>> -> memref<1x64xi32, #tpu.memory_space<vmem>>
            %dma_wait3A_204 = tpu.memref_squeeze %dma_wait3A_203 : memref<1x64xi32, #tpu.memory_space<vmem>> -> memref<64xi32, #tpu.memory_space<vmem>>
            %dma_wait3A_205 = arith.constant 0 : i32
            %dma_wait3A_206 = arith.constant 0 : i32
            %dma_wait3A_207 = tpu.memref_slice %arg12[%dma_wait3A_205, %dma_wait3A_206] : memref<10240x128xf32, #tpu.memory_space<vmem_shared>> -> memref<10240x128xf32, #tpu.memory_space<vmem_shared>>
            tpu.wait_indirect_dma semaphore(%arg17 : memref<!tpu.dma_semaphore, #tpu.memory_space<semaphore_mem>>) src(%arg6 : memref<64x128xf32, #tpu.memory_space<vmem>>) dst(%dma_wait3A_207 : memref<10240x128xf32, #tpu.memory_space<vmem_shared>>)
          } else {
          }
          %add3A_190 = arith.constant 4 : i32
          %add3A_191 = arith.addi %add3A_113, %add3A_190 : i32
          %sub3A_192 = arith.constant 1 : i32
          %sub3A_193 = arith.subi %add3A_191, %sub3A_192 : i32
          %dma_start3A_194 = arith.constant 0 : i32
          %dma_start3A_195 = tpu.memref_slice %arg10[%sub3A_193, %dma_start3A_194] : memref<32x64xi32, #tpu.memory_space<vmem>> -> memref<1x64xi32, #tpu.memory_space<vmem>>
          %dma_start3A_196 = tpu.memref_squeeze %dma_start3A_195 : memref<1x64xi32, #tpu.memory_space<vmem>> -> memref<64xi32, #tpu.memory_space<vmem>>
          %dma_start3A_197 = arith.constant 0 : i32
          %dma_start3A_198 = arith.constant 0 : i32
          %dma_start3A_199 = tpu.memref_slice %arg2[%dma_start3A_197, %dma_start3A_198] : memref<10240x128xf32, #tpu.memory_space<hbm>> -> memref<10240x128xf32, #tpu.memory_space<hbm>>
          tpu.enqueue_indirect_dma source(%dma_start3A_199 : memref<10240x128xf32, #tpu.memory_space<hbm>>) target(%arg6 : memref<64x128xf32, #tpu.memory_space<vmem>>) offsets(%dma_start3A_196 : memref<64xi32, #tpu.memory_space<vmem>>) semaphore(%arg13 : memref<!tpu.dma_semaphore, #tpu.memory_space<semaphore_mem>>)
        } else {
        }
        %mul3A_135 = arith.constant 4 : i32
        %mul3A_136 = arith.muli %scan3A_87, %mul3A_135 : i32
        %add3A_137 = arith.constant 2 : i32
        %add3A_138 = arith.addi %mul3A_136, %add3A_137 : i32
        %dma_wait3A_139 = arith.constant 0 : i32
        %dma_wait3A_140 = tpu.memref_slice %arg10[%add3A_138, %dma_wait3A_139] : memref<32x64xi32, #tpu.memory_space<vmem>> -> memref<1x64xi32, #tpu.memory_space<vmem>>
        %dma_wait3A_141 = tpu.memref_squeeze %dma_wait3A_140 : memref<1x64xi32, #tpu.memory_space<vmem>> -> memref<64xi32, #tpu.memory_space<vmem>>
        %dma_wait3A_142 = arith.constant 0 : i32
        %dma_wait3A_143 = arith.constant 0 : i32
        %dma_wait3A_144 = tpu.memref_slice %arg2[%dma_wait3A_142, %dma_wait3A_143] : memref<10240x128xf32, #tpu.memory_space<hbm>> -> memref<10240x128xf32, #tpu.memory_space<hbm>>
        tpu.wait_indirect_dma semaphore(%arg15 : memref<!tpu.dma_semaphore, #tpu.memory_space<semaphore_mem>>) src(%dma_wait3A_144 : memref<10240x128xf32, #tpu.memory_space<hbm>>) dst(%arg8 : memref<64x128xf32, #tpu.memory_space<vmem>>)
        %dma_start3A_145 = arith.constant 0 : i32
        %dma_start3A_146 = tpu.memref_slice %arg11[%add3A_138, %dma_start3A_145] : memref<32x64xi32, #tpu.memory_space<vmem>> -> memref<1x64xi32, #tpu.memory_space<vmem>>
        %dma_start3A_147 = tpu.memref_squeeze %dma_start3A_146 : memref<1x64xi32, #tpu.memory_space<vmem>> -> memref<64xi32, #tpu.memory_space<vmem>>
        %dma_start3A_148 = arith.constant 0 : i32
        %dma_start3A_149 = arith.constant 0 : i32
        %dma_start3A_150 = tpu.memref_slice %arg12[%dma_start3A_148, %dma_start3A_149] : memref<10240x128xf32, #tpu.memory_space<vmem_shared>> -> memref<10240x128xf32, #tpu.memory_space<vmem_shared>>
        tpu.enqueue_indirect_dma source(%arg8 : memref<64x128xf32, #tpu.memory_space<vmem>>) target(%dma_start3A_150 : memref<10240x128xf32, #tpu.memory_space<vmem_shared>>) offsets(%dma_start3A_147 : memref<64xi32, #tpu.memory_space<vmem>>) semaphore(%arg19 : memref<!tpu.dma_semaphore, #tpu.memory_space<semaphore_mem>>) {add = true}
        %add3A_151 = arith.constant 4 : i32
        %add3A_152 = arith.addi %add3A_138, %add3A_151 : i32
        %sub3A_153 = arith.constant 1 : i32
        %sub3A_154 = arith.subi %add3A_152, %sub3A_153 : i32
        %lt3A_155 = arith.constant 32 : i32
        %lt3A_156 = arith.cmpi slt, %sub3A_154, %lt3A_155 : i32
        %convert_element_type3A_157 = arith.extui %lt3A_156 : i1 to i32
        %cond3A_158 = arith.constant 0 : i32
        %cond3A_159 = arith.cmpi ne, %convert_element_type3A_157, %cond3A_158 : i32
        scf.if %cond3A_159 {
          %gt3A = arith.constant 0 : i32
          %gt3A_186 = arith.cmpi sgt, %add3A_138, %gt3A : i32
          %convert_element_type3A_187 = arith.extui %gt3A_186 : i1 to i32
          %cond3A_188 = arith.constant 0 : i32
          %cond3A_189 = arith.cmpi ne, %convert_element_type3A_187, %cond3A_188 : i32
          scf.if %cond3A_189 {
            %sub3A_200 = arith.constant 1 : i32
            %sub3A_201 = arith.subi %add3A_138, %sub3A_200 : i32
            %dma_wait3A_202 = arith.constant 0 : i32
            %dma_wait3A_203 = tpu.memref_slice %arg11[%sub3A_201, %dma_wait3A_202] : memref<32x64xi32, #tpu.memory_space<vmem>> -> memref<1x64xi32, #tpu.memory_space<vmem>>
            %dma_wait3A_204 = tpu.memref_squeeze %dma_wait3A_203 : memref<1x64xi32, #tpu.memory_space<vmem>> -> memref<64xi32, #tpu.memory_space<vmem>>
            %dma_wait3A_205 = arith.constant 0 : i32
            %dma_wait3A_206 = arith.constant 0 : i32
            %dma_wait3A_207 = tpu.memref_slice %arg12[%dma_wait3A_205, %dma_wait3A_206] : memref<10240x128xf32, #tpu.memory_space<vmem_shared>> -> memref<10240x128xf32, #tpu.memory_space<vmem_shared>>
            tpu.wait_indirect_dma semaphore(%arg18 : memref<!tpu.dma_semaphore, #tpu.memory_space<semaphore_mem>>) src(%arg7 : memref<64x128xf32, #tpu.memory_space<vmem>>) dst(%dma_wait3A_207 : memref<10240x128xf32, #tpu.memory_space<vmem_shared>>)
          } else {
          }
          %add3A_190 = arith.constant 4 : i32
          %add3A_191 = arith.addi %add3A_138, %add3A_190 : i32
          %sub3A_192 = arith.constant 1 : i32
          %sub3A_193 = arith.subi %add3A_191, %sub3A_192 : i32
          %dma_start3A_194 = arith.constant 0 : i32
          %dma_start3A_195 = tpu.memref_slice %arg10[%sub3A_193, %dma_start3A_194] : memref<32x64xi32, #tpu.memory_space<vmem>> -> memref<1x64xi32, #tpu.memory_space<vmem>>
          %dma_start3A_196 = tpu.memref_squeeze %dma_start3A_195 : memref<1x64xi32, #tpu.memory_space<vmem>> -> memref<64xi32, #tpu.memory_space<vmem>>
          %dma_start3A_197 = arith.constant 0 : i32
          %dma_start3A_198 = arith.constant 0 : i32
          %dma_start3A_199 = tpu.memref_slice %arg2[%dma_start3A_197, %dma_start3A_198] : memref<10240x128xf32, #tpu.memory_space<hbm>> -> memref<10240x128xf32, #tpu.memory_space<hbm>>
          tpu.enqueue_indirect_dma source(%dma_start3A_199 : memref<10240x128xf32, #tpu.memory_space<hbm>>) target(%arg7 : memref<64x128xf32, #tpu.memory_space<vmem>>) offsets(%dma_start3A_196 : memref<64xi32, #tpu.memory_space<vmem>>) semaphore(%arg14 : memref<!tpu.dma_semaphore, #tpu.memory_space<semaphore_mem>>)
        } else {
        }
        %mul3A_160 = arith.constant 4 : i32
        %mul3A_161 = arith.muli %scan3A_87, %mul3A_160 : i32
        %add3A_162 = arith.constant 3 : i32
        %add3A_163 = arith.addi %mul3A_161, %add3A_162 : i32
        %dma_wait3A_164 = arith.constant 0 : i32
        %dma_wait3A_165 = tpu.memref_slice %arg10[%add3A_163, %dma_wait3A_164] : memref<32x64xi32, #tpu.memory_space<vmem>> -> memref<1x64xi32, #tpu.memory_space<vmem>>
        %dma_wait3A_166 = tpu.memref_squeeze %dma_wait3A_165 : memref<1x64xi32, #tpu.memory_space<vmem>> -> memref<64xi32, #tpu.memory_space<vmem>>
        %dma_wait3A_167 = arith.constant 0 : i32
        %dma_wait3A_168 = arith.constant 0 : i32
        %dma_wait3A_169 = tpu.memref_slice %arg2[%dma_wait3A_167, %dma_wait3A_168] : memref<10240x128xf32, #tpu.memory_space<hbm>> -> memref<10240x128xf32, #tpu.memory_space<hbm>>
        tpu.wait_indirect_dma semaphore(%arg16 : memref<!tpu.dma_semaphore, #tpu.memory_space<semaphore_mem>>) src(%dma_wait3A_169 : memref<10240x128xf32, #tpu.memory_space<hbm>>) dst(%arg9 : memref<64x128xf32, #tpu.memory_space<vmem>>)
        %dma_start3A_170 = arith.constant 0 : i32
        %dma_start3A_171 = tpu.memref_slice %arg11[%add3A_163, %dma_start3A_170] : memref<32x64xi32, #tpu.memory_space<vmem>> -> memref<1x64xi32, #tpu.memory_space<vmem>>
        %dma_start3A_172 = tpu.memref_squeeze %dma_start3A_171 : memref<1x64xi32, #tpu.memory_space<vmem>> -> memref<64xi32, #tpu.memory_space<vmem>>
        %dma_start3A_173 = arith.constant 0 : i32
        %dma_start3A_174 = arith.constant 0 : i32
        %dma_start3A_175 = tpu.memref_slice %arg12[%dma_start3A_173, %dma_start3A_174] : memref<10240x128xf32, #tpu.memory_space<vmem_shared>> -> memref<10240x128xf32, #tpu.memory_space<vmem_shared>>
        tpu.enqueue_indirect_dma source(%arg9 : memref<64x128xf32, #tpu.memory_space<vmem>>) target(%dma_start3A_175 : memref<10240x128xf32, #tpu.memory_space<vmem_shared>>) offsets(%dma_start3A_172 : memref<64xi32, #tpu.memory_space<vmem>>) semaphore(%arg20 : memref<!tpu.dma_semaphore, #tpu.memory_space<semaphore_mem>>) {add = true}
        %add3A_176 = arith.constant 4 : i32
        %add3A_177 = arith.addi %add3A_163, %add3A_176 : i32
        %sub3A_178 = arith.constant 1 : i32
        %sub3A_179 = arith.subi %add3A_177, %sub3A_178 : i32
        %lt3A_180 = arith.constant 32 : i32
        %lt3A_181 = arith.cmpi slt, %sub3A_179, %lt3A_180 : i32
        %convert_element_type3A_182 = arith.extui %lt3A_181 : i1 to i32
        %cond3A_183 = arith.constant 0 : i32
        %cond3A_184 = arith.cmpi ne, %convert_element_type3A_182, %cond3A_183 : i32
        scf.if %cond3A_184 {
          %gt3A = arith.constant 0 : i32
          %gt3A_186 = arith.cmpi sgt, %add3A_163, %gt3A : i32
          %convert_element_type3A_187 = arith.extui %gt3A_186 : i1 to i32
          %cond3A_188 = arith.constant 0 : i32
          %cond3A_189 = arith.cmpi ne, %convert_element_type3A_187, %cond3A_188 : i32
          scf.if %cond3A_189 {
            %sub3A_200 = arith.constant 1 : i32
            %sub3A_201 = arith.subi %add3A_163, %sub3A_200 : i32
            %dma_wait3A_202 = arith.constant 0 : i32
            %dma_wait3A_203 = tpu.memref_slice %arg11[%sub3A_201, %dma_wait3A_202] : memref<32x64xi32, #tpu.memory_space<vmem>> -> memref<1x64xi32, #tpu.memory_space<vmem>>
            %dma_wait3A_204 = tpu.memref_squeeze %dma_wait3A_203 : memref<1x64xi32, #tpu.memory_space<vmem>> -> memref<64xi32, #tpu.memory_space<vmem>>
            %dma_wait3A_205 = arith.constant 0 : i32
            %dma_wait3A_206 = arith.constant 0 : i32
            %dma_wait3A_207 = tpu.memref_slice %arg12[%dma_wait3A_205, %dma_wait3A_206] : memref<10240x128xf32, #tpu.memory_space<vmem_shared>> -> memref<10240x128xf32, #tpu.memory_space<vmem_shared>>
            tpu.wait_indirect_dma semaphore(%arg19 : memref<!tpu.dma_semaphore, #tpu.memory_space<semaphore_mem>>) src(%arg8 : memref<64x128xf32, #tpu.memory_space<vmem>>) dst(%dma_wait3A_207 : memref<10240x128xf32, #tpu.memory_space<vmem_shared>>)
          } else {
          }
          %add3A_190 = arith.constant 4 : i32
          %add3A_191 = arith.addi %add3A_163, %add3A_190 : i32
          %sub3A_192 = arith.constant 1 : i32
          %sub3A_193 = arith.subi %add3A_191, %sub3A_192 : i32
          %dma_start3A_194 = arith.constant 0 : i32
          %dma_start3A_195 = tpu.memref_slice %arg10[%sub3A_193, %dma_start3A_194] : memref<32x64xi32, #tpu.memory_space<vmem>> -> memref<1x64xi32, #tpu.memory_space<vmem>>
          %dma_start3A_196 = tpu.memref_squeeze %dma_start3A_195 : memref<1x64xi32, #tpu.memory_space<vmem>> -> memref<64xi32, #tpu.memory_space<vmem>>
          %dma_start3A_197 = arith.constant 0 : i32
          %dma_start3A_198 = arith.constant 0 : i32
          %dma_start3A_199 = tpu.memref_slice %arg2[%dma_start3A_197, %dma_start3A_198] : memref<10240x128xf32, #tpu.memory_space<hbm>> -> memref<10240x128xf32, #tpu.memory_space<hbm>>
          tpu.enqueue_indirect_dma source(%dma_start3A_199 : memref<10240x128xf32, #tpu.memory_space<hbm>>) target(%arg8 : memref<64x128xf32, #tpu.memory_space<vmem>>) offsets(%dma_start3A_196 : memref<64xi32, #tpu.memory_space<vmem>>) semaphore(%arg15 : memref<!tpu.dma_semaphore, #tpu.memory_space<semaphore_mem>>)
        } else {
        }
        %scan3A_185 = arith.constant 0 : i32
        scf.yield %scan3A_185 : i32
      }
      %scan3A_58 = arith.constant 8 : i32
      %dma_wait3A = arith.constant 28 : i32
      %dma_wait3A_59 = arith.constant 0 : i32
      %dma_wait3A_60 = tpu.memref_slice %arg11[%dma_wait3A, %dma_wait3A_59] : memref<32x64xi32, #tpu.memory_space<vmem>> -> memref<1x64xi32, #tpu.memory_space<vmem>>
      %dma_wait3A_61 = tpu.memref_squeeze %dma_wait3A_60 : memref<1x64xi32, #tpu.memory_space<vmem>> -> memref<64xi32, #tpu.memory_space<vmem>>
      %dma_wait3A_62 = arith.constant 0 : i32
      %dma_wait3A_63 = arith.constant 0 : i32
      %dma_wait3A_64 = tpu.memref_slice %arg12[%dma_wait3A_62, %dma_wait3A_63] : memref<10240x128xf32, #tpu.memory_space<vmem_shared>> -> memref<10240x128xf32, #tpu.memory_space<vmem_shared>>
      tpu.wait_indirect_dma semaphore(%arg17 : memref<!tpu.dma_semaphore, #tpu.memory_space<semaphore_mem>>) src(%arg6 : memref<64x128xf32, #tpu.memory_space<vmem>>) dst(%dma_wait3A_64 : memref<10240x128xf32, #tpu.memory_space<vmem_shared>>)
      %dma_wait3A_65 = arith.constant 29 : i32
      %dma_wait3A_66 = arith.constant 0 : i32
      %dma_wait3A_67 = tpu.memref_slice %arg11[%dma_wait3A_65, %dma_wait3A_66] : memref<32x64xi32, #tpu.memory_space<vmem>> -> memref<1x64xi32, #tpu.memory_space<vmem>>
      %dma_wait3A_68 = tpu.memref_squeeze %dma_wait3A_67 : memref<1x64xi32, #tpu.memory_space<vmem>> -> memref<64xi32, #tpu.memory_space<vmem>>
      %dma_wait3A_69 = arith.constant 0 : i32
      %dma_wait3A_70 = arith.constant 0 : i32
      %dma_wait3A_71 = tpu.memref_slice %arg12[%dma_wait3A_69, %dma_wait3A_70] : memref<10240x128xf32, #tpu.memory_space<vmem_shared>> -> memref<10240x128xf32, #tpu.memory_space<vmem_shared>>
      tpu.wait_indirect_dma semaphore(%arg18 : memref<!tpu.dma_semaphore, #tpu.memory_space<semaphore_mem>>) src(%arg7 : memref<64x128xf32, #tpu.memory_space<vmem>>) dst(%dma_wait3A_71 : memref<10240x128xf32, #tpu.memory_space<vmem_shared>>)
      %dma_wait3A_72 = arith.constant 30 : i32
      %dma_wait3A_73 = arith.constant 0 : i32
      %dma_wait3A_74 = tpu.memref_slice %arg11[%dma_wait3A_72, %dma_wait3A_73] : memref<32x64xi32, #tpu.memory_space<vmem>> -> memref<1x64xi32, #tpu.memory_space<vmem>>
      %dma_wait3A_75 = tpu.memref_squeeze %dma_wait3A_74 : memref<1x64xi32, #tpu.memory_space<vmem>> -> memref<64xi32, #tpu.memory_space<vmem>>
      %dma_wait3A_76 = arith.constant 0 : i32
      %dma_wait3A_77 = arith.constant 0 : i32
      %dma_wait3A_78 = tpu.memref_slice %arg12[%dma_wait3A_76, %dma_wait3A_77] : memref<10240x128xf32, #tpu.memory_space<vmem_shared>> -> memref<10240x128xf32, #tpu.memory_space<vmem_shared>>
      tpu.wait_indirect_dma semaphore(%arg19 : memref<!tpu.dma_semaphore, #tpu.memory_space<semaphore_mem>>) src(%arg8 : memref<64x128xf32, #tpu.memory_space<vmem>>) dst(%dma_wait3A_78 : memref<10240x128xf32, #tpu.memory_space<vmem_shared>>)
      %dma_wait3A_79 = arith.constant 31 : i32
      %dma_wait3A_80 = arith.constant 0 : i32
      %dma_wait3A_81 = tpu.memref_slice %arg11[%dma_wait3A_79, %dma_wait3A_80] : memref<32x64xi32, #tpu.memory_space<vmem>> -> memref<1x64xi32, #tpu.memory_space<vmem>>
      %dma_wait3A_82 = tpu.memref_squeeze %dma_wait3A_81 : memref<1x64xi32, #tpu.memory_space<vmem>> -> memref<64xi32, #tpu.memory_space<vmem>>
      %dma_wait3A_83 = arith.constant 0 : i32
      %dma_wait3A_84 = arith.constant 0 : i32
      %dma_wait3A_85 = tpu.memref_slice %arg12[%dma_wait3A_83, %dma_wait3A_84] : memref<10240x128xf32, #tpu.memory_space<vmem_shared>> -> memref<10240x128xf32, #tpu.memory_space<vmem_shared>>
      tpu.wait_indirect_dma semaphore(%arg20 : memref<!tpu.dma_semaphore, #tpu.memory_space<semaphore_mem>>) src(%arg9 : memref<64x128xf32, #tpu.memory_space<vmem>>) dst(%dma_wait3A_85 : memref<10240x128xf32, #tpu.memory_space<vmem_shared>>)
      %scan3A_86 = arith.constant 0 : i32
      scf.yield %scan3A_86 : i32
    }
    %scan3A_20 = arith.constant 5 : i32
    %barrier3A_21 = arith.constant 0 : index
    tpu.barrier barrier_id(%barrier3A_21)
    %mul3A_22 = arith.constant 640 : i32
    %mul3A_23 = arith.muli %arg1, %mul3A_22 : i32
    %mul3A_24 = arith.constant 640 : i32
    %mul3A_25 = arith.muli %arg1, %mul3A_24 : i32
    "tpu.region"() ({
      %run_scoped3A = tpu.sem_alloc : memref<!tpu.dma_semaphore, #tpu.memory_space<semaphore_mem>>
      %dma_start3A = arith.constant 0 : i32
      %dma_start3A_26 = tpu.memref_slice %arg5[%arg0, %mul3A_25, %dma_start3A] : memref<2x10240x128xf32, #tpu.memory_space<hbm>> -> memref<1x640x128xf32, #tpu.memory_space<hbm>>
      %dma_start3A_27 = tpu.memref_squeeze %dma_start3A_26 : memref<1x640x128xf32, #tpu.memory_space<hbm>> -> memref<640x128xf32, #tpu.memory_space<hbm>>
      %dma_start3A_28 = arith.constant 0 : i32
      %dma_start3A_29 = tpu.memref_slice %arg12[%mul3A_23, %dma_start3A_28] : memref<10240x128xf32, #tpu.memory_space<vmem_shared>> -> memref<640x128xf32, #tpu.memory_space<vmem_shared>>
      tpu.enqueue_dma source(%dma_start3A_29 : memref<640x128xf32, #tpu.memory_space<vmem_shared>>) target(%dma_start3A_27 : memref<640x128xf32, #tpu.memory_space<hbm>>) target_semaphore(%run_scoped3A : memref<!tpu.dma_semaphore, #tpu.memory_space<semaphore_mem>>)
      %dma_wait3A = arith.constant 0 : i32
      %dma_wait3A_30 = tpu.memref_slice %arg5[%arg0, %mul3A_25, %dma_wait3A] : memref<2x10240x128xf32, #tpu.memory_space<hbm>> -> memref<1x640x128xf32, #tpu.memory_space<hbm>>
      %dma_wait3A_31 = tpu.memref_squeeze %dma_wait3A_30 : memref<1x640x128xf32, #tpu.memory_space<hbm>> -> memref<640x128xf32, #tpu.memory_space<hbm>>
      %dma_wait3A_32 = arith.constant 0 : i32
      %dma_wait3A_33 = tpu.memref_slice %arg12[%mul3A_23, %dma_wait3A_32] : memref<10240x128xf32, #tpu.memory_space<vmem_shared>> -> memref<640x128xf32, #tpu.memory_space<vmem_shared>>
      tpu.wait_dma2 semaphore(%run_scoped3A : memref<!tpu.dma_semaphore, #tpu.memory_space<semaphore_mem>>) src(%dma_wait3A_33 : memref<640x128xf32, #tpu.memory_space<vmem_shared>>) dst(%dma_wait3A_31 : memref<640x128xf32, #tpu.memory_space<hbm>>)
      tpu.yield
    }) : () -> ()
    return
  }
}

#map = affine_map<(d0, d1) -> (0, 0, 0)>
#map1 = affine_map<(d0, d1) -> (0, 0)>
module attributes {stable_mosaic.version = 14 : i64} {
  func.func @_deg_body(%arg0: i32, %arg1: i32, %arg2: memref<32x80x128xi32, #tpu.memory_space<hbm>>, %arg3: memref<2x10240xf32, #tpu.memory_space<hbm>>, %arg4: memref<128xf32, #tpu.memory_space<vmem>>, %arg5: memref<640xf32, #tpu.memory_space<vmem>>, %arg6: memref<80x128xi32, #tpu.memory_space<vmem>>, %arg7: memref<10240xf32, #tpu.memory_space<vmem_shared>>) attributes {dimension_semantics = [#tpu.dimension_semantics<core_parallel>, #tpu.dimension_semantics<subcore_parallel>], iteration_bounds = array<i64: 2, 16>, scalar_prefetch = 0 : i64, scratch_operands = 4 : i64, tpu.core_type = #tpu.core_type<sc_vector_subcore>, window_params = [{transform_indices = #map}, {transform_indices = #map1}]} {
    %mul3A = arith.constant 16 : i32
    %mul3A_0 = arith.muli %arg0, %mul3A : i32
    %add3A = arith.addi %mul3A_0, %arg1 : i32
    %scan3A = arith.constant 0 : i32
    %scan3A_1 = arith.constant 0 : i32
    %scan3A_2 = arith.constant 8 : i32
    %scan3A_3 = arith.addi %scan3A_1, %scan3A_2 : i32
    %scan3A_4 = arith.constant 1 : i32
    %scan3A_5 = scf.for %scan3A_28 = %scan3A_1 to %scan3A_3 step %scan3A_4 iter_args(%scan3A_29 = %scan3A) -> (i32)  : i32 {
      %broadcast_in_dim3A = arith.constant 1.000000e+00 : f32
      %broadcast_in_dim3A_30 = vector.broadcast %broadcast_in_dim3A : f32 to vector<16xf32>
      %mul3A_31 = arith.constant 16 : i32
      %mul3A_32 = arith.muli %scan3A_28, %mul3A_31 : i32
      %swap3A = arith.index_cast %mul3A_32 : i32 to index
      %swap3A_33 = tpu.vector_load %arg4[%swap3A] {strides = array<i32>} : memref<128xf32, #tpu.memory_space<vmem>>, vector<16xf32>,
      %swap3A_34 = vector.shape_cast %swap3A_33 : vector<16xf32> to vector<16xf32>
      %swap3A_35 = vector.shape_cast %broadcast_in_dim3A_30 : vector<16xf32> to vector<16xf32>
      tpu.vector_store %arg4[%swap3A], %swap3A_35 {strides = array<i32>} : memref<128xf32, #tpu.memory_space<vmem>>, vector<16xf32>,
      %scan3A_36 = arith.constant 0 : i32
      scf.yield %scan3A_36 : i32
    }
    %scan3A_6 = arith.constant 8 : i32
    %scan3A_7 = arith.constant 0 : i32
    %scan3A_8 = arith.constant 0 : i32
    %scan3A_9 = arith.constant 40 : i32
    %scan3A_10 = arith.addi %scan3A_8, %scan3A_9 : i32
    %scan3A_11 = arith.constant 1 : i32
    %scan3A_12 = scf.for %scan3A_28 = %scan3A_8 to %scan3A_10 step %scan3A_11 iter_args(%scan3A_29 = %scan3A_7) -> (i32)  : i32 {
      %broadcast_in_dim3A = arith.constant 0.000000e+00 : f32
      %broadcast_in_dim3A_30 = vector.broadcast %broadcast_in_dim3A : f32 to vector<16xf32>
      %mul3A_31 = arith.constant 16 : i32
      %mul3A_32 = arith.muli %scan3A_28, %mul3A_31 : i32
      %swap3A = arith.index_cast %mul3A_32 : i32 to index
      %swap3A_33 = tpu.vector_load %arg5[%swap3A] {strides = array<i32>} : memref<640xf32, #tpu.memory_space<vmem>>, vector<16xf32>,
      %swap3A_34 = vector.shape_cast %swap3A_33 : vector<16xf32> to vector<16xf32>
      %swap3A_35 = vector.shape_cast %broadcast_in_dim3A_30 : vector<16xf32> to vector<16xf32>
      tpu.vector_store %arg5[%swap3A], %swap3A_35 {strides = array<i32>} : memref<640xf32, #tpu.memory_space<vmem>>, vector<16xf32>,
      %scan3A_36 = arith.constant 0 : i32
      scf.yield %scan3A_36 : i32
    }
    %scan3A_13 = arith.constant 40 : i32
    %mul3A_14 = arith.constant 640 : i32
    %mul3A_15 = arith.muli %arg1, %mul3A_14 : i32
    "tpu.region"() ({
      %run_scoped3A = tpu.sem_alloc : memref<!tpu.dma_semaphore, #tpu.memory_space<semaphore_mem>>
      %dma_start3A = tpu.memref_slice %arg7[%mul3A_15] : memref<10240xf32, #tpu.memory_space<vmem_shared>> -> memref<640xf32, #tpu.memory_space<vmem_shared>>
      %dma_start3A_28 = tpu.memref_slice %arg7[%mul3A_15] : memref<10240xf32, #tpu.memory_space<vmem_shared>> -> memref<640xf32, #tpu.memory_space<vmem_shared>>
      tpu.enqueue_dma source(%arg5 : memref<640xf32, #tpu.memory_space<vmem>>) target(%dma_start3A_28 : memref<640xf32, #tpu.memory_space<vmem_shared>>) target_semaphore(%run_scoped3A : memref<!tpu.dma_semaphore, #tpu.memory_space<semaphore_mem>>)
      %dma_wait3A = tpu.memref_slice %arg7[%mul3A_15] : memref<10240xf32, #tpu.memory_space<vmem_shared>> -> memref<640xf32, #tpu.memory_space<vmem_shared>>
      %dma_wait3A_29 = tpu.memref_slice %arg7[%mul3A_15] : memref<10240xf32, #tpu.memory_space<vmem_shared>> -> memref<640xf32, #tpu.memory_space<vmem_shared>>
      tpu.wait_dma2 semaphore(%run_scoped3A : memref<!tpu.dma_semaphore, #tpu.memory_space<semaphore_mem>>) src(%arg5 : memref<640xf32, #tpu.memory_space<vmem>>) dst(%dma_wait3A_29 : memref<640xf32, #tpu.memory_space<vmem_shared>>)
      tpu.yield
    }) : () -> ()
    %barrier3A = arith.constant 0 : index
    tpu.barrier barrier_id(%barrier3A)
    "tpu.region"() ({
      %run_scoped3A = tpu.sem_alloc : memref<!tpu.dma_semaphore, #tpu.memory_space<semaphore_mem>>
      %dma_start3A = arith.constant 0 : i32
      %dma_start3A_28 = arith.constant 0 : i32
      %dma_start3A_29 = tpu.memref_slice %arg2[%add3A, %dma_start3A, %dma_start3A_28] : memref<32x80x128xi32, #tpu.memory_space<hbm>> -> memref<1x80x128xi32, #tpu.memory_space<hbm>>
      %dma_start3A_30 = tpu.memref_squeeze %dma_start3A_29 : memref<1x80x128xi32, #tpu.memory_space<hbm>> -> memref<80x128xi32, #tpu.memory_space<hbm>>
      %dma_start3A_31 = arith.constant 0 : i32
      %dma_start3A_32 = arith.constant 0 : i32
      %dma_start3A_33 = tpu.memref_slice %arg2[%add3A, %dma_start3A_31, %dma_start3A_32] : memref<32x80x128xi32, #tpu.memory_space<hbm>> -> memref<1x80x128xi32, #tpu.memory_space<hbm>>
      %dma_start3A_34 = tpu.memref_squeeze %dma_start3A_33 : memref<1x80x128xi32, #tpu.memory_space<hbm>> -> memref<80x128xi32, #tpu.memory_space<hbm>>
      tpu.enqueue_dma source(%dma_start3A_34 : memref<80x128xi32, #tpu.memory_space<hbm>>) target(%arg6 : memref<80x128xi32, #tpu.memory_space<vmem>>) target_semaphore(%run_scoped3A : memref<!tpu.dma_semaphore, #tpu.memory_space<semaphore_mem>>)
      %dma_wait3A = arith.constant 0 : i32
      %dma_wait3A_35 = arith.constant 0 : i32
      %dma_wait3A_36 = tpu.memref_slice %arg2[%add3A, %dma_wait3A, %dma_wait3A_35] : memref<32x80x128xi32, #tpu.memory_space<hbm>> -> memref<1x80x128xi32, #tpu.memory_space<hbm>>
      %dma_wait3A_37 = tpu.memref_squeeze %dma_wait3A_36 : memref<1x80x128xi32, #tpu.memory_space<hbm>> -> memref<80x128xi32, #tpu.memory_space<hbm>>
      %dma_wait3A_38 = arith.constant 0 : i32
      %dma_wait3A_39 = arith.constant 0 : i32
      %dma_wait3A_40 = tpu.memref_slice %arg2[%add3A, %dma_wait3A_38, %dma_wait3A_39] : memref<32x80x128xi32, #tpu.memory_space<hbm>> -> memref<1x80x128xi32, #tpu.memory_space<hbm>>
      %dma_wait3A_41 = tpu.memref_squeeze %dma_wait3A_40 : memref<1x80x128xi32, #tpu.memory_space<hbm>> -> memref<80x128xi32, #tpu.memory_space<hbm>>
      tpu.wait_dma2 semaphore(%run_scoped3A : memref<!tpu.dma_semaphore, #tpu.memory_space<semaphore_mem>>) src(%dma_wait3A_41 : memref<80x128xi32, #tpu.memory_space<hbm>>) dst(%arg6 : memref<80x128xi32, #tpu.memory_space<vmem>>)
      tpu.yield
    }) : () -> ()
    %scan3A_16 = arith.constant 0 : i32
    %scan3A_17 = arith.constant 0 : i32
    %scan3A_18 = arith.constant 80 : i32
    %scan3A_19 = arith.addi %scan3A_17, %scan3A_18 : i32
    %scan3A_20 = arith.constant 1 : i32
    %scan3A_21 = scf.for %scan3A_28 = %scan3A_17 to %scan3A_19 step %scan3A_20 iter_args(%scan3A_29 = %scan3A_16) -> (i32)  : i32 {
      "tpu.region"() ({
        %run_scoped3A = tpu.sem_alloc : memref<!tpu.dma_semaphore, #tpu.memory_space<semaphore_mem>>
        %dma_start3A = arith.constant 0 : i32
        %dma_start3A_31 = tpu.memref_slice %arg6[%scan3A_28, %dma_start3A] : memref<80x128xi32, #tpu.memory_space<vmem>> -> memref<1x128xi32, #tpu.memory_space<vmem>>
        %dma_start3A_32 = tpu.memref_squeeze %dma_start3A_31 : memref<1x128xi32, #tpu.memory_space<vmem>> -> memref<128xi32, #tpu.memory_space<vmem>>
        %dma_start3A_33 = arith.constant 0 : i32
        %dma_start3A_34 = tpu.memref_slice %arg7[%dma_start3A_33] : memref<10240xf32, #tpu.memory_space<vmem_shared>> -> memref<10240xf32, #tpu.memory_space<vmem_shared>>
        tpu.enqueue_indirect_dma source(%arg4 : memref<128xf32, #tpu.memory_space<vmem>>) target(%dma_start3A_34 : memref<10240xf32, #tpu.memory_space<vmem_shared>>) offsets(%dma_start3A_32 : memref<128xi32, #tpu.memory_space<vmem>>) semaphore(%run_scoped3A : memref<!tpu.dma_semaphore, #tpu.memory_space<semaphore_mem>>) {add = true}
        %dma_wait3A = arith.constant 0 : i32
        %dma_wait3A_35 = tpu.memref_slice %arg6[%scan3A_28, %dma_wait3A] : memref<80x128xi32, #tpu.memory_space<vmem>> -> memref<1x128xi32, #tpu.memory_space<vmem>>
        %dma_wait3A_36 = tpu.memref_squeeze %dma_wait3A_35 : memref<1x128xi32, #tpu.memory_space<vmem>> -> memref<128xi32, #tpu.memory_space<vmem>>
        %dma_wait3A_37 = arith.constant 0 : i32
        %dma_wait3A_38 = tpu.memref_slice %arg7[%dma_wait3A_37] : memref<10240xf32, #tpu.memory_space<vmem_shared>> -> memref<10240xf32, #tpu.memory_space<vmem_shared>>
        tpu.wait_indirect_dma semaphore(%run_scoped3A : memref<!tpu.dma_semaphore, #tpu.memory_space<semaphore_mem>>) src(%arg4 : memref<128xf32, #tpu.memory_space<vmem>>) dst(%dma_wait3A_38 : memref<10240xf32, #tpu.memory_space<vmem_shared>>)
        tpu.yield
      }) : () -> ()
      %scan3A_30 = arith.constant 0 : i32
      scf.yield %scan3A_30 : i32
    }
    %scan3A_22 = arith.constant 80 : i32
    %barrier3A_23 = arith.constant 0 : index
    tpu.barrier barrier_id(%barrier3A_23)
    %mul3A_24 = arith.constant 640 : i32
    %mul3A_25 = arith.muli %arg1, %mul3A_24 : i32
    %mul3A_26 = arith.constant 640 : i32
    %mul3A_27 = arith.muli %arg1, %mul3A_26 : i32
    "tpu.region"() ({
      %run_scoped3A = tpu.sem_alloc : memref<!tpu.dma_semaphore, #tpu.memory_space<semaphore_mem>>
      %dma_start3A = tpu.memref_slice %arg3[%arg0, %mul3A_27] : memref<2x10240xf32, #tpu.memory_space<hbm>> -> memref<1x640xf32, #tpu.memory_space<hbm>>
      %dma_start3A_28 = tpu.memref_squeeze %dma_start3A : memref<1x640xf32, #tpu.memory_space<hbm>> -> memref<640xf32, #tpu.memory_space<hbm>>
      %dma_start3A_29 = tpu.memref_slice %arg7[%mul3A_25] : memref<10240xf32, #tpu.memory_space<vmem_shared>> -> memref<640xf32, #tpu.memory_space<vmem_shared>>
      tpu.enqueue_dma source(%dma_start3A_29 : memref<640xf32, #tpu.memory_space<vmem_shared>>) target(%dma_start3A_28 : memref<640xf32, #tpu.memory_space<hbm>>) target_semaphore(%run_scoped3A : memref<!tpu.dma_semaphore, #tpu.memory_space<semaphore_mem>>)
      %dma_wait3A = tpu.memref_slice %arg3[%arg0, %mul3A_27] : memref<2x10240xf32, #tpu.memory_space<hbm>> -> memref<1x640xf32, #tpu.memory_space<hbm>>
      %dma_wait3A_30 = tpu.memref_squeeze %dma_wait3A : memref<1x640xf32, #tpu.memory_space<hbm>> -> memref<640xf32, #tpu.memory_space<hbm>>
      %dma_wait3A_31 = tpu.memref_slice %arg7[%mul3A_25] : memref<10240xf32, #tpu.memory_space<vmem_shared>> -> memref<640xf32, #tpu.memory_space<vmem_shared>>
      tpu.wait_dma2 semaphore(%run_scoped3A : memref<!tpu.dma_semaphore, #tpu.memory_space<semaphore_mem>>) src(%dma_wait3A_31 : memref<640xf32, #tpu.memory_space<vmem_shared>>) dst(%dma_wait3A_30 : memref<640xf32, #tpu.memory_space<hbm>>)
      tpu.yield
    }) : () -> ()
    return
  }
}

#map = affine_map<(d0, d1) -> (0, 0)>
#map1 = affine_map<(d0, d1) -> (0, 0, 0)>
module attributes {stable_mosaic.version = 14 : i64} {
  func.func @_scatter(%arg0: i32, %arg1: i32, %arg2: memref<10240x48xf32, #tpu.memory_space<hbm>>, %arg3: memref<32x160x64xi32, #tpu.memory_space<hbm>>, %arg4: memref<32x160x64xi32, #tpu.memory_space<hbm>>, %arg5: memref<2x10240x48xf32, #tpu.memory_space<hbm>>, %arg6: memref<64x48xf32, #tpu.memory_space<vmem>>, %arg7: memref<64x48xf32, #tpu.memory_space<vmem>>, %arg8: memref<64x48xf32, #tpu.memory_space<vmem>>, %arg9: memref<64x48xf32, #tpu.memory_space<vmem>>, %arg10: memref<32x64xi32, #tpu.memory_space<vmem>>, %arg11: memref<32x64xi32, #tpu.memory_space<vmem>>, %arg12: memref<10240x48xf32, #tpu.memory_space<vmem_shared>>, %arg13: memref<!tpu.dma_semaphore, #tpu.memory_space<semaphore_mem>>, %arg14: memref<!tpu.dma_semaphore, #tpu.memory_space<semaphore_mem>>, %arg15: memref<!tpu.dma_semaphore, #tpu.memory_space<semaphore_mem>>, %arg16: memref<!tpu.dma_semaphore, #tpu.memory_space<semaphore_mem>>, %arg17: memref<!tpu.dma_semaphore, #tpu.memory_space<semaphore_mem>>, %arg18: memref<!tpu.dma_semaphore, #tpu.memory_space<semaphore_mem>>, %arg19: memref<!tpu.dma_semaphore, #tpu.memory_space<semaphore_mem>>, %arg20: memref<!tpu.dma_semaphore, #tpu.memory_space<semaphore_mem>>) attributes {dimension_semantics = [#tpu.dimension_semantics<core_parallel>, #tpu.dimension_semantics<subcore_parallel>], iteration_bounds = array<i64: 2, 16>, scalar_prefetch = 0 : i64, scratch_operands = 15 : i64, tpu.core_type = #tpu.core_type<sc_vector_subcore>, window_params = [{transform_indices = #map}, {transform_indices = #map1}, {transform_indices = #map1}, {transform_indices = #map1}]} {
    %mul3A = arith.constant 16 : i32
    %mul3A_0 = arith.muli %arg0, %mul3A : i32
    %add3A = arith.addi %mul3A_0, %arg1 : i32
    %scan3A = arith.constant 0 : i32
    %scan3A_1 = arith.constant 0 : i32
    %scan3A_2 = arith.constant 64 : i32
    %scan3A_3 = arith.addi %scan3A_1, %scan3A_2 : i32
    %scan3A_4 = arith.constant 1 : i32
    %scan3A_5 = scf.for %scan3A_26 = %scan3A_1 to %scan3A_3 step %scan3A_4 iter_args(%scan3A_27 = %scan3A) -> (i32)  : i32 {
      %broadcast_in_dim3A = arith.constant 0.000000e+00 : f32
      %broadcast_in_dim3A_28 = vector.broadcast %broadcast_in_dim3A : f32 to vector<16xf32>
      %swap3A = arith.index_cast %scan3A_26 : i32 to index
      %swap3A_29 = arith.constant 0 : index
      %swap3A_30 = tpu.vector_load %arg6[%swap3A, %swap3A_29] {strides = array<i32>} : memref<64x48xf32, #tpu.memory_space<vmem>>, vector<1x16xf32>,
      %swap3A_31 = vector.shape_cast %swap3A_30 : vector<1x16xf32> to vector<16xf32>
      %swap3A_32 = vector.shape_cast %broadcast_in_dim3A_28 : vector<16xf32> to vector<1x16xf32>
      tpu.vector_store %arg6[%swap3A, %swap3A_29], %swap3A_32 {strides = array<i32>} : memref<64x48xf32, #tpu.memory_space<vmem>>, vector<1x16xf32>,
      %broadcast_in_dim3A_33 = arith.constant 0.000000e+00 : f32
      %broadcast_in_dim3A_34 = vector.broadcast %broadcast_in_dim3A_33 : f32 to vector<16xf32>
      %swap3A_35 = arith.index_cast %scan3A_26 : i32 to index
      %swap3A_36 = arith.constant 16 : index
      %swap3A_37 = tpu.vector_load %arg6[%swap3A_35, %swap3A_36] {strides = array<i32>} : memref<64x48xf32, #tpu.memory_space<vmem>>, vector<1x16xf32>,
      %swap3A_38 = vector.shape_cast %swap3A_37 : vector<1x16xf32> to vector<16xf32>
      %swap3A_39 = vector.shape_cast %broadcast_in_dim3A_34 : vector<16xf32> to vector<1x16xf32>
      tpu.vector_store %arg6[%swap3A_35, %swap3A_36], %swap3A_39 {strides = array<i32>} : memref<64x48xf32, #tpu.memory_space<vmem>>, vector<1x16xf32>,
      %broadcast_in_dim3A_40 = arith.constant 0.000000e+00 : f32
      %broadcast_in_dim3A_41 = vector.broadcast %broadcast_in_dim3A_40 : f32 to vector<16xf32>
      %swap3A_42 = arith.index_cast %scan3A_26 : i32 to index
      %swap3A_43 = arith.constant 32 : index
      %swap3A_44 = tpu.vector_load %arg6[%swap3A_42, %swap3A_43] {strides = array<i32>} : memref<64x48xf32, #tpu.memory_space<vmem>>, vector<1x16xf32>,
      %swap3A_45 = vector.shape_cast %swap3A_44 : vector<1x16xf32> to vector<16xf32>
      %swap3A_46 = vector.shape_cast %broadcast_in_dim3A_41 : vector<16xf32> to vector<1x16xf32>
      tpu.vector_store %arg6[%swap3A_42, %swap3A_43], %swap3A_46 {strides = array<i32>} : memref<64x48xf32, #tpu.memory_space<vmem>>, vector<1x16xf32>,
      %broadcast_in_dim3A_47 = arith.constant 0.000000e+00 : f32
      %broadcast_in_dim3A_48 = vector.broadcast %broadcast_in_dim3A_47 : f32 to vector<16xf32>
      %swap3A_49 = arith.index_cast %scan3A_26 : i32 to index
      %swap3A_50 = arith.constant 0 : index
      %swap3A_51 = tpu.vector_load %arg7[%swap3A_49, %swap3A_50] {strides = array<i32>} : memref<64x48xf32, #tpu.memory_space<vmem>>, vector<1x16xf32>,
      %swap3A_52 = vector.shape_cast %swap3A_51 : vector<1x16xf32> to vector<16xf32>
      %swap3A_53 = vector.shape_cast %broadcast_in_dim3A_48 : vector<16xf32> to vector<1x16xf32>
      tpu.vector_store %arg7[%swap3A_49, %swap3A_50], %swap3A_53 {strides = array<i32>} : memref<64x48xf32, #tpu.memory_space<vmem>>, vector<1x16xf32>,
      %broadcast_in_dim3A_54 = arith.constant 0.000000e+00 : f32
      %broadcast_in_dim3A_55 = vector.broadcast %broadcast_in_dim3A_54 : f32 to vector<16xf32>
      %swap3A_56 = arith.index_cast %scan3A_26 : i32 to index
      %swap3A_57 = arith.constant 16 : index
      %swap3A_58 = tpu.vector_load %arg7[%swap3A_56, %swap3A_57] {strides = array<i32>} : memref<64x48xf32, #tpu.memory_space<vmem>>, vector<1x16xf32>,
      %swap3A_59 = vector.shape_cast %swap3A_58 : vector<1x16xf32> to vector<16xf32>
      %swap3A_60 = vector.shape_cast %broadcast_in_dim3A_55 : vector<16xf32> to vector<1x16xf32>
      tpu.vector_store %arg7[%swap3A_56, %swap3A_57], %swap3A_60 {strides = array<i32>} : memref<64x48xf32, #tpu.memory_space<vmem>>, vector<1x16xf32>,
      %broadcast_in_dim3A_61 = arith.constant 0.000000e+00 : f32
      %broadcast_in_dim3A_62 = vector.broadcast %broadcast_in_dim3A_61 : f32 to vector<16xf32>
      %swap3A_63 = arith.index_cast %scan3A_26 : i32 to index
      %swap3A_64 = arith.constant 32 : index
      %swap3A_65 = tpu.vector_load %arg7[%swap3A_63, %swap3A_64] {strides = array<i32>} : memref<64x48xf32, #tpu.memory_space<vmem>>, vector<1x16xf32>,
      %swap3A_66 = vector.shape_cast %swap3A_65 : vector<1x16xf32> to vector<16xf32>
      %swap3A_67 = vector.shape_cast %broadcast_in_dim3A_62 : vector<16xf32> to vector<1x16xf32>
      tpu.vector_store %arg7[%swap3A_63, %swap3A_64], %swap3A_67 {strides = array<i32>} : memref<64x48xf32, #tpu.memory_space<vmem>>, vector<1x16xf32>,
      %broadcast_in_dim3A_68 = arith.constant 0.000000e+00 : f32
      %broadcast_in_dim3A_69 = vector.broadcast %broadcast_in_dim3A_68 : f32 to vector<16xf32>
      %swap3A_70 = arith.index_cast %scan3A_26 : i32 to index
      %swap3A_71 = arith.constant 0 : index
      %swap3A_72 = tpu.vector_load %arg8[%swap3A_70, %swap3A_71] {strides = array<i32>} : memref<64x48xf32, #tpu.memory_space<vmem>>, vector<1x16xf32>,
      %swap3A_73 = vector.shape_cast %swap3A_72 : vector<1x16xf32> to vector<16xf32>
      %swap3A_74 = vector.shape_cast %broadcast_in_dim3A_69 : vector<16xf32> to vector<1x16xf32>
      tpu.vector_store %arg8[%swap3A_70, %swap3A_71], %swap3A_74 {strides = array<i32>} : memref<64x48xf32, #tpu.memory_space<vmem>>, vector<1x16xf32>,
      %broadcast_in_dim3A_75 = arith.constant 0.000000e+00 : f32
      %broadcast_in_dim3A_76 = vector.broadcast %broadcast_in_dim3A_75 : f32 to vector<16xf32>
      %swap3A_77 = arith.index_cast %scan3A_26 : i32 to index
      %swap3A_78 = arith.constant 16 : index
      %swap3A_79 = tpu.vector_load %arg8[%swap3A_77, %swap3A_78] {strides = array<i32>} : memref<64x48xf32, #tpu.memory_space<vmem>>, vector<1x16xf32>,
      %swap3A_80 = vector.shape_cast %swap3A_79 : vector<1x16xf32> to vector<16xf32>
      %swap3A_81 = vector.shape_cast %broadcast_in_dim3A_76 : vector<16xf32> to vector<1x16xf32>
      tpu.vector_store %arg8[%swap3A_77, %swap3A_78], %swap3A_81 {strides = array<i32>} : memref<64x48xf32, #tpu.memory_space<vmem>>, vector<1x16xf32>,
      %broadcast_in_dim3A_82 = arith.constant 0.000000e+00 : f32
      %broadcast_in_dim3A_83 = vector.broadcast %broadcast_in_dim3A_82 : f32 to vector<16xf32>
      %swap3A_84 = arith.index_cast %scan3A_26 : i32 to index
      %swap3A_85 = arith.constant 32 : index
      %swap3A_86 = tpu.vector_load %arg8[%swap3A_84, %swap3A_85] {strides = array<i32>} : memref<64x48xf32, #tpu.memory_space<vmem>>, vector<1x16xf32>,
      %swap3A_87 = vector.shape_cast %swap3A_86 : vector<1x16xf32> to vector<16xf32>
      %swap3A_88 = vector.shape_cast %broadcast_in_dim3A_83 : vector<16xf32> to vector<1x16xf32>
      tpu.vector_store %arg8[%swap3A_84, %swap3A_85], %swap3A_88 {strides = array<i32>} : memref<64x48xf32, #tpu.memory_space<vmem>>, vector<1x16xf32>,
      %broadcast_in_dim3A_89 = arith.constant 0.000000e+00 : f32
      %broadcast_in_dim3A_90 = vector.broadcast %broadcast_in_dim3A_89 : f32 to vector<16xf32>
      %swap3A_91 = arith.index_cast %scan3A_26 : i32 to index
      %swap3A_92 = arith.constant 0 : index
      %swap3A_93 = tpu.vector_load %arg9[%swap3A_91, %swap3A_92] {strides = array<i32>} : memref<64x48xf32, #tpu.memory_space<vmem>>, vector<1x16xf32>,
      %swap3A_94 = vector.shape_cast %swap3A_93 : vector<1x16xf32> to vector<16xf32>
      %swap3A_95 = vector.shape_cast %broadcast_in_dim3A_90 : vector<16xf32> to vector<1x16xf32>
      tpu.vector_store %arg9[%swap3A_91, %swap3A_92], %swap3A_95 {strides = array<i32>} : memref<64x48xf32, #tpu.memory_space<vmem>>, vector<1x16xf32>,
      %broadcast_in_dim3A_96 = arith.constant 0.000000e+00 : f32
      %broadcast_in_dim3A_97 = vector.broadcast %broadcast_in_dim3A_96 : f32 to vector<16xf32>
      %swap3A_98 = arith.index_cast %scan3A_26 : i32 to index
      %swap3A_99 = arith.constant 16 : index
      %swap3A_100 = tpu.vector_load %arg9[%swap3A_98, %swap3A_99] {strides = array<i32>} : memref<64x48xf32, #tpu.memory_space<vmem>>, vector<1x16xf32>,
      %swap3A_101 = vector.shape_cast %swap3A_100 : vector<1x16xf32> to vector<16xf32>
      %swap3A_102 = vector.shape_cast %broadcast_in_dim3A_97 : vector<16xf32> to vector<1x16xf32>
      tpu.vector_store %arg9[%swap3A_98, %swap3A_99], %swap3A_102 {strides = array<i32>} : memref<64x48xf32, #tpu.memory_space<vmem>>, vector<1x16xf32>,
      %broadcast_in_dim3A_103 = arith.constant 0.000000e+00 : f32
      %broadcast_in_dim3A_104 = vector.broadcast %broadcast_in_dim3A_103 : f32 to vector<16xf32>
      %swap3A_105 = arith.index_cast %scan3A_26 : i32 to index
      %swap3A_106 = arith.constant 32 : index
      %swap3A_107 = tpu.vector_load %arg9[%swap3A_105, %swap3A_106] {strides = array<i32>} : memref<64x48xf32, #tpu.memory_space<vmem>>, vector<1x16xf32>,
      %swap3A_108 = vector.shape_cast %swap3A_107 : vector<1x16xf32> to vector<16xf32>
      %swap3A_109 = vector.shape_cast %broadcast_in_dim3A_104 : vector<16xf32> to vector<1x16xf32>
      tpu.vector_store %arg9[%swap3A_105, %swap3A_106], %swap3A_109 {strides = array<i32>} : memref<64x48xf32, #tpu.memory_space<vmem>>, vector<1x16xf32>,
      %scan3A_110 = arith.constant 0 : i32
      scf.yield %scan3A_110 : i32
    }
    %scan3A_6 = arith.constant 64 : i32
    %scan3A_7 = arith.constant 0 : i32
    %scan3A_8 = arith.constant 0 : i32
    %scan3A_9 = arith.constant 10 : i32
    %scan3A_10 = arith.addi %scan3A_8, %scan3A_9 : i32
    %scan3A_11 = arith.constant 1 : i32
    %scan3A_12 = scf.for %scan3A_26 = %scan3A_8 to %scan3A_10 step %scan3A_11 iter_args(%scan3A_27 = %scan3A_7) -> (i32)  : i32 {
      %mul3A_28 = arith.constant 640 : i32
      %mul3A_29 = arith.muli %arg1, %mul3A_28 : i32
      %mul3A_30 = arith.constant 64 : i32
      %mul3A_31 = arith.muli %scan3A_26, %mul3A_30 : i32
      %add3A_32 = arith.addi %mul3A_29, %mul3A_31 : i32
      "tpu.region"() ({
        %run_scoped3A = tpu.sem_alloc : memref<!tpu.dma_semaphore, #tpu.memory_space<semaphore_mem>>
        %dma_start3A = arith.constant 0 : i32
        %dma_start3A_34 = tpu.memref_slice %arg12[%add3A_32, %dma_start3A] : memref<10240x48xf32, #tpu.memory_space<vmem_shared>> -> memref<64x48xf32, #tpu.memory_space<vmem_shared>>
        %dma_start3A_35 = arith.constant 0 : i32
        %dma_start3A_36 = tpu.memref_slice %arg12[%add3A_32, %dma_start3A_35] : memref<10240x48xf32, #tpu.memory_space<vmem_shared>> -> memref<64x48xf32, #tpu.memory_space<vmem_shared>>
        tpu.enqueue_dma source(%arg6 : memref<64x48xf32, #tpu.memory_space<vmem>>) target(%dma_start3A_36 : memref<64x48xf32, #tpu.memory_space<vmem_shared>>) target_semaphore(%run_scoped3A : memref<!tpu.dma_semaphore, #tpu.memory_space<semaphore_mem>>)
        %dma_wait3A = arith.constant 0 : i32
        %dma_wait3A_37 = tpu.memref_slice %arg12[%add3A_32, %dma_wait3A] : memref<10240x48xf32, #tpu.memory_space<vmem_shared>> -> memref<64x48xf32, #tpu.memory_space<vmem_shared>>
        %dma_wait3A_38 = arith.constant 0 : i32
        %dma_wait3A_39 = tpu.memref_slice %arg12[%add3A_32, %dma_wait3A_38] : memref<10240x48xf32, #tpu.memory_space<vmem_shared>> -> memref<64x48xf32, #tpu.memory_space<vmem_shared>>
        tpu.wait_dma2 semaphore(%run_scoped3A : memref<!tpu.dma_semaphore, #tpu.memory_space<semaphore_mem>>) src(%arg6 : memref<64x48xf32, #tpu.memory_space<vmem>>) dst(%dma_wait3A_39 : memref<64x48xf32, #tpu.memory_space<vmem_shared>>)
        tpu.yield
      }) : () -> ()
      %scan3A_33 = arith.constant 0 : i32
      scf.yield %scan3A_33 : i32
    }
    %scan3A_13 = arith.constant 10 : i32
    %barrier3A = arith.constant 0 : index
    tpu.barrier barrier_id(%barrier3A)
    %scan3A_14 = arith.constant 0 : i32
    %scan3A_15 = arith.constant 0 : i32
    %scan3A_16 = arith.constant 5 : i32
    %scan3A_17 = arith.addi %scan3A_15, %scan3A_16 : i32
    %scan3A_18 = arith.constant 1 : i32
    %scan3A_19 = scf.for %scan3A_26 = %scan3A_15 to %scan3A_17 step %scan3A_18 iter_args(%scan3A_27 = %scan3A_14) -> (i32)  : i32 {
      %mul3A_28 = arith.constant 32 : i32
      %mul3A_29 = arith.muli %scan3A_26, %mul3A_28 : i32
      "tpu.region"() ({
        %run_scoped3A = tpu.sem_alloc : memref<!tpu.dma_semaphore, #tpu.memory_space<semaphore_mem>>
        %dma_start3A_87 = arith.constant 0 : i32
        %dma_start3A_88 = tpu.memref_slice %arg3[%add3A, %mul3A_29, %dma_start3A_87] : memref<32x160x64xi32, #tpu.memory_space<hbm>> -> memref<1x32x64xi32, #tpu.memory_space<hbm>>
        %dma_start3A_89 = tpu.memref_squeeze %dma_start3A_88 : memref<1x32x64xi32, #tpu.memory_space<hbm>> -> memref<32x64xi32, #tpu.memory_space<hbm>>
        %dma_start3A_90 = arith.constant 0 : i32
        %dma_start3A_91 = tpu.memref_slice %arg3[%add3A, %mul3A_29, %dma_start3A_90] : memref<32x160x64xi32, #tpu.memory_space<hbm>> -> memref<1x32x64xi32, #tpu.memory_space<hbm>>
        %dma_start3A_92 = tpu.memref_squeeze %dma_start3A_91 : memref<1x32x64xi32, #tpu.memory_space<hbm>> -> memref<32x64xi32, #tpu.memory_space<hbm>>
        tpu.enqueue_dma source(%dma_start3A_92 : memref<32x64xi32, #tpu.memory_space<hbm>>) target(%arg10 : memref<32x64xi32, #tpu.memory_space<vmem>>) target_semaphore(%run_scoped3A : memref<!tpu.dma_semaphore, #tpu.memory_space<semaphore_mem>>)
        %dma_wait3A_93 = arith.constant 0 : i32
        %dma_wait3A_94 = tpu.memref_slice %arg3[%add3A, %mul3A_29, %dma_wait3A_93] : memref<32x160x64xi32, #tpu.memory_space<hbm>> -> memref<1x32x64xi32, #tpu.memory_space<hbm>>
        %dma_wait3A_95 = tpu.memref_squeeze %dma_wait3A_94 : memref<1x32x64xi32, #tpu.memory_space<hbm>> -> memref<32x64xi32, #tpu.memory_space<hbm>>
        %dma_wait3A_96 = arith.constant 0 : i32
        %dma_wait3A_97 = tpu.memref_slice %arg3[%add3A, %mul3A_29, %dma_wait3A_96] : memref<32x160x64xi32, #tpu.memory_space<hbm>> -> memref<1x32x64xi32, #tpu.memory_space<hbm>>
        %dma_wait3A_98 = tpu.memref_squeeze %dma_wait3A_97 : memref<1x32x64xi32, #tpu.memory_space<hbm>> -> memref<32x64xi32, #tpu.memory_space<hbm>>
        tpu.wait_dma2 semaphore(%run_scoped3A : memref<!tpu.dma_semaphore, #tpu.memory_space<semaphore_mem>>) src(%dma_wait3A_98 : memref<32x64xi32, #tpu.memory_space<hbm>>) dst(%arg10 : memref<32x64xi32, #tpu.memory_space<vmem>>)
        tpu.yield
      }) : () -> ()
      %mul3A_30 = arith.constant 32 : i32
      %mul3A_31 = arith.muli %scan3A_26, %mul3A_30 : i32
      "tpu.region"() ({
        %run_scoped3A = tpu.sem_alloc : memref<!tpu.dma_semaphore, #tpu.memory_space<semaphore_mem>>
        %dma_start3A_87 = arith.constant 0 : i32
        %dma_start3A_88 = tpu.memref_slice %arg4[%add3A, %mul3A_31, %dma_start3A_87] : memref<32x160x64xi32, #tpu.memory_space<hbm>> -> memref<1x32x64xi32, #tpu.memory_space<hbm>>
        %dma_start3A_89 = tpu.memref_squeeze %dma_start3A_88 : memref<1x32x64xi32, #tpu.memory_space<hbm>> -> memref<32x64xi32, #tpu.memory_space<hbm>>
        %dma_start3A_90 = arith.constant 0 : i32
        %dma_start3A_91 = tpu.memref_slice %arg4[%add3A, %mul3A_31, %dma_start3A_90] : memref<32x160x64xi32, #tpu.memory_space<hbm>> -> memref<1x32x64xi32, #tpu.memory_space<hbm>>
        %dma_start3A_92 = tpu.memref_squeeze %dma_start3A_91 : memref<1x32x64xi32, #tpu.memory_space<hbm>> -> memref<32x64xi32, #tpu.memory_space<hbm>>
        tpu.enqueue_dma source(%dma_start3A_92 : memref<32x64xi32, #tpu.memory_space<hbm>>) target(%arg11 : memref<32x64xi32, #tpu.memory_space<vmem>>) target_semaphore(%run_scoped3A : memref<!tpu.dma_semaphore, #tpu.memory_space<semaphore_mem>>)
        %dma_wait3A_93 = arith.constant 0 : i32
        %dma_wait3A_94 = tpu.memref_slice %arg4[%add3A, %mul3A_31, %dma_wait3A_93] : memref<32x160x64xi32, #tpu.memory_space<hbm>> -> memref<1x32x64xi32, #tpu.memory_space<hbm>>
        %dma_wait3A_95 = tpu.memref_squeeze %dma_wait3A_94 : memref<1x32x64xi32, #tpu.memory_space<hbm>> -> memref<32x64xi32, #tpu.memory_space<hbm>>
        %dma_wait3A_96 = arith.constant 0 : i32
        %dma_wait3A_97 = tpu.memref_slice %arg4[%add3A, %mul3A_31, %dma_wait3A_96] : memref<32x160x64xi32, #tpu.memory_space<hbm>> -> memref<1x32x64xi32, #tpu.memory_space<hbm>>
        %dma_wait3A_98 = tpu.memref_squeeze %dma_wait3A_97 : memref<1x32x64xi32, #tpu.memory_space<hbm>> -> memref<32x64xi32, #tpu.memory_space<hbm>>
        tpu.wait_dma2 semaphore(%run_scoped3A : memref<!tpu.dma_semaphore, #tpu.memory_space<semaphore_mem>>) src(%dma_wait3A_98 : memref<32x64xi32, #tpu.memory_space<hbm>>) dst(%arg11 : memref<32x64xi32, #tpu.memory_space<vmem>>)
        tpu.yield
      }) : () -> ()
      %dma_start3A = arith.constant 0 : i32
      %dma_start3A_32 = arith.constant 0 : i32
      %dma_start3A_33 = tpu.memref_slice %arg10[%dma_start3A, %dma_start3A_32] : memref<32x64xi32, #tpu.memory_space<vmem>> -> memref<1x64xi32, #tpu.memory_space<vmem>>
      %dma_start3A_34 = tpu.memref_squeeze %dma_start3A_33 : memref<1x64xi32, #tpu.memory_space<vmem>> -> memref<64xi32, #tpu.memory_space<vmem>>
      %dma_start3A_35 = arith.constant 0 : i32
      %dma_start3A_36 = arith.constant 0 : i32
      %dma_start3A_37 = tpu.memref_slice %arg2[%dma_start3A_35, %dma_start3A_36] : memref<10240x48xf32, #tpu.memory_space<hbm>> -> memref<10240x48xf32, #tpu.memory_space<hbm>>
      tpu.enqueue_indirect_dma source(%dma_start3A_37 : memref<10240x48xf32, #tpu.memory_space<hbm>>) target(%arg6 : memref<64x48xf32, #tpu.memory_space<vmem>>) offsets(%dma_start3A_34 : memref<64xi32, #tpu.memory_space<vmem>>) semaphore(%arg13 : memref<!tpu.dma_semaphore, #tpu.memory_space<semaphore_mem>>)
      %dma_start3A_38 = arith.constant 1 : i32
      %dma_start3A_39 = arith.constant 0 : i32
      %dma_start3A_40 = tpu.memref_slice %arg10[%dma_start3A_38, %dma_start3A_39] : memref<32x64xi32, #tpu.memory_space<vmem>> -> memref<1x64xi32, #tpu.memory_space<vmem>>
      %dma_start3A_41 = tpu.memref_squeeze %dma_start3A_40 : memref<1x64xi32, #tpu.memory_space<vmem>> -> memref<64xi32, #tpu.memory_space<vmem>>
      %dma_start3A_42 = arith.constant 0 : i32
      %dma_start3A_43 = arith.constant 0 : i32
      %dma_start3A_44 = tpu.memref_slice %arg2[%dma_start3A_42, %dma_start3A_43] : memref<10240x48xf32, #tpu.memory_space<hbm>> -> memref<10240x48xf32, #tpu.memory_space<hbm>>
      tpu.enqueue_indirect_dma source(%dma_start3A_44 : memref<10240x48xf32, #tpu.memory_space<hbm>>) target(%arg7 : memref<64x48xf32, #tpu.memory_space<vmem>>) offsets(%dma_start3A_41 : memref<64xi32, #tpu.memory_space<vmem>>) semaphore(%arg14 : memref<!tpu.dma_semaphore, #tpu.memory_space<semaphore_mem>>)
      %dma_start3A_45 = arith.constant 2 : i32
      %dma_start3A_46 = arith.constant 0 : i32
      %dma_start3A_47 = tpu.memref_slice %arg10[%dma_start3A_45, %dma_start3A_46] : memref<32x64xi32, #tpu.memory_space<vmem>> -> memref<1x64xi32, #tpu.memory_space<vmem>>
      %dma_start3A_48 = tpu.memref_squeeze %dma_start3A_47 : memref<1x64xi32, #tpu.memory_space<vmem>> -> memref<64xi32, #tpu.memory_space<vmem>>
      %dma_start3A_49 = arith.constant 0 : i32
      %dma_start3A_50 = arith.constant 0 : i32
      %dma_start3A_51 = tpu.memref_slice %arg2[%dma_start3A_49, %dma_start3A_50] : memref<10240x48xf32, #tpu.memory_space<hbm>> -> memref<10240x48xf32, #tpu.memory_space<hbm>>
      tpu.enqueue_indirect_dma source(%dma_start3A_51 : memref<10240x48xf32, #tpu.memory_space<hbm>>) target(%arg8 : memref<64x48xf32, #tpu.memory_space<vmem>>) offsets(%dma_start3A_48 : memref<64xi32, #tpu.memory_space<vmem>>) semaphore(%arg15 : memref<!tpu.dma_semaphore, #tpu.memory_space<semaphore_mem>>)
      %scan3A_52 = arith.constant 0 : i32
      %scan3A_53 = arith.constant 0 : i32
      %scan3A_54 = arith.constant 8 : i32
      %scan3A_55 = arith.addi %scan3A_53, %scan3A_54 : i32
      %scan3A_56 = arith.constant 1 : i32
      %scan3A_57 = scf.for %scan3A_87 = %scan3A_53 to %scan3A_55 step %scan3A_56 iter_args(%scan3A_88 = %scan3A_52) -> (i32)  : i32 {
        %mul3A_89 = arith.constant 4 : i32
        %mul3A_90 = arith.muli %scan3A_87, %mul3A_89 : i32
        %add3A_91 = arith.constant 0 : i32
        %add3A_92 = arith.addi %mul3A_90, %add3A_91 : i32
        %dma_wait3A_93 = arith.constant 0 : i32
        %dma_wait3A_94 = tpu.memref_slice %arg10[%add3A_92, %dma_wait3A_93] : memref<32x64xi32, #tpu.memory_space<vmem>> -> memref<1x64xi32, #tpu.memory_space<vmem>>
        %dma_wait3A_95 = tpu.memref_squeeze %dma_wait3A_94 : memref<1x64xi32, #tpu.memory_space<vmem>> -> memref<64xi32, #tpu.memory_space<vmem>>
        %dma_wait3A_96 = arith.constant 0 : i32
        %dma_wait3A_97 = arith.constant 0 : i32
        %dma_wait3A_98 = tpu.memref_slice %arg2[%dma_wait3A_96, %dma_wait3A_97] : memref<10240x48xf32, #tpu.memory_space<hbm>> -> memref<10240x48xf32, #tpu.memory_space<hbm>>
        tpu.wait_indirect_dma semaphore(%arg13 : memref<!tpu.dma_semaphore, #tpu.memory_space<semaphore_mem>>) src(%dma_wait3A_98 : memref<10240x48xf32, #tpu.memory_space<hbm>>) dst(%arg6 : memref<64x48xf32, #tpu.memory_space<vmem>>)
        %dma_start3A_99 = arith.constant 0 : i32
        %dma_start3A_100 = tpu.memref_slice %arg11[%add3A_92, %dma_start3A_99] : memref<32x64xi32, #tpu.memory_space<vmem>> -> memref<1x64xi32, #tpu.memory_space<vmem>>
        %dma_start3A_101 = tpu.memref_squeeze %dma_start3A_100 : memref<1x64xi32, #tpu.memory_space<vmem>> -> memref<64xi32, #tpu.memory_space<vmem>>
        %dma_start3A_102 = arith.constant 0 : i32
        %dma_start3A_103 = arith.constant 0 : i32
        %dma_start3A_104 = tpu.memref_slice %arg12[%dma_start3A_102, %dma_start3A_103] : memref<10240x48xf32, #tpu.memory_space<vmem_shared>> -> memref<10240x48xf32, #tpu.memory_space<vmem_shared>>
        tpu.enqueue_indirect_dma source(%arg6 : memref<64x48xf32, #tpu.memory_space<vmem>>) target(%dma_start3A_104 : memref<10240x48xf32, #tpu.memory_space<vmem_shared>>) offsets(%dma_start3A_101 : memref<64xi32, #tpu.memory_space<vmem>>) semaphore(%arg17 : memref<!tpu.dma_semaphore, #tpu.memory_space<semaphore_mem>>) {add = true}
        %add3A_105 = arith.constant 4 : i32
        %add3A_106 = arith.addi %add3A_92, %add3A_105 : i32
        %sub3A = arith.constant 1 : i32
        %sub3A_107 = arith.subi %add3A_106, %sub3A : i32
        %lt3A = arith.constant 32 : i32
        %lt3A_108 = arith.cmpi slt, %sub3A_107, %lt3A : i32
        %convert_element_type3A = arith.extui %lt3A_108 : i1 to i32
        %cond3A = arith.constant 0 : i32
        %cond3A_109 = arith.cmpi ne, %convert_element_type3A, %cond3A : i32
        scf.if %cond3A_109 {
          %gt3A = arith.constant 0 : i32
          %gt3A_186 = arith.cmpi sgt, %add3A_92, %gt3A : i32
          %convert_element_type3A_187 = arith.extui %gt3A_186 : i1 to i32
          %cond3A_188 = arith.constant 0 : i32
          %cond3A_189 = arith.cmpi ne, %convert_element_type3A_187, %cond3A_188 : i32
          scf.if %cond3A_189 {
            %sub3A_200 = arith.constant 1 : i32
            %sub3A_201 = arith.subi %add3A_92, %sub3A_200 : i32
            %dma_wait3A_202 = arith.constant 0 : i32
            %dma_wait3A_203 = tpu.memref_slice %arg11[%sub3A_201, %dma_wait3A_202] : memref<32x64xi32, #tpu.memory_space<vmem>> -> memref<1x64xi32, #tpu.memory_space<vmem>>
            %dma_wait3A_204 = tpu.memref_squeeze %dma_wait3A_203 : memref<1x64xi32, #tpu.memory_space<vmem>> -> memref<64xi32, #tpu.memory_space<vmem>>
            %dma_wait3A_205 = arith.constant 0 : i32
            %dma_wait3A_206 = arith.constant 0 : i32
            %dma_wait3A_207 = tpu.memref_slice %arg12[%dma_wait3A_205, %dma_wait3A_206] : memref<10240x48xf32, #tpu.memory_space<vmem_shared>> -> memref<10240x48xf32, #tpu.memory_space<vmem_shared>>
            tpu.wait_indirect_dma semaphore(%arg20 : memref<!tpu.dma_semaphore, #tpu.memory_space<semaphore_mem>>) src(%arg9 : memref<64x48xf32, #tpu.memory_space<vmem>>) dst(%dma_wait3A_207 : memref<10240x48xf32, #tpu.memory_space<vmem_shared>>)
          } else {
          }
          %add3A_190 = arith.constant 4 : i32
          %add3A_191 = arith.addi %add3A_92, %add3A_190 : i32
          %sub3A_192 = arith.constant 1 : i32
          %sub3A_193 = arith.subi %add3A_191, %sub3A_192 : i32
          %dma_start3A_194 = arith.constant 0 : i32
          %dma_start3A_195 = tpu.memref_slice %arg10[%sub3A_193, %dma_start3A_194] : memref<32x64xi32, #tpu.memory_space<vmem>> -> memref<1x64xi32, #tpu.memory_space<vmem>>
          %dma_start3A_196 = tpu.memref_squeeze %dma_start3A_195 : memref<1x64xi32, #tpu.memory_space<vmem>> -> memref<64xi32, #tpu.memory_space<vmem>>
          %dma_start3A_197 = arith.constant 0 : i32
          %dma_start3A_198 = arith.constant 0 : i32
          %dma_start3A_199 = tpu.memref_slice %arg2[%dma_start3A_197, %dma_start3A_198] : memref<10240x48xf32, #tpu.memory_space<hbm>> -> memref<10240x48xf32, #tpu.memory_space<hbm>>
          tpu.enqueue_indirect_dma source(%dma_start3A_199 : memref<10240x48xf32, #tpu.memory_space<hbm>>) target(%arg9 : memref<64x48xf32, #tpu.memory_space<vmem>>) offsets(%dma_start3A_196 : memref<64xi32, #tpu.memory_space<vmem>>) semaphore(%arg16 : memref<!tpu.dma_semaphore, #tpu.memory_space<semaphore_mem>>)
        } else {
        }
        %mul3A_110 = arith.constant 4 : i32
        %mul3A_111 = arith.muli %scan3A_87, %mul3A_110 : i32
        %add3A_112 = arith.constant 1 : i32
        %add3A_113 = arith.addi %mul3A_111, %add3A_112 : i32
        %dma_wait3A_114 = arith.constant 0 : i32
        %dma_wait3A_115 = tpu.memref_slice %arg10[%add3A_113, %dma_wait3A_114] : memref<32x64xi32, #tpu.memory_space<vmem>> -> memref<1x64xi32, #tpu.memory_space<vmem>>
        %dma_wait3A_116 = tpu.memref_squeeze %dma_wait3A_115 : memref<1x64xi32, #tpu.memory_space<vmem>> -> memref<64xi32, #tpu.memory_space<vmem>>
        %dma_wait3A_117 = arith.constant 0 : i32
        %dma_wait3A_118 = arith.constant 0 : i32
        %dma_wait3A_119 = tpu.memref_slice %arg2[%dma_wait3A_117, %dma_wait3A_118] : memref<10240x48xf32, #tpu.memory_space<hbm>> -> memref<10240x48xf32, #tpu.memory_space<hbm>>
        tpu.wait_indirect_dma semaphore(%arg14 : memref<!tpu.dma_semaphore, #tpu.memory_space<semaphore_mem>>) src(%dma_wait3A_119 : memref<10240x48xf32, #tpu.memory_space<hbm>>) dst(%arg7 : memref<64x48xf32, #tpu.memory_space<vmem>>)
        %dma_start3A_120 = arith.constant 0 : i32
        %dma_start3A_121 = tpu.memref_slice %arg11[%add3A_113, %dma_start3A_120] : memref<32x64xi32, #tpu.memory_space<vmem>> -> memref<1x64xi32, #tpu.memory_space<vmem>>
        %dma_start3A_122 = tpu.memref_squeeze %dma_start3A_121 : memref<1x64xi32, #tpu.memory_space<vmem>> -> memref<64xi32, #tpu.memory_space<vmem>>
        %dma_start3A_123 = arith.constant 0 : i32
        %dma_start3A_124 = arith.constant 0 : i32
        %dma_start3A_125 = tpu.memref_slice %arg12[%dma_start3A_123, %dma_start3A_124] : memref<10240x48xf32, #tpu.memory_space<vmem_shared>> -> memref<10240x48xf32, #tpu.memory_space<vmem_shared>>
        tpu.enqueue_indirect_dma source(%arg7 : memref<64x48xf32, #tpu.memory_space<vmem>>) target(%dma_start3A_125 : memref<10240x48xf32, #tpu.memory_space<vmem_shared>>) offsets(%dma_start3A_122 : memref<64xi32, #tpu.memory_space<vmem>>) semaphore(%arg18 : memref<!tpu.dma_semaphore, #tpu.memory_space<semaphore_mem>>) {add = true}
        %add3A_126 = arith.constant 4 : i32
        %add3A_127 = arith.addi %add3A_113, %add3A_126 : i32
        %sub3A_128 = arith.constant 1 : i32
        %sub3A_129 = arith.subi %add3A_127, %sub3A_128 : i32
        %lt3A_130 = arith.constant 32 : i32
        %lt3A_131 = arith.cmpi slt, %sub3A_129, %lt3A_130 : i32
        %convert_element_type3A_132 = arith.extui %lt3A_131 : i1 to i32
        %cond3A_133 = arith.constant 0 : i32
        %cond3A_134 = arith.cmpi ne, %convert_element_type3A_132, %cond3A_133 : i32
        scf.if %cond3A_134 {
          %gt3A = arith.constant 0 : i32
          %gt3A_186 = arith.cmpi sgt, %add3A_113, %gt3A : i32
          %convert_element_type3A_187 = arith.extui %gt3A_186 : i1 to i32
          %cond3A_188 = arith.constant 0 : i32
          %cond3A_189 = arith.cmpi ne, %convert_element_type3A_187, %cond3A_188 : i32
          scf.if %cond3A_189 {
            %sub3A_200 = arith.constant 1 : i32
            %sub3A_201 = arith.subi %add3A_113, %sub3A_200 : i32
            %dma_wait3A_202 = arith.constant 0 : i32
            %dma_wait3A_203 = tpu.memref_slice %arg11[%sub3A_201, %dma_wait3A_202] : memref<32x64xi32, #tpu.memory_space<vmem>> -> memref<1x64xi32, #tpu.memory_space<vmem>>
            %dma_wait3A_204 = tpu.memref_squeeze %dma_wait3A_203 : memref<1x64xi32, #tpu.memory_space<vmem>> -> memref<64xi32, #tpu.memory_space<vmem>>
            %dma_wait3A_205 = arith.constant 0 : i32
            %dma_wait3A_206 = arith.constant 0 : i32
            %dma_wait3A_207 = tpu.memref_slice %arg12[%dma_wait3A_205, %dma_wait3A_206] : memref<10240x48xf32, #tpu.memory_space<vmem_shared>> -> memref<10240x48xf32, #tpu.memory_space<vmem_shared>>
            tpu.wait_indirect_dma semaphore(%arg17 : memref<!tpu.dma_semaphore, #tpu.memory_space<semaphore_mem>>) src(%arg6 : memref<64x48xf32, #tpu.memory_space<vmem>>) dst(%dma_wait3A_207 : memref<10240x48xf32, #tpu.memory_space<vmem_shared>>)
          } else {
          }
          %add3A_190 = arith.constant 4 : i32
          %add3A_191 = arith.addi %add3A_113, %add3A_190 : i32
          %sub3A_192 = arith.constant 1 : i32
          %sub3A_193 = arith.subi %add3A_191, %sub3A_192 : i32
          %dma_start3A_194 = arith.constant 0 : i32
          %dma_start3A_195 = tpu.memref_slice %arg10[%sub3A_193, %dma_start3A_194] : memref<32x64xi32, #tpu.memory_space<vmem>> -> memref<1x64xi32, #tpu.memory_space<vmem>>
          %dma_start3A_196 = tpu.memref_squeeze %dma_start3A_195 : memref<1x64xi32, #tpu.memory_space<vmem>> -> memref<64xi32, #tpu.memory_space<vmem>>
          %dma_start3A_197 = arith.constant 0 : i32
          %dma_start3A_198 = arith.constant 0 : i32
          %dma_start3A_199 = tpu.memref_slice %arg2[%dma_start3A_197, %dma_start3A_198] : memref<10240x48xf32, #tpu.memory_space<hbm>> -> memref<10240x48xf32, #tpu.memory_space<hbm>>
          tpu.enqueue_indirect_dma source(%dma_start3A_199 : memref<10240x48xf32, #tpu.memory_space<hbm>>) target(%arg6 : memref<64x48xf32, #tpu.memory_space<vmem>>) offsets(%dma_start3A_196 : memref<64xi32, #tpu.memory_space<vmem>>) semaphore(%arg13 : memref<!tpu.dma_semaphore, #tpu.memory_space<semaphore_mem>>)
        } else {
        }
        %mul3A_135 = arith.constant 4 : i32
        %mul3A_136 = arith.muli %scan3A_87, %mul3A_135 : i32
        %add3A_137 = arith.constant 2 : i32
        %add3A_138 = arith.addi %mul3A_136, %add3A_137 : i32
        %dma_wait3A_139 = arith.constant 0 : i32
        %dma_wait3A_140 = tpu.memref_slice %arg10[%add3A_138, %dma_wait3A_139] : memref<32x64xi32, #tpu.memory_space<vmem>> -> memref<1x64xi32, #tpu.memory_space<vmem>>
        %dma_wait3A_141 = tpu.memref_squeeze %dma_wait3A_140 : memref<1x64xi32, #tpu.memory_space<vmem>> -> memref<64xi32, #tpu.memory_space<vmem>>
        %dma_wait3A_142 = arith.constant 0 : i32
        %dma_wait3A_143 = arith.constant 0 : i32
        %dma_wait3A_144 = tpu.memref_slice %arg2[%dma_wait3A_142, %dma_wait3A_143] : memref<10240x48xf32, #tpu.memory_space<hbm>> -> memref<10240x48xf32, #tpu.memory_space<hbm>>
        tpu.wait_indirect_dma semaphore(%arg15 : memref<!tpu.dma_semaphore, #tpu.memory_space<semaphore_mem>>) src(%dma_wait3A_144 : memref<10240x48xf32, #tpu.memory_space<hbm>>) dst(%arg8 : memref<64x48xf32, #tpu.memory_space<vmem>>)
        %dma_start3A_145 = arith.constant 0 : i32
        %dma_start3A_146 = tpu.memref_slice %arg11[%add3A_138, %dma_start3A_145] : memref<32x64xi32, #tpu.memory_space<vmem>> -> memref<1x64xi32, #tpu.memory_space<vmem>>
        %dma_start3A_147 = tpu.memref_squeeze %dma_start3A_146 : memref<1x64xi32, #tpu.memory_space<vmem>> -> memref<64xi32, #tpu.memory_space<vmem>>
        %dma_start3A_148 = arith.constant 0 : i32
        %dma_start3A_149 = arith.constant 0 : i32
        %dma_start3A_150 = tpu.memref_slice %arg12[%dma_start3A_148, %dma_start3A_149] : memref<10240x48xf32, #tpu.memory_space<vmem_shared>> -> memref<10240x48xf32, #tpu.memory_space<vmem_shared>>
        tpu.enqueue_indirect_dma source(%arg8 : memref<64x48xf32, #tpu.memory_space<vmem>>) target(%dma_start3A_150 : memref<10240x48xf32, #tpu.memory_space<vmem_shared>>) offsets(%dma_start3A_147 : memref<64xi32, #tpu.memory_space<vmem>>) semaphore(%arg19 : memref<!tpu.dma_semaphore, #tpu.memory_space<semaphore_mem>>) {add = true}
        %add3A_151 = arith.constant 4 : i32
        %add3A_152 = arith.addi %add3A_138, %add3A_151 : i32
        %sub3A_153 = arith.constant 1 : i32
        %sub3A_154 = arith.subi %add3A_152, %sub3A_153 : i32
        %lt3A_155 = arith.constant 32 : i32
        %lt3A_156 = arith.cmpi slt, %sub3A_154, %lt3A_155 : i32
        %convert_element_type3A_157 = arith.extui %lt3A_156 : i1 to i32
        %cond3A_158 = arith.constant 0 : i32
        %cond3A_159 = arith.cmpi ne, %convert_element_type3A_157, %cond3A_158 : i32
        scf.if %cond3A_159 {
          %gt3A = arith.constant 0 : i32
          %gt3A_186 = arith.cmpi sgt, %add3A_138, %gt3A : i32
          %convert_element_type3A_187 = arith.extui %gt3A_186 : i1 to i32
          %cond3A_188 = arith.constant 0 : i32
          %cond3A_189 = arith.cmpi ne, %convert_element_type3A_187, %cond3A_188 : i32
          scf.if %cond3A_189 {
            %sub3A_200 = arith.constant 1 : i32
            %sub3A_201 = arith.subi %add3A_138, %sub3A_200 : i32
            %dma_wait3A_202 = arith.constant 0 : i32
            %dma_wait3A_203 = tpu.memref_slice %arg11[%sub3A_201, %dma_wait3A_202] : memref<32x64xi32, #tpu.memory_space<vmem>> -> memref<1x64xi32, #tpu.memory_space<vmem>>
            %dma_wait3A_204 = tpu.memref_squeeze %dma_wait3A_203 : memref<1x64xi32, #tpu.memory_space<vmem>> -> memref<64xi32, #tpu.memory_space<vmem>>
            %dma_wait3A_205 = arith.constant 0 : i32
            %dma_wait3A_206 = arith.constant 0 : i32
            %dma_wait3A_207 = tpu.memref_slice %arg12[%dma_wait3A_205, %dma_wait3A_206] : memref<10240x48xf32, #tpu.memory_space<vmem_shared>> -> memref<10240x48xf32, #tpu.memory_space<vmem_shared>>
            tpu.wait_indirect_dma semaphore(%arg18 : memref<!tpu.dma_semaphore, #tpu.memory_space<semaphore_mem>>) src(%arg7 : memref<64x48xf32, #tpu.memory_space<vmem>>) dst(%dma_wait3A_207 : memref<10240x48xf32, #tpu.memory_space<vmem_shared>>)
          } else {
          }
          %add3A_190 = arith.constant 4 : i32
          %add3A_191 = arith.addi %add3A_138, %add3A_190 : i32
          %sub3A_192 = arith.constant 1 : i32
          %sub3A_193 = arith.subi %add3A_191, %sub3A_192 : i32
          %dma_start3A_194 = arith.constant 0 : i32
          %dma_start3A_195 = tpu.memref_slice %arg10[%sub3A_193, %dma_start3A_194] : memref<32x64xi32, #tpu.memory_space<vmem>> -> memref<1x64xi32, #tpu.memory_space<vmem>>
          %dma_start3A_196 = tpu.memref_squeeze %dma_start3A_195 : memref<1x64xi32, #tpu.memory_space<vmem>> -> memref<64xi32, #tpu.memory_space<vmem>>
          %dma_start3A_197 = arith.constant 0 : i32
          %dma_start3A_198 = arith.constant 0 : i32
          %dma_start3A_199 = tpu.memref_slice %arg2[%dma_start3A_197, %dma_start3A_198] : memref<10240x48xf32, #tpu.memory_space<hbm>> -> memref<10240x48xf32, #tpu.memory_space<hbm>>
          tpu.enqueue_indirect_dma source(%dma_start3A_199 : memref<10240x48xf32, #tpu.memory_space<hbm>>) target(%arg7 : memref<64x48xf32, #tpu.memory_space<vmem>>) offsets(%dma_start3A_196 : memref<64xi32, #tpu.memory_space<vmem>>) semaphore(%arg14 : memref<!tpu.dma_semaphore, #tpu.memory_space<semaphore_mem>>)
        } else {
        }
        %mul3A_160 = arith.constant 4 : i32
        %mul3A_161 = arith.muli %scan3A_87, %mul3A_160 : i32
        %add3A_162 = arith.constant 3 : i32
        %add3A_163 = arith.addi %mul3A_161, %add3A_162 : i32
        %dma_wait3A_164 = arith.constant 0 : i32
        %dma_wait3A_165 = tpu.memref_slice %arg10[%add3A_163, %dma_wait3A_164] : memref<32x64xi32, #tpu.memory_space<vmem>> -> memref<1x64xi32, #tpu.memory_space<vmem>>
        %dma_wait3A_166 = tpu.memref_squeeze %dma_wait3A_165 : memref<1x64xi32, #tpu.memory_space<vmem>> -> memref<64xi32, #tpu.memory_space<vmem>>
        %dma_wait3A_167 = arith.constant 0 : i32
        %dma_wait3A_168 = arith.constant 0 : i32
        %dma_wait3A_169 = tpu.memref_slice %arg2[%dma_wait3A_167, %dma_wait3A_168] : memref<10240x48xf32, #tpu.memory_space<hbm>> -> memref<10240x48xf32, #tpu.memory_space<hbm>>
        tpu.wait_indirect_dma semaphore(%arg16 : memref<!tpu.dma_semaphore, #tpu.memory_space<semaphore_mem>>) src(%dma_wait3A_169 : memref<10240x48xf32, #tpu.memory_space<hbm>>) dst(%arg9 : memref<64x48xf32, #tpu.memory_space<vmem>>)
        %dma_start3A_170 = arith.constant 0 : i32
        %dma_start3A_171 = tpu.memref_slice %arg11[%add3A_163, %dma_start3A_170] : memref<32x64xi32, #tpu.memory_space<vmem>> -> memref<1x64xi32, #tpu.memory_space<vmem>>
        %dma_start3A_172 = tpu.memref_squeeze %dma_start3A_171 : memref<1x64xi32, #tpu.memory_space<vmem>> -> memref<64xi32, #tpu.memory_space<vmem>>
        %dma_start3A_173 = arith.constant 0 : i32
        %dma_start3A_174 = arith.constant 0 : i32
        %dma_start3A_175 = tpu.memref_slice %arg12[%dma_start3A_173, %dma_start3A_174] : memref<10240x48xf32, #tpu.memory_space<vmem_shared>> -> memref<10240x48xf32, #tpu.memory_space<vmem_shared>>
        tpu.enqueue_indirect_dma source(%arg9 : memref<64x48xf32, #tpu.memory_space<vmem>>) target(%dma_start3A_175 : memref<10240x48xf32, #tpu.memory_space<vmem_shared>>) offsets(%dma_start3A_172 : memref<64xi32, #tpu.memory_space<vmem>>) semaphore(%arg20 : memref<!tpu.dma_semaphore, #tpu.memory_space<semaphore_mem>>) {add = true}
        %add3A_176 = arith.constant 4 : i32
        %add3A_177 = arith.addi %add3A_163, %add3A_176 : i32
        %sub3A_178 = arith.constant 1 : i32
        %sub3A_179 = arith.subi %add3A_177, %sub3A_178 : i32
        %lt3A_180 = arith.constant 32 : i32
        %lt3A_181 = arith.cmpi slt, %sub3A_179, %lt3A_180 : i32
        %convert_element_type3A_182 = arith.extui %lt3A_181 : i1 to i32
        %cond3A_183 = arith.constant 0 : i32
        %cond3A_184 = arith.cmpi ne, %convert_element_type3A_182, %cond3A_183 : i32
        scf.if %cond3A_184 {
          %gt3A = arith.constant 0 : i32
          %gt3A_186 = arith.cmpi sgt, %add3A_163, %gt3A : i32
          %convert_element_type3A_187 = arith.extui %gt3A_186 : i1 to i32
          %cond3A_188 = arith.constant 0 : i32
          %cond3A_189 = arith.cmpi ne, %convert_element_type3A_187, %cond3A_188 : i32
          scf.if %cond3A_189 {
            %sub3A_200 = arith.constant 1 : i32
            %sub3A_201 = arith.subi %add3A_163, %sub3A_200 : i32
            %dma_wait3A_202 = arith.constant 0 : i32
            %dma_wait3A_203 = tpu.memref_slice %arg11[%sub3A_201, %dma_wait3A_202] : memref<32x64xi32, #tpu.memory_space<vmem>> -> memref<1x64xi32, #tpu.memory_space<vmem>>
            %dma_wait3A_204 = tpu.memref_squeeze %dma_wait3A_203 : memref<1x64xi32, #tpu.memory_space<vmem>> -> memref<64xi32, #tpu.memory_space<vmem>>
            %dma_wait3A_205 = arith.constant 0 : i32
            %dma_wait3A_206 = arith.constant 0 : i32
            %dma_wait3A_207 = tpu.memref_slice %arg12[%dma_wait3A_205, %dma_wait3A_206] : memref<10240x48xf32, #tpu.memory_space<vmem_shared>> -> memref<10240x48xf32, #tpu.memory_space<vmem_shared>>
            tpu.wait_indirect_dma semaphore(%arg19 : memref<!tpu.dma_semaphore, #tpu.memory_space<semaphore_mem>>) src(%arg8 : memref<64x48xf32, #tpu.memory_space<vmem>>) dst(%dma_wait3A_207 : memref<10240x48xf32, #tpu.memory_space<vmem_shared>>)
          } else {
          }
          %add3A_190 = arith.constant 4 : i32
          %add3A_191 = arith.addi %add3A_163, %add3A_190 : i32
          %sub3A_192 = arith.constant 1 : i32
          %sub3A_193 = arith.subi %add3A_191, %sub3A_192 : i32
          %dma_start3A_194 = arith.constant 0 : i32
          %dma_start3A_195 = tpu.memref_slice %arg10[%sub3A_193, %dma_start3A_194] : memref<32x64xi32, #tpu.memory_space<vmem>> -> memref<1x64xi32, #tpu.memory_space<vmem>>
          %dma_start3A_196 = tpu.memref_squeeze %dma_start3A_195 : memref<1x64xi32, #tpu.memory_space<vmem>> -> memref<64xi32, #tpu.memory_space<vmem>>
          %dma_start3A_197 = arith.constant 0 : i32
          %dma_start3A_198 = arith.constant 0 : i32
          %dma_start3A_199 = tpu.memref_slice %arg2[%dma_start3A_197, %dma_start3A_198] : memref<10240x48xf32, #tpu.memory_space<hbm>> -> memref<10240x48xf32, #tpu.memory_space<hbm>>
          tpu.enqueue_indirect_dma source(%dma_start3A_199 : memref<10240x48xf32, #tpu.memory_space<hbm>>) target(%arg8 : memref<64x48xf32, #tpu.memory_space<vmem>>) offsets(%dma_start3A_196 : memref<64xi32, #tpu.memory_space<vmem>>) semaphore(%arg15 : memref<!tpu.dma_semaphore, #tpu.memory_space<semaphore_mem>>)
        } else {
        }
        %scan3A_185 = arith.constant 0 : i32
        scf.yield %scan3A_185 : i32
      }
      %scan3A_58 = arith.constant 8 : i32
      %dma_wait3A = arith.constant 28 : i32
      %dma_wait3A_59 = arith.constant 0 : i32
      %dma_wait3A_60 = tpu.memref_slice %arg11[%dma_wait3A, %dma_wait3A_59] : memref<32x64xi32, #tpu.memory_space<vmem>> -> memref<1x64xi32, #tpu.memory_space<vmem>>
      %dma_wait3A_61 = tpu.memref_squeeze %dma_wait3A_60 : memref<1x64xi32, #tpu.memory_space<vmem>> -> memref<64xi32, #tpu.memory_space<vmem>>
      %dma_wait3A_62 = arith.constant 0 : i32
      %dma_wait3A_63 = arith.constant 0 : i32
      %dma_wait3A_64 = tpu.memref_slice %arg12[%dma_wait3A_62, %dma_wait3A_63] : memref<10240x48xf32, #tpu.memory_space<vmem_shared>> -> memref<10240x48xf32, #tpu.memory_space<vmem_shared>>
      tpu.wait_indirect_dma semaphore(%arg17 : memref<!tpu.dma_semaphore, #tpu.memory_space<semaphore_mem>>) src(%arg6 : memref<64x48xf32, #tpu.memory_space<vmem>>) dst(%dma_wait3A_64 : memref<10240x48xf32, #tpu.memory_space<vmem_shared>>)
      %dma_wait3A_65 = arith.constant 29 : i32
      %dma_wait3A_66 = arith.constant 0 : i32
      %dma_wait3A_67 = tpu.memref_slice %arg11[%dma_wait3A_65, %dma_wait3A_66] : memref<32x64xi32, #tpu.memory_space<vmem>> -> memref<1x64xi32, #tpu.memory_space<vmem>>
      %dma_wait3A_68 = tpu.memref_squeeze %dma_wait3A_67 : memref<1x64xi32, #tpu.memory_space<vmem>> -> memref<64xi32, #tpu.memory_space<vmem>>
      %dma_wait3A_69 = arith.constant 0 : i32
      %dma_wait3A_70 = arith.constant 0 : i32
      %dma_wait3A_71 = tpu.memref_slice %arg12[%dma_wait3A_69, %dma_wait3A_70] : memref<10240x48xf32, #tpu.memory_space<vmem_shared>> -> memref<10240x48xf32, #tpu.memory_space<vmem_shared>>
      tpu.wait_indirect_dma semaphore(%arg18 : memref<!tpu.dma_semaphore, #tpu.memory_space<semaphore_mem>>) src(%arg7 : memref<64x48xf32, #tpu.memory_space<vmem>>) dst(%dma_wait3A_71 : memref<10240x48xf32, #tpu.memory_space<vmem_shared>>)
      %dma_wait3A_72 = arith.constant 30 : i32
      %dma_wait3A_73 = arith.constant 0 : i32
      %dma_wait3A_74 = tpu.memref_slice %arg11[%dma_wait3A_72, %dma_wait3A_73] : memref<32x64xi32, #tpu.memory_space<vmem>> -> memref<1x64xi32, #tpu.memory_space<vmem>>
      %dma_wait3A_75 = tpu.memref_squeeze %dma_wait3A_74 : memref<1x64xi32, #tpu.memory_space<vmem>> -> memref<64xi32, #tpu.memory_space<vmem>>
      %dma_wait3A_76 = arith.constant 0 : i32
      %dma_wait3A_77 = arith.constant 0 : i32
      %dma_wait3A_78 = tpu.memref_slice %arg12[%dma_wait3A_76, %dma_wait3A_77] : memref<10240x48xf32, #tpu.memory_space<vmem_shared>> -> memref<10240x48xf32, #tpu.memory_space<vmem_shared>>
      tpu.wait_indirect_dma semaphore(%arg19 : memref<!tpu.dma_semaphore, #tpu.memory_space<semaphore_mem>>) src(%arg8 : memref<64x48xf32, #tpu.memory_space<vmem>>) dst(%dma_wait3A_78 : memref<10240x48xf32, #tpu.memory_space<vmem_shared>>)
      %dma_wait3A_79 = arith.constant 31 : i32
      %dma_wait3A_80 = arith.constant 0 : i32
      %dma_wait3A_81 = tpu.memref_slice %arg11[%dma_wait3A_79, %dma_wait3A_80] : memref<32x64xi32, #tpu.memory_space<vmem>> -> memref<1x64xi32, #tpu.memory_space<vmem>>
      %dma_wait3A_82 = tpu.memref_squeeze %dma_wait3A_81 : memref<1x64xi32, #tpu.memory_space<vmem>> -> memref<64xi32, #tpu.memory_space<vmem>>
      %dma_wait3A_83 = arith.constant 0 : i32
      %dma_wait3A_84 = arith.constant 0 : i32
      %dma_wait3A_85 = tpu.memref_slice %arg12[%dma_wait3A_83, %dma_wait3A_84] : memref<10240x48xf32, #tpu.memory_space<vmem_shared>> -> memref<10240x48xf32, #tpu.memory_space<vmem_shared>>
      tpu.wait_indirect_dma semaphore(%arg20 : memref<!tpu.dma_semaphore, #tpu.memory_space<semaphore_mem>>) src(%arg9 : memref<64x48xf32, #tpu.memory_space<vmem>>) dst(%dma_wait3A_85 : memref<10240x48xf32, #tpu.memory_space<vmem_shared>>)
      %scan3A_86 = arith.constant 0 : i32
      scf.yield %scan3A_86 : i32
    }
    %scan3A_20 = arith.constant 5 : i32
    %barrier3A_21 = arith.constant 0 : index
    tpu.barrier barrier_id(%barrier3A_21)
    %mul3A_22 = arith.constant 640 : i32
    %mul3A_23 = arith.muli %arg1, %mul3A_22 : i32
    %mul3A_24 = arith.constant 640 : i32
    %mul3A_25 = arith.muli %arg1, %mul3A_24 : i32
    "tpu.region"() ({
      %run_scoped3A = tpu.sem_alloc : memref<!tpu.dma_semaphore, #tpu.memory_space<semaphore_mem>>
      %dma_start3A = arith.constant 0 : i32
      %dma_start3A_26 = tpu.memref_slice %arg5[%arg0, %mul3A_25, %dma_start3A] : memref<2x10240x48xf32, #tpu.memory_space<hbm>> -> memref<1x640x48xf32, #tpu.memory_space<hbm>>
      %dma_start3A_27 = tpu.memref_squeeze %dma_start3A_26 : memref<1x640x48xf32, #tpu.memory_space<hbm>> -> memref<640x48xf32, #tpu.memory_space<hbm>>
      %dma_start3A_28 = arith.constant 0 : i32
      %dma_start3A_29 = tpu.memref_slice %arg12[%mul3A_23, %dma_start3A_28] : memref<10240x48xf32, #tpu.memory_space<vmem_shared>> -> memref<640x48xf32, #tpu.memory_space<vmem_shared>>
      tpu.enqueue_dma source(%dma_start3A_29 : memref<640x48xf32, #tpu.memory_space<vmem_shared>>) target(%dma_start3A_27 : memref<640x48xf32, #tpu.memory_space<hbm>>) target_semaphore(%run_scoped3A : memref<!tpu.dma_semaphore, #tpu.memory_space<semaphore_mem>>)
      %dma_wait3A = arith.constant 0 : i32
      %dma_wait3A_30 = tpu.memref_slice %arg5[%arg0, %mul3A_25, %dma_wait3A] : memref<2x10240x48xf32, #tpu.memory_space<hbm>> -> memref<1x640x48xf32, #tpu.memory_space<hbm>>
      %dma_wait3A_31 = tpu.memref_squeeze %dma_wait3A_30 : memref<1x640x48xf32, #tpu.memory_space<hbm>> -> memref<640x48xf32, #tpu.memory_space<hbm>>
      %dma_wait3A_32 = arith.constant 0 : i32
      %dma_wait3A_33 = tpu.memref_slice %arg12[%mul3A_23, %dma_wait3A_32] : memref<10240x48xf32, #tpu.memory_space<vmem_shared>> -> memref<640x48xf32, #tpu.memory_space<vmem_shared>>
      tpu.wait_dma2 semaphore(%run_scoped3A : memref<!tpu.dma_semaphore, #tpu.memory_space<semaphore_mem>>) src(%dma_wait3A_33 : memref<640x48xf32, #tpu.memory_space<vmem_shared>>) dst(%dma_wait3A_31 : memref<640x48xf32, #tpu.memory_space<hbm>>)
      tpu.yield
    }) : () -> ()
    return
  }
}

module attributes {stable_mosaic.version = 14 : i64} {
  func.func @_tc1_body(%arg0: memref<2x10240x1xf32, #tpu.memory_space<vmem>>, %arg1: memref<10240x128xf32, #tpu.memory_space<vmem>>, %arg2: memref<128x128xf32, #tpu.memory_space<vmem>>, %arg3: memref<10240x128xf32, #tpu.memory_space<vmem>>, %arg4: memref<10240x1xf32, #tpu.memory_space<vmem>>) attributes {dimension_semantics = [], scalar_prefetch = 0 : i64, scratch_operands = 0 : i64, tpu.core_type = #tpu.core_type<tc>} {
    %get3A = arith.constant 0 : index
    %get3A_0 = arith.constant 0 : index
    %get3A_1 = arith.constant 0 : index
    %get3A_2 = vector.load %arg0[%get3A, %get3A_0, %get3A_1] : memref<2x10240x1xf32, #tpu.memory_space<vmem>>, vector<1x10240x1xf32>
    %get3A_3 = vector.shape_cast %get3A_2 : vector<1x10240x1xf32> to vector<10240x1xf32>
    %get3A_4 = arith.constant 1 : index
    %get3A_5 = arith.constant 0 : index
    %get3A_6 = arith.constant 0 : index
    %get3A_7 = vector.load %arg0[%get3A_4, %get3A_5, %get3A_6] : memref<2x10240x1xf32, #tpu.memory_space<vmem>>, vector<1x10240x1xf32>
    %get3A_8 = vector.shape_cast %get3A_7 : vector<1x10240x1xf32> to vector<10240x1xf32>
    %add3A = arith.addf %get3A_3, %get3A_8 : vector<10240x1xf32>
    %add3A_9 = arith.constant 1.000000e+00 : f32
    %add3A_10 = vector.broadcast %add3A_9 : f32 to vector<10240x1xf32>
    %add3A_11 = arith.addf %add3A, %add3A_10 : vector<10240x1xf32>
    %rsqrt3A = math.rsqrt %add3A_11 : vector<10240x1xf32>
    %get3A_12 = arith.constant 0 : index
    %get3A_13 = arith.constant 0 : index
    %get3A_14 = vector.load %arg1[%get3A_12, %get3A_13] : memref<10240x128xf32, #tpu.memory_space<vmem>>, vector<10240x128xf32>
    %get3A_15 = arith.constant 0 : index
    %get3A_16 = arith.constant 0 : index
    %get3A_17 = vector.load %arg2[%get3A_15, %get3A_16] : memref<128x128xf32, #tpu.memory_space<vmem>>, vector<128x128xf32>
    %dot_general3A = arith.constant dense<0.000000e+00> : vector<10240x128xf32>
    %dot_general3A_18 = tpu.matmul %get3A_14, %get3A_17, %dot_general3A {dimension_numbers = #tpu.dot_dimension_numbers<[1], [0], [0], [1], [0, 0, 1, 1], [], []>, transpose_lhs_hint = false} : vector<10240x128xf32>, vector<128x128xf32>, vector<10240x128xf32> -> vector<10240x128xf32>
    %mul3A = vector.broadcast %rsqrt3A : vector<10240x1xf32> to vector<10240x128xf32>
    %mul3A_19 = arith.mulf %dot_general3A_18, %mul3A : vector<10240x128xf32>
    %swap3A = arith.constant 0 : index
    %swap3A_20 = arith.constant 0 : index
    %swap3A_21 = vector.load %arg3[%swap3A, %swap3A_20] : memref<10240x128xf32, #tpu.memory_space<vmem>>, vector<10240x128xf32>
    tpu.vector_store %arg3[%swap3A, %swap3A_20], %mul3A_19 {strides = array<i32>} : memref<10240x128xf32, #tpu.memory_space<vmem>>, vector<10240x128xf32>,
    %swap3A_22 = arith.constant 0 : index
    %swap3A_23 = arith.constant 0 : index
    %swap3A_24 = vector.load %arg4[%swap3A_22, %swap3A_23] : memref<10240x1xf32, #tpu.memory_space<vmem>>, vector<10240x1xf32>
    tpu.vector_store %arg4[%swap3A_22, %swap3A_23], %rsqrt3A {strides = array<i32>} : memref<10240x1xf32, #tpu.memory_space<vmem>>, vector<10240x1xf32>,
    return
  }
}

module attributes {stable_mosaic.version = 14 : i64} {
  func.func @_tc2_body(%arg0: memref<2x10240x128xf32, #tpu.memory_space<vmem>>, %arg1: memref<10240x128xf32, #tpu.memory_space<vmem>>, %arg2: memref<10240x1xf32, #tpu.memory_space<vmem>>, %arg3: memref<1x128xf32, #tpu.memory_space<vmem>>, %arg4: memref<128x48xf32, #tpu.memory_space<vmem>>, %arg5: memref<10240x48xf32, #tpu.memory_space<vmem>>) attributes {dimension_semantics = [], scalar_prefetch = 0 : i64, scratch_operands = 0 : i64, tpu.core_type = #tpu.core_type<tc>} {
    %get3A = arith.constant 0 : index
    %get3A_0 = arith.constant 0 : index
    %get3A_1 = vector.load %arg2[%get3A, %get3A_0] : memref<10240x1xf32, #tpu.memory_space<vmem>>, vector<10240x1xf32>
    %get3A_2 = arith.constant 0 : index
    %get3A_3 = arith.constant 0 : index
    %get3A_4 = arith.constant 0 : index
    %get3A_5 = vector.load %arg0[%get3A_2, %get3A_3, %get3A_4] : memref<2x10240x128xf32, #tpu.memory_space<vmem>>, vector<1x10240x128xf32>
    %get3A_6 = vector.shape_cast %get3A_5 : vector<1x10240x128xf32> to vector<10240x128xf32>
    %get3A_7 = arith.constant 1 : index
    %get3A_8 = arith.constant 0 : index
    %get3A_9 = arith.constant 0 : index
    %get3A_10 = vector.load %arg0[%get3A_7, %get3A_8, %get3A_9] : memref<2x10240x128xf32, #tpu.memory_space<vmem>>, vector<1x10240x128xf32>
    %get3A_11 = vector.shape_cast %get3A_10 : vector<1x10240x128xf32> to vector<10240x128xf32>
    %add3A = arith.addf %get3A_6, %get3A_11 : vector<10240x128xf32>
    %get3A_12 = arith.constant 0 : index
    %get3A_13 = arith.constant 0 : index
    %get3A_14 = vector.load %arg1[%get3A_12, %get3A_13] : memref<10240x128xf32, #tpu.memory_space<vmem>>, vector<10240x128xf32>
    %add3A_15 = arith.addf %add3A, %get3A_14 : vector<10240x128xf32>
    %mul3A = vector.broadcast %get3A_1 : vector<10240x1xf32> to vector<10240x128xf32>
    %mul3A_16 = arith.mulf %mul3A, %add3A_15 : vector<10240x128xf32>
    %get3A_17 = arith.constant 0 : index
    %get3A_18 = arith.constant 0 : index
    %get3A_19 = vector.load %arg3[%get3A_17, %get3A_18] : memref<1x128xf32, #tpu.memory_space<vmem>>, vector<1x128xf32>
    %add3A_20 = vector.broadcast %get3A_19 : vector<1x128xf32> to vector<10240x128xf32>
    %add3A_21 = arith.addf %mul3A_16, %add3A_20 : vector<10240x128xf32>
    %max3A = arith.constant 0.000000e+00 : f32
    %max3A_22 = vector.broadcast %max3A : f32 to vector<10240x128xf32>
    %max3A_23 = arith.maximumf %add3A_21, %max3A_22 : vector<10240x128xf32>
    %get3A_24 = arith.constant 0 : index
    %get3A_25 = arith.constant 0 : index
    %get3A_26 = vector.load %arg4[%get3A_24, %get3A_25] : memref<128x48xf32, #tpu.memory_space<vmem>>, vector<128x48xf32>
    %dot_general3A = arith.constant dense<0.000000e+00> : vector<10240x48xf32>
    %dot_general3A_27 = tpu.matmul %max3A_23, %get3A_26, %dot_general3A {dimension_numbers = #tpu.dot_dimension_numbers<[1], [0], [0], [1], [0, 0, 1, 1], [], []>, transpose_lhs_hint = false} : vector<10240x128xf32>, vector<128x48xf32>, vector<10240x48xf32> -> vector<10240x48xf32>
    %mul3A_28 = vector.broadcast %get3A_1 : vector<10240x1xf32> to vector<10240x48xf32>
    %mul3A_29 = arith.mulf %dot_general3A_27, %mul3A_28 : vector<10240x48xf32>
    %swap3A = arith.constant 0 : index
    %swap3A_30 = arith.constant 0 : index
    %swap3A_31 = vector.load %arg5[%swap3A, %swap3A_30] : memref<10240x48xf32, #tpu.memory_space<vmem>>, vector<10240x48xf32>
    tpu.vector_store %arg5[%swap3A, %swap3A_30], %mul3A_29 {strides = array<i32>} : memref<10240x48xf32, #tpu.memory_space<vmem>>, vector<10240x48xf32>,
    return
  }
}

module attributes {stable_mosaic.version = 14 : i64} {
  func.func @_tc3_body(%arg0: memref<2x10240x48xf32, #tpu.memory_space<vmem>>, %arg1: memref<10240x48xf32, #tpu.memory_space<vmem>>, %arg2: memref<10240x1xf32, #tpu.memory_space<vmem>>, %arg3: memref<1x48xf32, #tpu.memory_space<vmem>>, %arg4: memref<10240x40xf32, #tpu.memory_space<vmem>>) attributes {dimension_semantics = [], scalar_prefetch = 0 : i64, scratch_operands = 0 : i64, tpu.core_type = #tpu.core_type<tc>} {
    %get3A = arith.constant 0 : index
    %get3A_0 = arith.constant 0 : index
    %get3A_1 = vector.load %arg2[%get3A, %get3A_0] : memref<10240x1xf32, #tpu.memory_space<vmem>>, vector<10240x1xf32>
    %get3A_2 = arith.constant 0 : index
    %get3A_3 = arith.constant 0 : index
    %get3A_4 = arith.constant 0 : index
    %get3A_5 = vector.load %arg0[%get3A_2, %get3A_3, %get3A_4] : memref<2x10240x48xf32, #tpu.memory_space<vmem>>, vector<1x10240x48xf32>
    %get3A_6 = vector.shape_cast %get3A_5 : vector<1x10240x48xf32> to vector<10240x48xf32>
    %get3A_7 = arith.constant 1 : index
    %get3A_8 = arith.constant 0 : index
    %get3A_9 = arith.constant 0 : index
    %get3A_10 = vector.load %arg0[%get3A_7, %get3A_8, %get3A_9] : memref<2x10240x48xf32, #tpu.memory_space<vmem>>, vector<1x10240x48xf32>
    %get3A_11 = vector.shape_cast %get3A_10 : vector<1x10240x48xf32> to vector<10240x48xf32>
    %add3A = arith.addf %get3A_6, %get3A_11 : vector<10240x48xf32>
    %get3A_12 = arith.constant 0 : index
    %get3A_13 = arith.constant 0 : index
    %get3A_14 = vector.load %arg1[%get3A_12, %get3A_13] : memref<10240x48xf32, #tpu.memory_space<vmem>>, vector<10240x48xf32>
    %add3A_15 = arith.addf %add3A, %get3A_14 : vector<10240x48xf32>
    %mul3A = vector.broadcast %get3A_1 : vector<10240x1xf32> to vector<10240x48xf32>
    %mul3A_16 = arith.mulf %mul3A, %add3A_15 : vector<10240x48xf32>
    %get3A_17 = arith.constant 0 : index
    %get3A_18 = arith.constant 0 : index
    %get3A_19 = vector.load %arg3[%get3A_17, %get3A_18] : memref<1x48xf32, #tpu.memory_space<vmem>>, vector<1x48xf32>
    %add3A_20 = vector.broadcast %get3A_19 : vector<1x48xf32> to vector<10240x48xf32>
    %add3A_21 = arith.addf %mul3A_16, %add3A_20 : vector<10240x48xf32>
    %slice3A = vector.extract_strided_slice %add3A_21 {offsets = [0, 0], sizes = [10240, 40], strides = [1, 1]} : vector<10240x48xf32> to vector<10240x40xf32>
    %reduce_max3A = arith.constant dense<0xFF800000> : vector<10240xf32>
    %reduce_max3A_22 = vector.multi_reduction <maximumf>, %slice3A, %reduce_max3A [1] : vector<10240x40xf32> to vector<10240xf32>
    %broadcast_in_dim3A = vector.shape_cast %reduce_max3A_22 : vector<10240xf32> to vector<10240x1xf32>
    %sub3A = vector.broadcast %broadcast_in_dim3A : vector<10240x1xf32> to vector<10240x40xf32>
    %sub3A_23 = arith.subf %slice3A, %sub3A : vector<10240x40xf32>
    %exp3A = math.exp %sub3A_23 : vector<10240x40xf32>
    %reduce_sum3A = arith.constant dense<0.000000e+00> : vector<10240xf32>
    %reduce_sum3A_24 = vector.multi_reduction <add>, %exp3A, %reduce_sum3A [1] : vector<10240x40xf32> to vector<10240xf32>
    %broadcast_in_dim3A_25 = vector.shape_cast %reduce_sum3A_24 : vector<10240xf32> to vector<10240x1xf32>
    %log3A = math.log %broadcast_in_dim3A_25 : vector<10240x1xf32>
    %sub3A_26 = vector.broadcast %broadcast_in_dim3A : vector<10240x1xf32> to vector<10240x40xf32>
    %sub3A_27 = arith.subf %slice3A, %sub3A_26 : vector<10240x40xf32>
    %sub3A_28 = vector.broadcast %log3A : vector<10240x1xf32> to vector<10240x40xf32>
    %sub3A_29 = arith.subf %sub3A_27, %sub3A_28 : vector<10240x40xf32>
    %swap3A = arith.constant 0 : index
    %swap3A_30 = arith.constant 0 : index
    %swap3A_31 = vector.load %arg4[%swap3A, %swap3A_30] : memref<10240x40xf32, #tpu.memory_space<vmem>>, vector<10240x40xf32>
    tpu.vector_store %arg4[%swap3A, %swap3A_30], %sub3A_29 {strides = array<i32>} : memref<10240x40xf32, #tpu.memory_space<vmem>>, vector<10240x40xf32>,
    return
  }
}

</mosaic_0001>

<sc_bundles>
// kernel: kernel.11.cloned.1.call-start
scs
__scs_entry_jumppad:
0x0: {  	(pc) =	sbr.rel $0x88, $3  }
0x1: {  	(tag) =	ssettag $0x0;
	lr =	simm.s32 $0x1  }
0x2: {  	[smem:$0x3F9B] =	sst lr;
	_ =	strace $0xD0000000  }
0x3: {  	_ = 	snop  }
0x4: {  	_ = 	snop  }
0x5: {  	_ = 	snop  }
0x6: {  	_ = 	snop  }
0x7: {  	_ = 	snop  }
__scs_overlays_trampoline_lowered:
0x8: {  	[smem:$0x3FAA] =	sst s0  }
0x9: {  	[smem:$0x3FAB] =	sst s1  }
0xa: {  	[smem:$0x3FAC] =	sst s2  }
0xb: {  	[smem:$0x3FAD] =	sst s3  }
0xc: {  	[smem:$0x3FAE] =	sst s4  }
0xd: {  	[smem:$0x3FAF] =	sst s5  }
0xe: {  	[smem:$0x3FB0] =	sst s6  }
0xf: {  	[smem:$0x3FB1] =	sst s7  }
0x10: {  	[smem:$0x3FB2] =	sst s8  }
0x11: {  	[smem:$0x3FB3] =	sst s9;
	s0 =	simm.s32 @!p0 $0x0  }
0x12: {  	s1 =	sld [smem:$0x3F99];
	s0 =	simm.s32 @p0 $0x1  }
0x13: {  	[smem:$0x3FB4] =	sst s0;
	s0 =	simm.s32 @!p1 $0x0  }
0x14: {  	s2 =	sld [smem:$0x3F98];
	s0 =	simm.s32 @p1 $0x1  }
0x15: {  	[smem:$0x3FB5] =	sst s0;
	s0 =	simm.s32 @!p2 $0x0  }
0x16: {  	s3 =	sld [smem:$0x3FDB];
	s0 =	simm.s32 @p2 $0x1  }
0x17: {  	s4 =	simm.s32 $0x1BF5;
	[smem:$0x3FB7] =	sst s0  }
0x18: {  	s0 =	sld [smem:$0x3F9A];
	_ =	swait.ge [sflag:s4], $0x0  }
0x19: {  	s7 =	sld [smem:$0x3F9B]  }
0x1a: {  	s8 =	sadd.s32 $0xFFFFE003, lr  }
0x1b: {  	s9 =	sadd.s32 $0xFFFFFEF7, lr;
	s5 =	simm.s32 $0xFFFFFFFF;
	p2 =	slt.u32 s8, $0xFFFFF086  }
0x1c: {  	p1 =	slt.u32 s9, $0xF7A;
	s5 =	simm.s32 @!p2 $0x0  }
0x1d: {  	s5 =	simm.s32 @p1 $0x1;
	p0 =	seq.s32 s7, s2  }
0x1e: {  	s7 =	smul.u32 @!p0 $0xF7A, s2;
	p2 =	seq.s32 @!p0 s5, $0x0  }
0x1f: {  	s9 =	smul.u32 $0xF7A, s1;
	s8 =	simm.s32 @!p0 $0x1BF5;
	p2 =	por !p2, p0  }
0x20: {  	[sflag:s8] =	ssyncset.s32 @!p0 $0xFFFFF086;
	s6 =	sadd.s32 @!p0 s3, s7;
	s7 =	simm.s32 @!p0 $0x108  }
0x21: {  	s3 =	sadd.s32 s3, s9;
	s6 =	sadd.s32 @!p0 $0x88, s6;
	s7 =	simm.s32 @p2 $0x1082  }
0x22: {  	[simem:s7], [sflag:s8] =	dma.local @!p0 [hbm:s6], $0xF7A  }
0x23: {  	s9 =	sor.u32 $0xD0000000, s2;
	s6 =	simm.s32 $0x108;
	_ =	swait.ge @!p0 [sflag:s8], $0x0  }
0x24: {  	s3 =	sadd.s32 $0x88, s3;
	s6 =	simm.s32 @!p1 $0x1082;
	[sflag:s4] =	ssyncset.s32 $0xFFFFF086  }
0x25: {  	[simem:s6], [sflag:s4] =	dma.local [hbm:s3], $0xF7A  }
0x26: {  	[smem:$0x3F9B] =	sst s1;
	(tag) =	ssettag s2;
	_ =	strace s9  }
0x27: {  	s1 =	sld [smem:$0x3FAB]  }
0x28: {  	s2 =	sld [smem:$0x3FAC]  }
0x29: {  	s4 =	sld [smem:$0x3FAE]  }
0x2a: {  	p0 =	seq.s32 s5, $0x0;
	s5 =	sld [smem:$0x3FAF]  }
0x2b: {  	s6 =	sld [smem:$0x3FB0]  }
0x2c: {  	s7 =	sld [smem:$0x3FB1]  }
0x2d: {  	s3 =	simm.s32 $0x108;
	s8 =	sld [smem:$0x3FB2]  }
0x2e: {  	s3 =	simm.s32 @!p0 $0x1082;
	s9 =	sld [smem:$0x3FB3]  }
0x2f: {  	lr =	sadd.s32 s0, s3;
	s0 =	sld [smem:$0x3FAA]  }
0x30: {  	s3 =	sld [smem:$0x3FAD]  }
0x31: {  	[smem:$0x3FB6] =	sst s10  }
0x32: {  	s10 =	sld [smem:$0x3FB4];
	_ =	sdelay $0x3  }
0x33: {  	p0 =	seq.s32 s10, $0x1;
	s10 =	sld [smem:$0x3FB6];
	_ =	sdelay $0x3  }
0x34: {  	[smem:$0x3FB6] =	sst s10  }
0x35: {  	s10 =	sld [smem:$0x3FB5];
	_ =	sdelay $0x3  }
0x36: {  	p1 =	seq.s32 s10, $0x1;
	s10 =	sld [smem:$0x3FB6];
	_ =	sdelay $0x3  }
0x37: {  	[smem:$0x3FB6] =	sst s10  }
0x38: {  	s10 =	sld [smem:$0x3FB7]  }
0x39: {  	_ = 	snop;
	(pc) =	sbr.ind lr, $3  }
0x3a: {  	_ = 	snop  }
0x3b: {  	_ = 	snop  }
0x3c: {  	p2 =	seq.s32 s10, $0x1;
	s10 =	sld [smem:$0x3FB6]  }
0x3d: {  	_ =	shalt  }
0x3e: {  	_ =	shalt  }
0x3f: {  	_ =	shalt  }
0x40: {  	_ =	shalt  }
0x41: {  	_ =	shalt  }
0x42: {  	_ =	shalt  }
0x43: {  	_ =	shalt  }
0x44: {  	_ =	shalt  }
0x45: {  	_ =	shalt  }
0x46: {  	_ =	shalt  }
0x47: {  	_ =	shalt  }
0x48: {  	_ =	shalt  }
0x49: {  	_ =	shalt  }
0x4a: {  	_ =	shalt  }
0x4b: {  	_ =	shalt  }
0x4c: {  	_ =	shalt  }
0x4d: {  	_ =	shalt  }
0x4e: {  	_ =	shalt  }
0x4f: {  	_ =	shalt  }
0x50: {  	_ =	shalt  }
0x51: {  	_ =	shalt  }
0x52: {  	_ =	shalt  }
0x53: {  	_ =	shalt  }
0x54: {  	_ =	shalt  }
0x55: {  	_ =	shalt  }
0x56: {  	_ =	shalt  }
0x57: {  	_ =	shalt  }
0x58: {  	_ =	shalt  }
0x59: {  	_ =	shalt  }
0x5a: {  	_ =	shalt  }
0x5b: {  	_ =	shalt  }
0x5c: {  	_ =	shalt  }
0x5d: {  	_ =	shalt  }
0x5e: {  	_ =	shalt  }
0x5f: {  	_ =	shalt  }
0x60: {  	_ =	shalt  }
0x61: {  	_ =	shalt  }
0x62: {  	_ =	shalt  }
0x63: {  	_ =	shalt  }
0x64: {  	_ =	shalt  }
0x65: {  	_ =	shalt  }
0x66: {  	_ =	shalt  }
0x67: {  	_ =	shalt  }
0x68: {  	_ =	shalt  }
0x69: {  	_ =	shalt  }
0x6a: {  	_ =	shalt  }
0x6b: {  	_ =	shalt  }
0x6c: {  	_ =	shalt  }
0x6d: {  	_ =	shalt  }
0x6e: {  	_ =	shalt  }
0x6f: {  	_ =	shalt  }
0x70: {  	_ =	shalt  }
0x71: {  	_ =	shalt  }
0x72: {  	_ =	shalt  }
0x73: {  	_ =	shalt  }
0x74: {  	_ =	shalt  }
0x75: {  	_ =	shalt  }
0x76: {  	_ =	shalt  }
0x77: {  	_ =	shalt  }
0x78: {  	_ =	shalt  }
0x79: {  	_ =	shalt  }
0x7a: {  	_ =	shalt  }
0x7b: {  	_ =	shalt  }
0x7c: {  	_ =	shalt  }
0x7d: {  	_ =	shalt  }
0x7e: {  	_ =	shalt  }
0x7f: {  	_ =	shalt  }
0x80: {  	_ =	shalt  }
0x81: {  	_ =	shalt  }
0x82: {  	_ =	shalt  }
0x83: {  	_ =	shalt  }
0x84: {  	_ =	shalt  }
0x85: {  	_ =	shalt  }
0x86: {  	_ =	shalt  }
0x87: {  	_ =	shalt  }
.Lfunc_end0:
.L_simem_size_0:
called_computation.1_lowered:
.L_overlay_start_0:
0x88: {  	s2 =	sld [smem:$0x3FD9]  }
0x89: {  	s3 =	sld [smem:$0x3FFE];
	_ =	sdelay $0x1  }
0x8a: {  	s1 =	srdreg.scid  }
0x8b: {  	s0 =	sand.u32 $0x1, s1  }
0x8c: {  	s17 =	sshll.u32 s0, $0xA;
	s2 =	sadd.s32 s3, s2  }
0x8d: {  	s2 =	sadd.s32 s2, s17  }
0x8e: {  	[smem:$0x3FC2] =	sst s2  }
0x8f: {  	_ = 	snop  }
0x90: {  	s2 =	sld [smem:$0x3FD0];
	(tm) =	ssettm $0x1  }
0x91: {  	s18 =	sld [smem:$0x3FFB];
	_ =	sdelay $0x3  }
0x92: {  	_ =	strace s18  }
0x93: {  	s3 =	sld [smem:$0x3FFC];
	_ =	sdelay $0x3  }
0x94: {  	_ =	strace s3  }
0x95: {  	s3 =	sld [smem:$0x3FFD];
	_ =	sdelay $0x3  }
0x96: {  	_ =	strace s3  }
0x97: {  	_ =	strace $0x8FFFFFFF  }
0x98: {  	s19 =	sld [smem:$0x3FDB];
	_ =	sdelay $0x1  }
0x99: {  	s4 =	simm.s32 $_scs_section_size  }
0x9a: {  	s5 =	simm.s32 $_size__tile_overlayer_lowered;
	s6 =	simm.s32 $_tile_overlayer_lowered  }
0x9b: {  	s22 =	simm.s32 $0x1BFF;
	s21 =	sshll.u32 s6, $0x1;
	s3 =	sadd.s32 s4, s19  }
0x9c: {  	s7 =	simm.s32 $0x0;
	s20 =	sshll.u32 s5, $0x1;
	s5 =	sadd.s32 s21, s3  }
0x9d: {  	[timem:s7], [sflag:s22] =	dma.local [hbm:s5], s20  }
0x9e: {  	_ =	swait.ge [sflag:s22], s20  }
0x9f: {  	s4 =	ssub.s32 $0x0, s20;
	[sflag:s22] =	ssyncset.done $0x0  }
0xa0: {  	[sflag:s22] =	ssyncadd.s32 s4;
	_ =	sdelay $0x1  }
0xa1: {  	s23 =	simm.s32 $0x1B8B  }
0xa2: {  	_ =	swait.ge [sflag:s23], $0x1  }
0xa3: {  	[sflag:s23] =	ssyncset.done $0x0  }
0xa4: {  	s25 =	simm.s32 $0x1B8E;
	s24 =	sld [smem:$0x3FFE];
	[sflag:s23] =	ssyncadd.s32 $0xFFFFFFFF  }
0xa5: {  	s26 =	simm.s32 $execute0_lowered;
	[smem:$0x3FD2] =	sst s25  }
0xa6: {  	s5 =	sshll.u32 s26, $0x1;
	_ =	strace $0x80000049;
	[dreg:$0x1] =	wrdreg $0xFFFFFFFF  }
0xa7: {  	s28 =	simm.s32 $_size_execute0_lowered;
	s3 =	sadd.s32 s3, s5;
	[dreg:$0x0] =	wrdreg $0x0  }
0xa8: {  	s5 =	sshll.u32 s28, $0x1;
	[dreg:$0x2] =	wrdreg s3  }
0xa9: {  	[dreg:$0x3] =	wrdreg s5  }
0xaa: {  	[dreg:$0x4] =	wrdreg $0xC0  }
0xab: {  	_ =	task [dreg:s7], $0x5FFFF  }
0xac: {  	[dreg:$0x1] =	wrdreg $0xFFFFFFFF  }
0xad: {  	[dreg:$0x0] =	wrdreg $0x60  }
0xae: {  	[dreg:$0x2] =	wrdreg s24  }
0xaf: {  	[dreg:$0x3] =	wrdreg s2  }
0xb0: {  	[dreg:$0x4] =	wrdreg $0x90000  }
0xb1: {  	[dreg:$0x5] =	wrdreg $0x9  }
0xb2: {  	_ =	task.clear_ibuf [dreg:s7], $0x6FFFF;
	_ =	strace $0x90000049  }
0xb3: {  	s29 =	simm.s32 $0x9;
	_ =	strace $0x8000004B  }
0xb4: {  	_ =	swait.ge [sflag:s29], $0x1  }
0xb5: {  	[sflag:s29] =	ssyncadd.s32 $0xFFFFFFFF  }
0xb6: {  	_ =	strace $0x9000004B  }
0xb7: {  	_ =	sfence  }
0xb8: {  	s30 =	sld [smem:$0x0];
	_ =	sdelay $0x2  }
0xb9: {  	s31 =	sshll.u32 s1, $0xD;
	s1 =	sshrl.u32 s1, $0x2  }
0xba: {  	s3 =	sand.u32 $0x4000, s31;
	s1 =	sadd.s32 s1, s30  }
0xbb: {  	s0 =	sor.u32 s3, s0;
	s1 =	sshll.u32 s1, $0x11  }
0xbc: {  	s0 =	sor.u32 s1, s0  }
0xbd: {  	s0 =	sadd.s32 $0x8F2B, s0  }
0xbe: {  	[sflag:s0] =	ssyncadd.remote.s32 $0x1  }
0xbf: {  	_ =	sfence.sel $0xFFFF  }
0xc0: {  	[dreg:$0x0] =	wrdreg $0xFFFFFFFF;
	(pc) =	sbr.abs _section_cstart, $3  }
0xc1: {  	[dreg:$0x1] =	wrdreg $0xFFFFFFFF  }
0xc2: {  	_ =	task.clear_ibuf [dreg:s7], $0x2FFFF;
	_ =	strace $0x9FFFFFFF  }
0xc3: {  	(tm) =	ssettm $0x7FFFFFFF  }
tec
execute0_lowered:
.L_overlay_start_1:
0x0: {  	(tag) =	ssettag $0x1  }
0x1: {  	s0 =	rddreg [dreg:$0x0];
	s1 =	srdreg.scid  }
0x2: {  	s3 =	rddreg [dreg:$0x2];
	s10 =	stileid.u32  }
0x3: {  	s4 =	simm.s32 $0x0;
	s29 =	simm.s32 $0x4000;
	s30 =	simm.s32 $0x1  }
0x4: {  	s12 =	simm.s32 $0x3;
	s14 =	simm.s32 $0x6;
	s15 =	simm.s32 $0x8140  }
0x5: {  	s1 =	sand.u32 $0x1, s1;
	s7 =	smul.u32 $0x14000, s10;
	[smem:$0x7FF] =	sst s4  }
0x6: {  	s5 =	sadd.s32 $0xC400, s0;
	s8 =	smul.u32 $0x50000, s10;
	s6 =	sadd.s32 $0x2400, s0  }
0x7: {  	s2 =	smul.u32 $0x140000, s1;
	_ =	strace $0x8000004A;
	s16 =	ssub.s32 $0x2, s1  }
0x8: {  	s1 =	sshll.u32 s1, $0x4;
	s9 =	sshrl.u32 s16, $0x1;
	s8 =	sshrl.u32 s8, $0x2  }
0x9: {  	s1 =	sor.u32 s10, s1;
	s18 =	sadd.s32 s7, s3;
	s17 =	sadd.s32 s8, s3  }
0xa: {  	s10 =	simm.s32 $0x5;
	s20 =	sadd.s32 $0x2000, s17;
	[dreg:$0x4] =	wrdreg s17  }
0xb: {  	s2 =	sadd.s32 s7, s2;
	s21 =	sadd.s32 $0x4000, s17;
	[dreg:$0x7] =	wrdreg s20  }
0xc: {  	s8 =	smul.u32 $0x2800, s1;
	s22 =	sadd.s32 $0x6000, s17;
	[dreg:$0x8] =	wrdreg s21  }
0xd: {  	s1 =	simm.s32 $0x2;
	s23 =	sadd.s32 $0x8000, s17;
	[dreg:$0x9] =	wrdreg s22  }
0xe: {  	s7 =	simm.s32 $0x0;
	s24 =	sadd.s32 $0xA000, s17;
	[dreg:$0xa] =	wrdreg s23  }
0xf: {  	s2 =	sshrl.u32 s2, $0x3;
	s25 =	sadd.s32 $0xC000, s17;
	[dreg:$0xb] =	wrdreg s24  }
0x10: {  	s26 =	sadd.s32 $0xE000, s17;
	s28 =	sadd.s32 $0x10000, s17;
	[dreg:$0xc] =	wrdreg s25  }
0x11: {  	s31 =	sadd.s32 $0x12000, s17;
	s17 =	simm.s32 $0x88C0;
	[dreg:$0xd] =	wrdreg s26  }
0x12: {  	s0 =	sadd.s32 s2, s0;
	s2 =	ssub.s32 s16, s9;
	[dreg:$0xe] =	wrdreg s28  }
0x13: {  	[dreg:$0xf] =	wrdreg s31;
	s20 =	simm.s32 $0x9;
	s21 =	simm.s32 $0x8000  }
.Ltmp0:
0x14: {  	s22 =	simm.s32 $0x8800;
	s23 =	simm.s32 $0x40;
	(pc) =	sbr.rel .LBB2_1-.Ltmp0, $4  }
0x15: {  	s26 =	simm.s32 $0x2000;
	s16 =	simm.s32 $0x4;
	s0 =	sadd.s32 $0x34400, s0  }
0x16: {  	s25 =	simm.s32 $0x8;
	s19 =	smax.u32 s2, $0x1;
	[dreg:$0x5] =	wrdreg s0  }
0x17: {  	[dreg:$0x6] =	wrdreg s19;
	s0 =	sshrl.u32 s18, $0x3;
	s18 =	simm.s32 $0x7  }
0x18: {  	v0 =	vimm.f32 $0.0e+00;
	s19 =	simm.s32 $0x8180;
	[dreg:$0x10] =	wrdreg s0;
	s0 =	simm.s32 $0x6000  }
.LBB2_8:
0x19: {  	s2 =	stileid.u32;
	[bflag:$0x0] =	sbarrier.arrive $0xFFFF  }
0x1a: {  	s2 =	sshll.u32 s2, $0x6;
	s7 =	rddreg [dreg:$0x5]  }
0x1b: {  	s9 =	rddreg [dreg:$0x10];
	s2 =	sor.u32 $0x1C09, s2  }
0x1c: {  	[hbm:s7], [sflag:s2] =	dma.local [spmem:s9], $0x2800  }
0x1d: {  	_ =	swait.ge [sflag:s20], $0x2800  }
0x1e: {  	s28 =	rddreg [dreg:$0x11]  }
0x1f: {  	s31 =	rddreg [dreg:$0x6];
	s7 =	sadd.s32 $0x1, s28  }
0x20: {  	p0 =	sne.s32 s7, s31  }
.Ltmp1:
0x21: {  	_ = 	snop;
	(pc) =	sbr.rel @!p0 .LBB2_9-.Ltmp1, $3  }
0x22: {  	_ =	sdelay $0x1  }
0x23: {  	[sflag:s20] =	ssyncset.done $0x0  }
0x24: {  	[sflag:s20] =	ssyncadd.s32 $0xFFFFD800  }
.LBB2_1:
0x25: {  	[dreg:$0x11] =	wrdreg s7;
	s2 =	simm.s32 $0x0;
	s7 =	simm.s32 $0x200  }
.LBB2_2:
0x26: {  	p0 =	sne.s32 s7, $0x7E00;
	[tilespmem:s2+$0x6070] =	vst v0  }
0x27: {  	[tilespmem:s2+$0x0] =	vst v0  }
0x28: {  	[tilespmem:s2+$0x10] =	vst v0  }
0x29: {  	[tilespmem:s2+$0x20] =	vst v0  }
0x2a: {  	[tilespmem:s2+$0x30] =	vst v0  }
0x2b: {  	[tilespmem:s2+$0x40] =	vst v0  }
0x2c: {  	[tilespmem:s2+$0x50] =	vst v0  }
0x2d: {  	[tilespmem:s2+$0x60] =	vst v0  }
0x2e: {  	[tilespmem:s2+$0x70] =	vst v0  }
0x2f: {  	[tilespmem:s2+$0x2000] =	vst v0  }
0x30: {  	[tilespmem:s2+$0x2010] =	vst v0  }
0x31: {  	[tilespmem:s2+$0x2020] =	vst v0  }
0x32: {  	[tilespmem:s2+$0x2030] =	vst v0  }
0x33: {  	[tilespmem:s2+$0x2040] =	vst v0  }
0x34: {  	[tilespmem:s2+$0x2050] =	vst v0  }
0x35: {  	[tilespmem:s2+$0x2060] =	vst v0  }
0x36: {  	[tilespmem:s2+$0x2070] =	vst v0  }
0x37: {  	[tilespmem:s2+$0x4000] =	vst v0  }
0x38: {  	[tilespmem:s2+$0x4010] =	vst v0  }
0x39: {  	[tilespmem:s2+$0x4020] =	vst v0  }
0x3a: {  	[tilespmem:s2+$0x4030] =	vst v0  }
0x3b: {  	[tilespmem:s2+$0x4040] =	vst v0  }
0x3c: {  	[tilespmem:s2+$0x4050] =	vst v0  }
0x3d: {  	[tilespmem:s2+$0x4060] =	vst v0  }
0x3e: {  	[tilespmem:s2+$0x4070] =	vst v0  }
0x3f: {  	[tilespmem:s2+$0x6000] =	vst v0  }
0x40: {  	[tilespmem:s2+$0x6010] =	vst v0  }
.Ltmp2:
0x41: {  	[tilespmem:s2+$0x6020] =	vst v0;
	(pc) =	sbr.rel @p0 .LBB2_2-.Ltmp2, $4  }
0x42: {  	[tilespmem:s2+$0x6030] =	vst v0  }
0x43: {  	[tilespmem:s2+$0x6040] =	vst v0  }
0x44: {  	[tilespmem:s2+$0x6050] =	vst v0  }
0x45: {  	[tilespmem:s2+$0x6060] =	vst v0;
	s2 =	sshra.s32 s7, $0x2;
	s7 =	sadd.s32 $0x200, s7  }
0x46: {  	[tilespmem:s2+$0x6070] =	vst v0  }
0x47: {  	[tilespmem:s2+$0x0] =	vst v0  }
0x48: {  	[tilespmem:s2+$0x10] =	vst v0  }
0x49: {  	[tilespmem:s2+$0x20] =	vst v0  }
0x4a: {  	[tilespmem:s2+$0x30] =	vst v0  }
0x4b: {  	[tilespmem:s2+$0x40] =	vst v0  }
0x4c: {  	[tilespmem:s2+$0x50] =	vst v0  }
0x4d: {  	[tilespmem:s2+$0x60] =	vst v0  }
0x4e: {  	[tilespmem:s2+$0x70] =	vst v0  }
0x4f: {  	[tilespmem:s2+$0x2000] =	vst v0  }
0x50: {  	[tilespmem:s2+$0x2010] =	vst v0  }
0x51: {  	[tilespmem:s2+$0x2020] =	vst v0  }
0x52: {  	[tilespmem:s2+$0x2030] =	vst v0  }
0x53: {  	[tilespmem:s2+$0x2040] =	vst v0  }
0x54: {  	[tilespmem:s2+$0x2050] =	vst v0  }
0x55: {  	[tilespmem:s2+$0x2060] =	vst v0  }
0x56: {  	[tilespmem:s2+$0x2070] =	vst v0  }
0x57: {  	[tilespmem:s2+$0x4000] =	vst v0  }
0x58: {  	[tilespmem:s2+$0x4010] =	vst v0  }
0x59: {  	[tilespmem:s2+$0x4020] =	vst v0  }
0x5a: {  	[tilespmem:s2+$0x4030] =	vst v0  }
0x5b: {  	[tilespmem:s2+$0x4040] =	vst v0  }
0x5c: {  	[tilespmem:s2+$0x4050] =	vst v0  }
0x5d: {  	[tilespmem:s2+$0x4060] =	vst v0  }
0x5e: {  	[tilespmem:s2+$0x4070] =	vst v0  }
0x5f: {  	[tilespmem:s2+$0x6000] =	vst v0  }
0x60: {  	[tilespmem:s2+$0x6010] =	vst v0  }
0x61: {  	[tilespmem:s2+$0x6020] =	vst v0  }
0x62: {  	[tilespmem:s2+$0x6030] =	vst v0  }
0x63: {  	[tilespmem:s2+$0x6040] =	vst v0  }
0x64: {  	[tilespmem:s2+$0x6050] =	vst v0  }
0x65: {  	[tilespmem:s2+$0x6060] =	vst v0;
	s7 =	simm.s32 $0x0;
	s13 =	rddreg [dreg:$0x4]  }
0x66: {  	[spmem:s13] =	stream.linear.scatter [tilespmem:s7], [sflag:$0x9], $0x2000, $0x38;
	[tilespmem:$0x1D000] =	vst v63  }
0x67: {  	_ =	swait.ge [sflag:s20], $0x2000  }
0x68: {  	[sflag:s20] =	ssyncset.done $0x0  }
0x69: {  	s24 =	rddreg [dreg:$0x7];
	[sflag:s20] =	ssyncadd.s32 $0xFFFFE000  }
0x6a: {  	[spmem:s24] =	stream.linear.scatter [tilespmem:s7], [sflag:$0x9], $0x2000, $0x38;
	[tilespmem:$0x1D000] =	vst v63  }
0x6b: {  	_ =	swait.ge [sflag:s20], $0x2000  }
0x6c: {  	[sflag:s20] =	ssyncset.done $0x0  }
0x6d: {  	s28 =	rddreg [dreg:$0x8];
	[sflag:s20] =	ssyncadd.s32 $0xFFFFE000  }
0x6e: {  	[spmem:s28] =	stream.linear.scatter [tilespmem:s7], [sflag:$0x9], $0x2000, $0x38;
	[tilespmem:$0x1D000] =	vst v63  }
0x6f: {  	_ =	swait.ge [sflag:s20], $0x2000  }
0x70: {  	[sflag:s20] =	ssyncset.done $0x0  }
0x71: {  	s31 =	rddreg [dreg:$0x9];
	[sflag:s20] =	ssyncadd.s32 $0xFFFFE000  }
0x72: {  	[spmem:s31] =	stream.linear.scatter [tilespmem:s7], [sflag:$0x9], $0x2000, $0x38;
	[tilespmem:$0x1D000] =	vst v63  }
0x73: {  	_ =	swait.ge [sflag:s20], $0x2000  }
0x74: {  	[sflag:s20] =	ssyncset.done $0x0  }
0x75: {  	s9 =	rddreg [dreg:$0xa];
	[sflag:s20] =	ssyncadd.s32 $0xFFFFE000  }
0x76: {  	[spmem:s9] =	stream.linear.scatter [tilespmem:s7], [sflag:$0x9], $0x2000, $0x38;
	[tilespmem:$0x1D000] =	vst v63  }
0x77: {  	_ =	swait.ge [sflag:s20], $0x2000  }
0x78: {  	[sflag:s20] =	ssyncset.done $0x0  }
0x79: {  	s11 =	rddreg [dreg:$0xb];
	[sflag:s20] =	ssyncadd.s32 $0xFFFFE000  }
0x7a: {  	[spmem:s11] =	stream.linear.scatter [tilespmem:s7], [sflag:$0x9], $0x2000, $0x38;
	[tilespmem:$0x1D000] =	vst v63  }
0x7b: {  	_ =	swait.ge [sflag:s20], $0x2000  }
0x7c: {  	[sflag:s20] =	ssyncset.done $0x0  }
0x7d: {  	s13 =	rddreg [dreg:$0xc];
	[sflag:s20] =	ssyncadd.s32 $0xFFFFE000  }
0x7e: {  	[spmem:s13] =	stream.linear.scatter [tilespmem:s7], [sflag:$0x9], $0x2000, $0x38;
	[tilespmem:$0x1D000] =	vst v63  }
0x7f: {  	_ =	swait.ge [sflag:s20], $0x2000  }
0x80: {  	[sflag:s20] =	ssyncset.done $0x0  }
0x81: {  	s24 =	rddreg [dreg:$0xd];
	[sflag:s20] =	ssyncadd.s32 $0xFFFFE000  }
0x82: {  	[spmem:s24] =	stream.linear.scatter [tilespmem:s7], [sflag:$0x9], $0x2000, $0x38;
	[tilespmem:$0x1D000] =	vst v63  }
0x83: {  	_ =	swait.ge [sflag:s20], $0x2000  }
0x84: {  	[sflag:s20] =	ssyncset.done $0x0  }
0x85: {  	s28 =	rddreg [dreg:$0xe];
	[sflag:s20] =	ssyncadd.s32 $0xFFFFE000  }
0x86: {  	[spmem:s28] =	stream.linear.scatter [tilespmem:s7], [sflag:$0x9], $0x2000, $0x38;
	[tilespmem:$0x1D000] =	vst v63  }
0x87: {  	_ =	swait.ge [sflag:s20], $0x2000  }
0x88: {  	[sflag:s20] =	ssyncset.done $0x0  }
0x89: {  	s31 =	rddreg [dreg:$0xf];
	[sflag:s20] =	ssyncadd.s32 $0xFFFFE000  }
0x8a: {  	[spmem:s31] =	stream.linear.scatter [tilespmem:s7], [sflag:$0x9], $0x2000, $0x38;
	[tilespmem:$0x1D000] =	vst v63  }
.Ltmp3:
0x8b: {  	_ =	swait.ge [sflag:s20], $0x2000;
	(pc) =	sbr.rel .LBB2_4-.Ltmp3, $4  }
0x8c: {  	[sflag:s20] =	ssyncset.done $0x0  }
0x8d: {  	[sflag:s20] =	ssyncadd.s32 $0xFFFFE000  }
0x8e: {  	[bflag:$0x0] =	sbarrier.arrive $0xFFFF  }
0x8f: {  	s2 =	simm.s32 $0x0  }
.LBB2_7:
0x90: {  	_ =	swait.ge [sflag:s10], $0x2000  }
0x91: {  	[sflag:s10] =	ssyncset.done $0x0  }
0x92: {  	[sflag:s10] =	ssyncadd.s32 $0xFFFFE000  }
0x93: {  	_ =	swait.ge [sflag:s14], $0x2000  }
0x94: {  	[sflag:s14] =	ssyncset.done $0x0  }
0x95: {  	s2 =	sadd.s32 $0x1, s2;
	[sflag:s14] =	ssyncadd.s32 $0xFFFFE000  }
0x96: {  	p0 =	sne.s32 s2, $0x5;
	_ =	swait.ge [sflag:s18], $0x2000  }
.Ltmp4:
0x97: {  	[sflag:s18] =	ssyncset.done $0x0;
	(pc) =	sbr.rel @!p0 .LBB2_8-.Ltmp4, $4  }
0x98: {  	[sflag:s18] =	ssyncadd.s32 $0xFFFFE000  }
0x99: {  	_ =	swait.ge [sflag:s25], $0x2000  }
0x9a: {  	[sflag:s25] =	ssyncset.done $0x0  }
0x9b: {  	[sflag:s25] =	ssyncadd.s32 $0xFFFFE000  }
.LBB2_4:
0x9c: {  	s24 =	sshll.u32 s2, $0xB  }
0x9d: {  	s24 =	sadd.s32 s8, s24  }
0x9e: {  	s24 =	sshrl.u32 s24, $0x3  }
0x9f: {  	s28 =	sadd.s32 s6, s24  }
0xa0: {  	[tilespmem:s21], [sflag:$0x9] =	stream.linear.gather [hbm4b:s28+s7], $0x800, $0x38;
	[tilespmem:$0x1D000] =	vst v63  }
0xa1: {  	_ =	swait.ge [sflag:s20], $0x800  }
0xa2: {  	[sflag:s20] =	ssyncset.done $0x0  }
0xa3: {  	[sflag:s20] =	ssyncadd.s32 $0xFFFFF800  }
0xa4: {  	s9 =	rddreg [dreg:$0x1]  }
0xa5: {  	s24 =	sadd.s32 s9, s24  }
0xa6: {  	[tilespmem:s22], [sflag:$0x9] =	stream.linear.gather [hbm4b:s24+s7], $0x800, $0x38;
	[tilespmem:$0x1D000] =	vst v63  }
0xa7: {  	_ =	swait.ge [sflag:s20], $0x800  }
0xa8: {  	[sflag:s20] =	ssyncset.done $0x0  }
0xa9: {  	[sflag:s20] =	ssyncadd.s32 $0xFFFFF800  }
0xaa: {  	[tilespmem:s7], [sflag:$0x1] =	stream.indirect.gather [hbm4b:s5+s23], $0x80, s21, s23, $0xb8;
	[tilespmem:$0x1D000] =	vst v63  }
0xab: {  	s31 =	simm.s32 $0x8040  }
0xac: {  	[tilespmem:s26], [sflag:$0x2] =	stream.indirect.gather [hbm4b:s5+s23], $0x80, s31, s23, $0xb8;
	[tilespmem:$0x1D000] =	vst v63  }
0xad: {  	s11 =	simm.s32 $0x8080  }
0xae: {  	[tilespmem:s29], [sflag:$0x3] =	stream.indirect.gather [hbm4b:s5+s23], $0x80, s11, s23, $0xb8;
	[tilespmem:$0x1D000] =	vst v63  }
0xaf: {  	_ =	swait.ge [sflag:s30], $0x2000  }
0xb0: {  	[sflag:s30] =	ssyncset.done $0x0  }
0xb1: {  	[sflag:s30] =	ssyncadd.s32 $0xFFFFE000  }
0xb2: {  	[spmem:s3] =	stream.indirect.scatter.add.f32 [tilespmem:s7], [sflag:$0x5], $0x80, s22, s23, $0xb8;
	[tilespmem:$0x1D000] =	vst v63  }
0xb3: {  	s13 =	simm.s32 $0x80C0  }
0xb4: {  	[tilespmem:s0], [sflag:$0x4] =	stream.indirect.gather [hbm4b:s5+s23], $0x80, s13, s23, $0xb8;
	[tilespmem:$0x1D000] =	vst v63  }
0xb5: {  	_ =	swait.ge [sflag:s1], $0x2000  }
0xb6: {  	[sflag:s1] =	ssyncset.done $0x0  }
0xb7: {  	s24 =	simm.s32 $0x8840;
	[sflag:s1] =	ssyncadd.s32 $0xFFFFE000  }
0xb8: {  	[spmem:s3] =	stream.indirect.scatter.add.f32 [tilespmem:s26], [sflag:$0x6], $0x80, s24, s23, $0xb8;
	[tilespmem:$0x1D000] =	vst v63  }
0xb9: {  	_ =	swait.ge [sflag:s10], $0x2000  }
0xba: {  	[sflag:s10] =	ssyncset.done $0x0  }
0xbb: {  	s28 =	simm.s32 $0x8100;
	[sflag:s10] =	ssyncadd.s32 $0xFFFFE000  }
0xbc: {  	[tilespmem:s7], [sflag:$0x1] =	stream.indirect.gather [hbm4b:s5+s23], $0x80, s28, s23, $0xb8;
	[tilespmem:$0x1D000] =	vst v63  }
0xbd: {  	_ =	swait.ge [sflag:s12], $0x2000  }
0xbe: {  	[sflag:s12] =	ssyncset.done $0x0  }
0xbf: {  	s31 =	simm.s32 $0x8880;
	[sflag:s12] =	ssyncadd.s32 $0xFFFFE000  }
0xc0: {  	[spmem:s3] =	stream.indirect.scatter.add.f32 [tilespmem:s29], [sflag:$0x7], $0x80, s31, s23, $0xb8;
	[tilespmem:$0x1D000] =	vst v63  }
0xc1: {  	_ =	swait.ge [sflag:s14], $0x2000  }
0xc2: {  	[sflag:s14] =	ssyncset.done $0x0  }
0xc3: {  	[sflag:s14] =	ssyncadd.s32 $0xFFFFE000  }
0xc4: {  	[tilespmem:s26], [sflag:$0x2] =	stream.indirect.gather [hbm4b:s5+s23], $0x80, s15, s23, $0xb8;
	[tilespmem:$0x1D000] =	vst v63  }
0xc5: {  	_ =	swait.ge [sflag:s16], $0x2000  }
0xc6: {  	[sflag:s16] =	ssyncset.done $0x0  }
0xc7: {  	[sflag:s16] =	ssyncadd.s32 $0xFFFFE000  }
0xc8: {  	[spmem:s3] =	stream.indirect.scatter.add.f32 [tilespmem:s0], [sflag:$0x8], $0x80, s17, s23, $0xb8;
	[tilespmem:$0x1D000] =	vst v63  }
0xc9: {  	_ =	swait.ge [sflag:s18], $0x2000  }
0xca: {  	[sflag:s18] =	ssyncset.done $0x0  }
0xcb: {  	s24 =	simm.s32 $0x0;
	[sflag:s18] =	ssyncadd.s32 $0xFFFFE000  }
0xcc: {  	[tilespmem:s29], [sflag:$0x3] =	stream.indirect.gather [hbm4b:s5+s23], $0x80, s19, s23, $0xb8;
	[tilespmem:$0x1D000] =	vst v63  }
.LBB2_5:
0xcd: {  	_ =	swait.ge [sflag:s30], $0x2000  }
0xce: {  	s28 =	sshra.s32 s24, $0x2;
	[sflag:s30] =	ssyncset.done $0x0  }
0xcf: {  	s31 =	sadd.s32 $0x8900, s28;
	[sflag:s30] =	ssyncadd.s32 $0xFFFFE000  }
0xd0: {  	[spmem:s3] =	stream.indirect.scatter.add.f32 [tilespmem:s4], [sflag:$0x5], $0x80, s31, s23, $0xb8;
	[tilespmem:$0x1D000] =	vst v63  }
0xd1: {  	_ =	swait.ge [sflag:s25], $0x2000  }
0xd2: {  	[sflag:s25] =	ssyncset.done $0x0  }
0xd3: {  	s11 =	sadd.s32 $0x81C0, s28;
	[sflag:s25] =	ssyncadd.s32 $0xFFFFE000  }
0xd4: {  	[tilespmem:s0], [sflag:$0x4] =	stream.indirect.gather [hbm4b:s5+s23], $0x80, s11, s23, $0xb8;
	[tilespmem:$0x1D000] =	vst v63  }
0xd5: {  	_ =	swait.ge [sflag:s1], $0x2000  }
0xd6: {  	p0 =	seq.s32 s24, $0x1800;
	[sflag:s1] =	ssyncset.done $0x0  }
0xd7: {  	s13 =	sadd.s32 $0x8940, s28;
	s31 =	simm.s32 @p0 $0x3;
	[sflag:s1] =	ssyncadd.s32 $0xFFFFE000  }
0xd8: {  	[spmem:s3] =	stream.indirect.scatter.add.f32 [tilespmem:s26], [sflag:$0x6], $0x80, s13, s23, $0xb8;
	[tilespmem:$0x1D000] =	vst v63  }
0xd9: {  	_ =	swait.ge @p0 [sflag:s31], $0x2000  }
0xda: {  	[sflag:s31] =	ssyncset.done @p0 $0x0  }
0xdb: {  	[sflag:s31] =	ssyncadd.s32 @p0 $0xFFFFE000;
	s31 =	sshra.s32 @p0 s24, $0x2  }
0xdc: {  	s9 =	simm.s32 @p0 $0x40;
	s11 =	simm.s32 @p0 $0x4000;
	s31 =	sadd.s32 @p0 $0x8980, s31  }
0xdd: {  	[spmem:s3] =	stream.indirect.scatter.add.f32 @p0 [tilespmem:s11], [sflag:$0x7], $0x80, s31, s9, $0xb8;
	[tilespmem:$0x1D000] =	vst v63  }
0xde: {  	s9 =	simm.s32 @!p0 $0x5  }
0xdf: {  	_ =	swait.ge @!p0 [sflag:s9], $0x2000  }
0xe0: {  	[sflag:s9] =	ssyncset.done @!p0 $0x0  }
0xe1: {  	[sflag:s9] =	ssyncadd.s32 @!p0 $0xFFFFE000;
	s9 =	sshra.s32 @!p0 s24, $0x2  }
0xe2: {  	s13 =	simm.s32 @!p0 $0x0;
	s31 =	simm.s32 @!p0 $0x40;
	s11 =	sadd.s32 @!p0 $0x8200, s9  }
0xe3: {  	[tilespmem:s13], [sflag:$0x1] =	stream.indirect.gather @!p0 [hbm4b:s5+s31], $0x80, s11, s31, $0xb8;
	[tilespmem:$0x1D000] =	vst v63  }
0xe4: {  	s11 =	simm.s32 @!p0 $0x3  }
0xe5: {  	_ =	swait.ge @!p0 [sflag:s11], $0x2000  }
0xe6: {  	[sflag:s11] =	ssyncset.done @!p0 $0x0  }
0xe7: {  	s13 =	simm.s32 @!p0 $0x4000;
	[sflag:s11] =	ssyncadd.s32 @!p0 $0xFFFFE000;
	s11 =	sadd.s32 @!p0 $0x8980, s9  }
0xe8: {  	[spmem:s3] =	stream.indirect.scatter.add.f32 @!p0 [tilespmem:s13], [sflag:$0x7], $0x80, s11, s31, $0xb8;
	[tilespmem:$0x1D000] =	vst v63  }
0xe9: {  	s11 =	simm.s32 @!p0 $0x6  }
0xea: {  	_ =	swait.ge @!p0 [sflag:s11], $0x2000  }
0xeb: {  	[sflag:s11] =	ssyncset.done @!p0 $0x0  }
0xec: {  	s9 =	sadd.s32 @!p0 $0x8240, s9;
	[sflag:s11] =	ssyncadd.s32 @!p0 $0xFFFFE000;
	s11 =	simm.s32 @!p0 $0x2000  }
0xed: {  	[tilespmem:s11], [sflag:$0x2] =	stream.indirect.gather @!p0 [hbm4b:s5+s31], $0x80, s9, s31, $0xb8;
	[tilespmem:$0x1D000] =	vst v63  }
.Ltmp5:
0xee: {  	_ = 	snop;
	(pc) =	sbr.rel @p0 .LBB2_7-.Ltmp5, $4  }
0xef: {  	_ =	swait.ge [sflag:s16], $0x2000  }
0xf0: {  	[sflag:s16] =	ssyncset.done $0x0  }
0xf1: {  	s31 =	sadd.s32 $0x89C0, s28;
	[sflag:s16] =	ssyncadd.s32 $0xFFFFE000  }
0xf2: {  	[spmem:s3] =	stream.indirect.scatter.add.f32 [tilespmem:s0], [sflag:$0x8], $0x80, s31, s23, $0xb8;
	[tilespmem:$0x1D000] =	vst v63  }
.Ltmp6:
0xf3: {  	(pc) =	sbr.rel .LBB2_5-.Ltmp6, $4  }
0xf4: {  	_ =	swait.ge [sflag:s18], $0x2000  }
0xf5: {  	[sflag:s18] =	ssyncset.done $0x0  }
0xf6: {  	s9 =	sadd.s32 $0x8280, s28;
	s24 =	sadd.s32 $0x400, s24;
	[sflag:s18] =	ssyncadd.s32 $0xFFFFE000  }
0xf7: {  	[tilespmem:s29], [sflag:$0x3] =	stream.indirect.gather [hbm4b:s5+s23], $0x80, s9, s23, $0xb8;
	[tilespmem:$0x1D000] =	vst v63  }
.LBB2_9:
0xf8: {  	_ =	sfence.sel $0x180000  }
0xf9: {  	[bflag:$0x0] =	sbarrier.arrive $0xFFFF  }
0xfa: {  	_ =	strace $0x9000004A  }
0xfb: {  	s0 =	stileid.u32;
	[bflag:$0x2] =	sbarrier.arrive $0xFFFF  }
0xfc: {  	p0 =	sne.s32 s0, $0x0;
	s0 =	rddreg [dreg:$0x3]  }
0xfd: {  	s0 =	sadd.s32 @!p0 $0x100000, s0  }
0xfe: {  	[sflag:s0] =	ssyncadd.tile.s32 @!p0 $0x1;
	_ =	shalt  }
.Lfunc_end2:
_tile_overlayer_lowered:
.L_overlay_start_2:
0xff: {  	(tag) =	ssettag $0x2  }
0x100: {  	s0 =	rddreg [dreg:$0x0];
	s2 =	stileid.u32  }
0x101: {  	s1 =	rddreg [dreg:$0x1];
	p0 =	sne.s32 s2, $0x0  }
0x102: {  	s3 =	rddreg [dreg:$0x2];
	[bflag:$0x3] =	sbarrier.arrive $0xFFFF;
	s2 =	simm.s32 @!p0 $0x1C09  }
0x103: {  	[timem:s3], [sflag:s2] =	dma.local @!p0 [hbm:s0], s1  }
0x104: {  	s0 =	simm.s32 @!p0 $0x9  }
0x105: {  	_ =	swait.ge @!p0 [sflag:s0], s1  }
0x106: {  	s1 =	ssub.s32 @!p0 $0x0, s1;
	[sflag:s0] =	ssyncset.done @!p0 $0x0  }
0x107: {  	[sflag:s0] =	ssyncadd.s32 @!p0 s1  }
0x108: {  	[bflag:$0x3] =	sbarrier.arrive $0xFFFF  }
0x109: {  	_ =	shalt  }

// kernel: kernel.14.cloned.1.call-start
scs
__scs_entry_jumppad:
0x0: {  	(pc) =	sbr.rel $0x88, $3  }
0x1: {  	(tag) =	ssettag $0x0;
	lr =	simm.s32 $0x1  }
0x2: {  	[smem:$0x3F9B] =	sst lr;
	_ =	strace $0xD0000000  }
0x3: {  	_ = 	snop  }
0x4: {  	_ = 	snop  }
0x5: {  	_ = 	snop  }
0x6: {  	_ = 	snop  }
0x7: {  	_ = 	snop  }
__scs_overlays_trampoline_lowered:
0x8: {  	[smem:$0x3FAA] =	sst s0  }
0x9: {  	[smem:$0x3FAB] =	sst s1  }
0xa: {  	[smem:$0x3FAC] =	sst s2  }
0xb: {  	[smem:$0x3FAD] =	sst s3  }
0xc: {  	[smem:$0x3FAE] =	sst s4  }
0xd: {  	[smem:$0x3FAF] =	sst s5  }
0xe: {  	[smem:$0x3FB0] =	sst s6  }
0xf: {  	[smem:$0x3FB1] =	sst s7  }
0x10: {  	[smem:$0x3FB2] =	sst s8  }
0x11: {  	[smem:$0x3FB3] =	sst s9;
	s0 =	simm.s32 @!p0 $0x0  }
0x12: {  	s1 =	sld [smem:$0x3F99];
	s0 =	simm.s32 @p0 $0x1  }
0x13: {  	[smem:$0x3FB4] =	sst s0;
	s0 =	simm.s32 @!p1 $0x0  }
0x14: {  	s2 =	sld [smem:$0x3F98];
	s0 =	simm.s32 @p1 $0x1  }
0x15: {  	[smem:$0x3FB5] =	sst s0;
	s0 =	simm.s32 @!p2 $0x0  }
0x16: {  	s3 =	sld [smem:$0x3FDB];
	s0 =	simm.s32 @p2 $0x1  }
0x17: {  	s4 =	simm.s32 $0x1BF5;
	[smem:$0x3FB7] =	sst s0  }
0x18: {  	s0 =	sld [smem:$0x3F9A];
	_ =	swait.ge [sflag:s4], $0x0  }
0x19: {  	s7 =	sld [smem:$0x3F9B]  }
0x1a: {  	s8 =	sadd.s32 $0xFFFFE003, lr  }
0x1b: {  	s9 =	sadd.s32 $0xFFFFFEF7, lr;
	s5 =	simm.s32 $0xFFFFFFFF;
	p2 =	slt.u32 s8, $0xFFFFF086  }
0x1c: {  	p1 =	slt.u32 s9, $0xF7A;
	s5 =	simm.s32 @!p2 $0x0  }
0x1d: {  	s5 =	simm.s32 @p1 $0x1;
	p0 =	seq.s32 s7, s2  }
0x1e: {  	s7 =	smul.u32 @!p0 $0xF7A, s2;
	p2 =	seq.s32 @!p0 s5, $0x0  }
0x1f: {  	s9 =	smul.u32 $0xF7A, s1;
	s8 =	simm.s32 @!p0 $0x1BF5;
	p2 =	por !p2, p0  }
0x20: {  	[sflag:s8] =	ssyncset.s32 @!p0 $0xFFFFF086;
	s6 =	sadd.s32 @!p0 s3, s7;
	s7 =	simm.s32 @!p0 $0x108  }
0x21: {  	s3 =	sadd.s32 s3, s9;
	s6 =	sadd.s32 @!p0 $0x88, s6;
	s7 =	simm.s32 @p2 $0x1082  }
0x22: {  	[simem:s7], [sflag:s8] =	dma.local @!p0 [hbm:s6], $0xF7A  }
0x23: {  	s9 =	sor.u32 $0xD0000000, s2;
	s6 =	simm.s32 $0x108;
	_ =	swait.ge @!p0 [sflag:s8], $0x0  }
0x24: {  	s3 =	sadd.s32 $0x88, s3;
	s6 =	simm.s32 @!p1 $0x1082;
	[sflag:s4] =	ssyncset.s32 $0xFFFFF086  }
0x25: {  	[simem:s6], [sflag:s4] =	dma.local [hbm:s3], $0xF7A  }
0x26: {  	[smem:$0x3F9B] =	sst s1;
	(tag) =	ssettag s2;
	_ =	strace s9  }
0x27: {  	s1 =	sld [smem:$0x3FAB]  }
0x28: {  	s2 =	sld [smem:$0x3FAC]  }
0x29: {  	s4 =	sld [smem:$0x3FAE]  }
0x2a: {  	p0 =	seq.s32 s5, $0x0;
	s5 =	sld [smem:$0x3FAF]  }
0x2b: {  	s6 =	sld [smem:$0x3FB0]  }
0x2c: {  	s7 =	sld [smem:$0x3FB1]  }
0x2d: {  	s3 =	simm.s32 $0x108;
	s8 =	sld [smem:$0x3FB2]  }
0x2e: {  	s3 =	simm.s32 @!p0 $0x1082;
	s9 =	sld [smem:$0x3FB3]  }
0x2f: {  	lr =	sadd.s32 s0, s3;
	s0 =	sld [smem:$0x3FAA]  }
0x30: {  	s3 =	sld [smem:$0x3FAD]  }
0x31: {  	[smem:$0x3FB6] =	sst s10  }
0x32: {  	s10 =	sld [smem:$0x3FB4];
	_ =	sdelay $0x3  }
0x33: {  	p0 =	seq.s32 s10, $0x1;
	s10 =	sld [smem:$0x3FB6];
	_ =	sdelay $0x3  }
0x34: {  	[smem:$0x3FB6] =	sst s10  }
0x35: {  	s10 =	sld [smem:$0x3FB5];
	_ =	sdelay $0x3  }
0x36: {  	p1 =	seq.s32 s10, $0x1;
	s10 =	sld [smem:$0x3FB6];
	_ =	sdelay $0x3  }
0x37: {  	[smem:$0x3FB6] =	sst s10  }
0x38: {  	s10 =	sld [smem:$0x3FB7]  }
0x39: {  	_ = 	snop;
	(pc) =	sbr.ind lr, $3  }
0x3a: {  	_ = 	snop  }
0x3b: {  	_ = 	snop  }
0x3c: {  	p2 =	seq.s32 s10, $0x1;
	s10 =	sld [smem:$0x3FB6]  }
0x3d: {  	_ =	shalt  }
0x3e: {  	_ =	shalt  }
0x3f: {  	_ =	shalt  }
0x40: {  	_ =	shalt  }
0x41: {  	_ =	shalt  }
0x42: {  	_ =	shalt  }
0x43: {  	_ =	shalt  }
0x44: {  	_ =	shalt  }
0x45: {  	_ =	shalt  }
0x46: {  	_ =	shalt  }
0x47: {  	_ =	shalt  }
0x48: {  	_ =	shalt  }
0x49: {  	_ =	shalt  }
0x4a: {  	_ =	shalt  }
0x4b: {  	_ =	shalt  }
0x4c: {  	_ =	shalt  }
0x4d: {  	_ =	shalt  }
0x4e: {  	_ =	shalt  }
0x4f: {  	_ =	shalt  }
0x50: {  	_ =	shalt  }
0x51: {  	_ =	shalt  }
0x52: {  	_ =	shalt  }
0x53: {  	_ =	shalt  }
0x54: {  	_ =	shalt  }
0x55: {  	_ =	shalt  }
0x56: {  	_ =	shalt  }
0x57: {  	_ =	shalt  }
0x58: {  	_ =	shalt  }
0x59: {  	_ =	shalt  }
0x5a: {  	_ =	shalt  }
0x5b: {  	_ =	shalt  }
0x5c: {  	_ =	shalt  }
0x5d: {  	_ =	shalt  }
0x5e: {  	_ =	shalt  }
0x5f: {  	_ =	shalt  }
0x60: {  	_ =	shalt  }
0x61: {  	_ =	shalt  }
0x62: {  	_ =	shalt  }
0x63: {  	_ =	shalt  }
0x64: {  	_ =	shalt  }
0x65: {  	_ =	shalt  }
0x66: {  	_ =	shalt  }
0x67: {  	_ =	shalt  }
0x68: {  	_ =	shalt  }
0x69: {  	_ =	shalt  }
0x6a: {  	_ =	shalt  }
0x6b: {  	_ =	shalt  }
0x6c: {  	_ =	shalt  }
0x6d: {  	_ =	shalt  }
0x6e: {  	_ =	shalt  }
0x6f: {  	_ =	shalt  }
0x70: {  	_ =	shalt  }
0x71: {  	_ =	shalt  }
0x72: {  	_ =	shalt  }
0x73: {  	_ =	shalt  }
0x74: {  	_ =	shalt  }
0x75: {  	_ =	shalt  }
0x76: {  	_ =	shalt  }
0x77: {  	_ =	shalt  }
0x78: {  	_ =	shalt  }
0x79: {  	_ =	shalt  }
0x7a: {  	_ =	shalt  }
0x7b: {  	_ =	shalt  }
0x7c: {  	_ =	shalt  }
0x7d: {  	_ =	shalt  }
0x7e: {  	_ =	shalt  }
0x7f: {  	_ =	shalt  }
0x80: {  	_ =	shalt  }
0x81: {  	_ =	shalt  }
0x82: {  	_ =	shalt  }
0x83: {  	_ =	shalt  }
0x84: {  	_ =	shalt  }
0x85: {  	_ =	shalt  }
0x86: {  	_ =	shalt  }
0x87: {  	_ =	shalt  }
.Lfunc_end0:
.L_simem_size_0:
called_computation.2_lowered:
.L_overlay_start_0:
0x88: {  	s2 =	sld [smem:$0x3FD9]  }
0x89: {  	s3 =	sld [smem:$0x3FFE];
	_ =	sdelay $0x1  }
0x8a: {  	s1 =	srdreg.scid  }
0x8b: {  	s0 =	sand.u32 $0x1, s1  }
0x8c: {  	s17 =	sshll.u32 s0, $0xA;
	s2 =	sadd.s32 s3, s2  }
0x8d: {  	s2 =	sadd.s32 s2, s17  }
0x8e: {  	[smem:$0x3FC2] =	sst s2  }
0x8f: {  	_ = 	snop  }
0x90: {  	s2 =	sld [smem:$0x3FD0];
	(tm) =	ssettm $0x1  }
0x91: {  	s18 =	sld [smem:$0x3FFB];
	_ =	sdelay $0x3  }
0x92: {  	_ =	strace s18  }
0x93: {  	s3 =	sld [smem:$0x3FFC];
	_ =	sdelay $0x3  }
0x94: {  	_ =	strace s3  }
0x95: {  	s3 =	sld [smem:$0x3FFD];
	_ =	sdelay $0x3  }
0x96: {  	_ =	strace s3  }
0x97: {  	_ =	strace $0x8FFFFFFF  }
0x98: {  	s19 =	sld [smem:$0x3FDB];
	_ =	sdelay $0x1  }
0x99: {  	s4 =	simm.s32 $_scs_section_size  }
0x9a: {  	s5 =	simm.s32 $_size__tile_overlayer_lowered;
	s6 =	simm.s32 $_tile_overlayer_lowered  }
0x9b: {  	s22 =	simm.s32 $0x1BFF;
	s21 =	sshll.u32 s6, $0x1;
	s3 =	sadd.s32 s4, s19  }
0x9c: {  	s7 =	simm.s32 $0x0;
	s20 =	sshll.u32 s5, $0x1;
	s5 =	sadd.s32 s21, s3  }
0x9d: {  	[timem:s7], [sflag:s22] =	dma.local [hbm:s5], s20  }
0x9e: {  	_ =	swait.ge [sflag:s22], s20  }
0x9f: {  	s4 =	ssub.s32 $0x0, s20;
	[sflag:s22] =	ssyncset.done $0x0  }
0xa0: {  	[sflag:s22] =	ssyncadd.s32 s4;
	_ =	sdelay $0x1  }
0xa1: {  	s23 =	simm.s32 $0x1B8B  }
0xa2: {  	_ =	swait.ge [sflag:s23], $0x1  }
0xa3: {  	[sflag:s23] =	ssyncset.done $0x0  }
0xa4: {  	s25 =	simm.s32 $0x1B8E;
	s24 =	sld [smem:$0x3FFE];
	[sflag:s23] =	ssyncadd.s32 $0xFFFFFFFF  }
0xa5: {  	s26 =	simm.s32 $execute0_lowered;
	[smem:$0x3FD2] =	sst s25  }
0xa6: {  	s5 =	sshll.u32 s26, $0x1;
	_ =	strace $0x8000004C;
	[dreg:$0x1] =	wrdreg $0xFFFFFFFF  }
0xa7: {  	s28 =	simm.s32 $_size_execute0_lowered;
	s3 =	sadd.s32 s3, s5;
	[dreg:$0x0] =	wrdreg $0x0  }
0xa8: {  	s5 =	sshll.u32 s28, $0x1;
	[dreg:$0x2] =	wrdreg s3  }
0xa9: {  	[dreg:$0x3] =	wrdreg s5  }
0xaa: {  	[dreg:$0x4] =	wrdreg $0xC0  }
0xab: {  	_ =	task [dreg:s7], $0x5FFFF  }
0xac: {  	[dreg:$0x1] =	wrdreg $0xFFFFFFFF  }
0xad: {  	[dreg:$0x0] =	wrdreg $0x60  }
0xae: {  	[dreg:$0x2] =	wrdreg s24  }
0xaf: {  	[dreg:$0x3] =	wrdreg s2  }
0xb0: {  	[dreg:$0x4] =	wrdreg $0x40000  }
0xb1: {  	[dreg:$0x5] =	wrdreg $0x9  }
0xb2: {  	_ =	task.clear_ibuf [dreg:s7], $0x6FFFF;
	_ =	strace $0x9000004C  }
0xb3: {  	s29 =	simm.s32 $0x9;
	_ =	strace $0x8000004E  }
0xb4: {  	_ =	swait.ge [sflag:s29], $0x1  }
0xb5: {  	[sflag:s29] =	ssyncadd.s32 $0xFFFFFFFF  }
0xb6: {  	_ =	strace $0x9000004E  }
0xb7: {  	_ =	sfence  }
0xb8: {  	s30 =	sld [smem:$0x0];
	_ =	sdelay $0x2  }
0xb9: {  	s31 =	sshll.u32 s1, $0xD;
	s1 =	sshrl.u32 s1, $0x2  }
0xba: {  	s3 =	sand.u32 $0x4000, s31;
	s1 =	sadd.s32 s1, s30  }
0xbb: {  	s0 =	sor.u32 s3, s0;
	s1 =	sshll.u32 s1, $0x11  }
0xbc: {  	s0 =	sor.u32 s1, s0  }
0xbd: {  	s0 =	sadd.s32 $0x8F2B, s0  }
0xbe: {  	[sflag:s0] =	ssyncadd.remote.s32 $0x1  }
0xbf: {  	_ =	sfence.sel $0xFFFF  }
0xc0: {  	[dreg:$0x0] =	wrdreg $0xFFFFFFFF;
	(pc) =	sbr.abs _section_cstart, $3  }
0xc1: {  	[dreg:$0x1] =	wrdreg $0xFFFFFFFF  }
0xc2: {  	_ =	task.clear_ibuf [dreg:s7], $0x2FFFF;
	_ =	strace $0x9FFFFFFF  }
0xc3: {  	(tm) =	ssettm $0x7FFFFFFF  }
tec
execute0_lowered:
.L_overlay_start_1:
0x0: {  	(tag) =	ssettag $0x1  }
0x1: {  	s0 =	rddreg [dreg:$0x0];
	s1 =	srdreg.scid  }
0x2: {  	s3 =	rddreg [dreg:$0x2];
	s10 =	stileid.u32  }
0x3: {  	s4 =	simm.s32 $0x0;
	s1 =	sand.u32 $0x1, s1;
	s8 =	smul.u32 $0x7800, s10  }
0x4: {  	s20 =	simm.s32 $0x9;
	s29 =	simm.s32 $0x1800;
	s2 =	smul.u32 $0x78000, s1  }
0x5: {  	[smem:$0x7FF] =	sst s4;
	s5 =	sadd.s32 $0xC400, s0;
	s6 =	sadd.s32 $0x2400, s0  }
0x6: {  	s9 =	smul.u32 $0x1E000, s10;
	s7 =	ssub.s32 $0x2, s1;
	s2 =	sadd.s32 s8, s2  }
0x7: {  	s1 =	sshll.u32 s1, $0x4;
	s17 =	sshrl.u32 s7, $0x1;
	s2 =	sshrl.u32 s2, $0x3  }
0x8: {  	s1 =	sor.u32 s10, s1;
	s18 =	sshrl.u32 s9, $0x2;
	s0 =	sadd.s32 s2, s0  }
0x9: {  	s2 =	ssub.s32 s7, s17;
	s7 =	smul.u32 $0x2800, s1;
	s1 =	sadd.s32 s18, s3  }
0xa: {  	_ =	strace $0x8000004D;
	s0 =	sadd.s32 $0x1B400, s0;
	[dreg:$0x5] =	wrdreg s1  }
0xb: {  	s30 =	simm.s32 $0x1;
	s2 =	smax.u32 s2, $0x1;
	[dreg:$0x4] =	wrdreg s0  }
0xc: {  	s12 =	simm.s32 $0x3;
	s21 =	sadd.s32 $0xC00, s1;
	[dreg:$0x6] =	wrdreg s2  }
0xd: {  	s14 =	simm.s32 $0x6;
	s22 =	sadd.s32 $0x1800, s1;
	[dreg:$0x7] =	wrdreg s21  }
0xe: {  	s15 =	simm.s32 $0x3140;
	s23 =	sadd.s32 $0x2400, s1;
	[dreg:$0x8] =	wrdreg s22  }
0xf: {  	s16 =	simm.s32 $0x4;
	s24 =	sadd.s32 $0x3000, s1;
	[dreg:$0x9] =	wrdreg s23  }
0x10: {  	s19 =	sadd.s32 s8, s3;
	s25 =	sadd.s32 $0x3C00, s1;
	[dreg:$0xa] =	wrdreg s24  }
0x11: {  	s10 =	simm.s32 $0x5;
	s26 =	sadd.s32 $0x4800, s1;
	[dreg:$0xb] =	wrdreg s25  }
0x12: {  	s8 =	simm.s32 $0x0;
	s28 =	sadd.s32 $0x5400, s1;
	[dreg:$0xc] =	wrdreg s26  }
0x13: {  	s17 =	simm.s32 $0x38C0;
	s31 =	sadd.s32 $0x6000, s1;
	[dreg:$0xd] =	wrdreg s28  }
.Ltmp0:
0x14: {  	s1 =	sadd.s32 $0x6C00, s1;
	[dreg:$0xe] =	wrdreg s31;
	(pc) =	sbr.rel .LBB2_1-.Ltmp0, $4  }
0x15: {  	s18 =	simm.s32 $0x7;
	[dreg:$0xf] =	wrdreg s1;
	s21 =	simm.s32 $0x3000  }
0x16: {  	s22 =	simm.s32 $0x3800;
	s23 =	simm.s32 $0x40;
	s0 =	sshrl.u32 s19, $0x3  }
0x17: {  	s26 =	simm.s32 $0xC00;
	s1 =	simm.s32 $0x2;
	s19 =	simm.s32 $0x3180  }
0x18: {  	v0 =	vimm.f32 $0.0e+00;
	s25 =	simm.s32 $0x8;
	[dreg:$0x10] =	wrdreg s0;
	s0 =	simm.s32 $0x2400  }
.LBB2_8:
0x19: {  	s2 =	stileid.u32;
	[bflag:$0x0] =	sbarrier.arrive $0xFFFF  }
0x1a: {  	s2 =	sshll.u32 s2, $0x6;
	s8 =	rddreg [dreg:$0x4]  }
0x1b: {  	s9 =	rddreg [dreg:$0x10];
	s2 =	sor.u32 $0x1C09, s2  }
0x1c: {  	[hbm:s8], [sflag:s2] =	dma.local [spmem:s9], $0xF00  }
0x1d: {  	_ =	swait.ge [sflag:s20], $0xF00  }
0x1e: {  	s28 =	rddreg [dreg:$0x11]  }
0x1f: {  	s31 =	rddreg [dreg:$0x6];
	s8 =	sadd.s32 $0x1, s28  }
0x20: {  	p0 =	sne.s32 s8, s31  }
.Ltmp1:
0x21: {  	_ = 	snop;
	(pc) =	sbr.rel @!p0 .LBB2_9-.Ltmp1, $3  }
0x22: {  	_ =	sdelay $0x1  }
0x23: {  	[sflag:s20] =	ssyncset.done $0x0  }
0x24: {  	[sflag:s20] =	ssyncadd.s32 $0xFFFFF100  }
.LBB2_1:
0x25: {  	s2 =	simm.s32 $0x0;
	s9 =	simm.s32 $0xC0  }
.LBB2_2:
0x26: {  	p0 =	sne.s32 s9, $0x2F40;
	[tilespmem:s2+$0x2420] =	vst v0  }
0x27: {  	[tilespmem:s2+$0x0] =	vst v0  }
0x28: {  	[tilespmem:s2+$0x10] =	vst v0  }
0x29: {  	[tilespmem:s2+$0x20] =	vst v0  }
0x2a: {  	[tilespmem:s2+$0xC00] =	vst v0  }
0x2b: {  	[tilespmem:s2+$0xC10] =	vst v0  }
0x2c: {  	[tilespmem:s2+$0xC20] =	vst v0  }
.Ltmp2:
0x2d: {  	[tilespmem:s2+$0x1800] =	vst v0;
	(pc) =	sbr.rel @p0 .LBB2_2-.Ltmp2, $4  }
0x2e: {  	[tilespmem:s2+$0x1810] =	vst v0  }
0x2f: {  	[tilespmem:s2+$0x1820] =	vst v0  }
0x30: {  	[tilespmem:s2+$0x2400] =	vst v0  }
0x31: {  	[tilespmem:s2+$0x2410] =	vst v0;
	s2 =	sshra.s32 s9, $0x2;
	s9 =	sadd.s32 $0xC0, s9  }
0x32: {  	[tilespmem:s2+$0x2420] =	vst v0  }
0x33: {  	[tilespmem:s2+$0x0] =	vst v0  }
0x34: {  	[tilespmem:s2+$0x10] =	vst v0  }
0x35: {  	[tilespmem:s2+$0x20] =	vst v0  }
0x36: {  	[tilespmem:s2+$0xC00] =	vst v0  }
0x37: {  	[tilespmem:s2+$0xC10] =	vst v0  }
0x38: {  	[tilespmem:s2+$0xC20] =	vst v0  }
0x39: {  	[tilespmem:s2+$0x1800] =	vst v0  }
0x3a: {  	[tilespmem:s2+$0x1810] =	vst v0  }
0x3b: {  	[tilespmem:s2+$0x1820] =	vst v0  }
0x3c: {  	[dreg:$0x11] =	wrdreg s8;
	[tilespmem:s2+$0x2400] =	vst v0  }
0x3d: {  	[tilespmem:s2+$0x2410] =	vst v0;
	s9 =	simm.s32 $0x0;
	s13 =	rddreg [dreg:$0x5]  }
0x3e: {  	[spmem:s13] =	stream.linear.scatter [tilespmem:s9], [sflag:$0x9], $0xC00, $0x38;
	[tilespmem:$0xB800] =	vst v63  }
0x3f: {  	_ =	swait.ge [sflag:s20], $0xC00  }
0x40: {  	[sflag:s20] =	ssyncset.done $0x0  }
0x41: {  	s24 =	rddreg [dreg:$0x7];
	[sflag:s20] =	ssyncadd.s32 $0xFFFFF400  }
0x42: {  	[spmem:s24] =	stream.linear.scatter [tilespmem:s9], [sflag:$0x9], $0xC00, $0x38;
	[tilespmem:$0xB800] =	vst v63  }
0x43: {  	_ =	swait.ge [sflag:s20], $0xC00  }
0x44: {  	[sflag:s20] =	ssyncset.done $0x0  }
0x45: {  	s28 =	rddreg [dreg:$0x8];
	[sflag:s20] =	ssyncadd.s32 $0xFFFFF400  }
0x46: {  	[spmem:s28] =	stream.linear.scatter [tilespmem:s9], [sflag:$0x9], $0xC00, $0x38;
	[tilespmem:$0xB800] =	vst v63  }
0x47: {  	_ =	swait.ge [sflag:s20], $0xC00  }
0x48: {  	[sflag:s20] =	ssyncset.done $0x0  }
0x49: {  	s31 =	rddreg [dreg:$0x9];
	[sflag:s20] =	ssyncadd.s32 $0xFFFFF400  }
0x4a: {  	[spmem:s31] =	stream.linear.scatter [tilespmem:s9], [sflag:$0x9], $0xC00, $0x38;
	[tilespmem:$0xB800] =	vst v63  }
0x4b: {  	_ =	swait.ge [sflag:s20], $0xC00  }
0x4c: {  	[sflag:s20] =	ssyncset.done $0x0  }
0x4d: {  	s8 =	rddreg [dreg:$0xa];
	[sflag:s20] =	ssyncadd.s32 $0xFFFFF400  }
0x4e: {  	[spmem:s8] =	stream.linear.scatter [tilespmem:s9], [sflag:$0x9], $0xC00, $0x38;
	[tilespmem:$0xB800] =	vst v63  }
0x4f: {  	_ =	swait.ge [sflag:s20], $0xC00  }
0x50: {  	[sflag:s20] =	ssyncset.done $0x0  }
0x51: {  	s11 =	rddreg [dreg:$0xb];
	[sflag:s20] =	ssyncadd.s32 $0xFFFFF400  }
0x52: {  	[spmem:s11] =	stream.linear.scatter [tilespmem:s9], [sflag:$0x9], $0xC00, $0x38;
	[tilespmem:$0xB800] =	vst v63  }
0x53: {  	_ =	swait.ge [sflag:s20], $0xC00  }
0x54: {  	[sflag:s20] =	ssyncset.done $0x0  }
0x55: {  	s13 =	rddreg [dreg:$0xc];
	[sflag:s20] =	ssyncadd.s32 $0xFFFFF400  }
0x56: {  	[spmem:s13] =	stream.linear.scatter [tilespmem:s9], [sflag:$0x9], $0xC00, $0x38;
	[tilespmem:$0xB800] =	vst v63  }
0x57: {  	_ =	swait.ge [sflag:s20], $0xC00  }
0x58: {  	[sflag:s20] =	ssyncset.done $0x0  }
0x59: {  	s24 =	rddreg [dreg:$0xd];
	[sflag:s20] =	ssyncadd.s32 $0xFFFFF400  }
0x5a: {  	[spmem:s24] =	stream.linear.scatter [tilespmem:s9], [sflag:$0x9], $0xC00, $0x38;
	[tilespmem:$0xB800] =	vst v63  }
0x5b: {  	_ =	swait.ge [sflag:s20], $0xC00  }
0x5c: {  	[sflag:s20] =	ssyncset.done $0x0  }
0x5d: {  	s28 =	rddreg [dreg:$0xe];
	[sflag:s20] =	ssyncadd.s32 $0xFFFFF400  }
0x5e: {  	[spmem:s28] =	stream.linear.scatter [tilespmem:s9], [sflag:$0x9], $0xC00, $0x38;
	[tilespmem:$0xB800] =	vst v63  }
0x5f: {  	_ =	swait.ge [sflag:s20], $0xC00  }
0x60: {  	[sflag:s20] =	ssyncset.done $0x0  }
0x61: {  	s31 =	rddreg [dreg:$0xf];
	[sflag:s20] =	ssyncadd.s32 $0xFFFFF400  }
0x62: {  	[spmem:s31] =	stream.linear.scatter [tilespmem:s9], [sflag:$0x9], $0xC00, $0x38;
	[tilespmem:$0xB800] =	vst v63  }
.Ltmp3:
0x63: {  	_ =	swait.ge [sflag:s20], $0xC00;
	(pc) =	sbr.rel .LBB2_4-.Ltmp3, $4  }
0x64: {  	[sflag:s20] =	ssyncset.done $0x0  }
0x65: {  	[sflag:s20] =	ssyncadd.s32 $0xFFFFF400  }
0x66: {  	[bflag:$0x0] =	sbarrier.arrive $0xFFFF  }
0x67: {  	s2 =	simm.s32 $0x0  }
.LBB2_7:
0x68: {  	_ =	swait.ge [sflag:s10], $0xC00  }
0x69: {  	[sflag:s10] =	ssyncset.done $0x0  }
0x6a: {  	[sflag:s10] =	ssyncadd.s32 $0xFFFFF400  }
0x6b: {  	_ =	swait.ge [sflag:s14], $0xC00  }
0x6c: {  	[sflag:s14] =	ssyncset.done $0x0  }
0x6d: {  	s2 =	sadd.s32 $0x1, s2;
	[sflag:s14] =	ssyncadd.s32 $0xFFFFF400  }
0x6e: {  	p0 =	sne.s32 s2, $0x5;
	_ =	swait.ge [sflag:s18], $0xC00  }
.Ltmp4:
0x6f: {  	[sflag:s18] =	ssyncset.done $0x0;
	(pc) =	sbr.rel @!p0 .LBB2_8-.Ltmp4, $4  }
0x70: {  	[sflag:s18] =	ssyncadd.s32 $0xFFFFF400  }
0x71: {  	_ =	swait.ge [sflag:s25], $0xC00  }
0x72: {  	[sflag:s25] =	ssyncset.done $0x0  }
0x73: {  	[sflag:s25] =	ssyncadd.s32 $0xFFFFF400  }
.LBB2_4:
0x74: {  	s24 =	sshll.u32 s2, $0xB  }
0x75: {  	s24 =	sadd.s32 s7, s24  }
0x76: {  	s24 =	sshrl.u32 s24, $0x3  }
0x77: {  	s28 =	sadd.s32 s6, s24  }
0x78: {  	[tilespmem:s21], [sflag:$0x9] =	stream.linear.gather [hbm4b:s28+s9], $0x800, $0x38;
	[tilespmem:$0xB800] =	vst v63  }
0x79: {  	_ =	swait.ge [sflag:s20], $0x800  }
0x7a: {  	[sflag:s20] =	ssyncset.done $0x0  }
0x7b: {  	[sflag:s20] =	ssyncadd.s32 $0xFFFFF800  }
0x7c: {  	s8 =	rddreg [dreg:$0x1]  }
0x7d: {  	s24 =	sadd.s32 s8, s24  }
0x7e: {  	[tilespmem:s22], [sflag:$0x9] =	stream.linear.gather [hbm4b:s24+s9], $0x800, $0x38;
	[tilespmem:$0xB800] =	vst v63  }
0x7f: {  	_ =	swait.ge [sflag:s20], $0x800  }
0x80: {  	[sflag:s20] =	ssyncset.done $0x0  }
0x81: {  	[sflag:s20] =	ssyncadd.s32 $0xFFFFF800  }
0x82: {  	[tilespmem:s9], [sflag:$0x1] =	stream.indirect.gather [hbm4b:s5+s23], $0x30, s21, s23, $0xb8;
	[tilespmem:$0xB800] =	vst v63  }
0x83: {  	s31 =	simm.s32 $0x3040  }
0x84: {  	[tilespmem:s26], [sflag:$0x2] =	stream.indirect.gather [hbm4b:s5+s23], $0x30, s31, s23, $0xb8;
	[tilespmem:$0xB800] =	vst v63  }
0x85: {  	s11 =	simm.s32 $0x3080  }
0x86: {  	[tilespmem:s29], [sflag:$0x3] =	stream.indirect.gather [hbm4b:s5+s23], $0x30, s11, s23, $0xb8;
	[tilespmem:$0xB800] =	vst v63  }
0x87: {  	_ =	swait.ge [sflag:s30], $0xC00  }
0x88: {  	[sflag:s30] =	ssyncset.done $0x0  }
0x89: {  	[sflag:s30] =	ssyncadd.s32 $0xFFFFF400  }
0x8a: {  	[spmem:s3] =	stream.indirect.scatter.add.f32 [tilespmem:s9], [sflag:$0x5], $0x30, s22, s23, $0xb8;
	[tilespmem:$0xB800] =	vst v63  }
0x8b: {  	s13 =	simm.s32 $0x30C0  }
0x8c: {  	[tilespmem:s0], [sflag:$0x4] =	stream.indirect.gather [hbm4b:s5+s23], $0x30, s13, s23, $0xb8;
	[tilespmem:$0xB800] =	vst v63  }
0x8d: {  	_ =	swait.ge [sflag:s1], $0xC00  }
0x8e: {  	[sflag:s1] =	ssyncset.done $0x0  }
0x8f: {  	s24 =	simm.s32 $0x3840;
	[sflag:s1] =	ssyncadd.s32 $0xFFFFF400  }
0x90: {  	[spmem:s3] =	stream.indirect.scatter.add.f32 [tilespmem:s26], [sflag:$0x6], $0x30, s24, s23, $0xb8;
	[tilespmem:$0xB800] =	vst v63  }
0x91: {  	_ =	swait.ge [sflag:s10], $0xC00  }
0x92: {  	[sflag:s10] =	ssyncset.done $0x0  }
0x93: {  	s28 =	simm.s32 $0x3100;
	[sflag:s10] =	ssyncadd.s32 $0xFFFFF400  }
0x94: {  	[tilespmem:s9], [sflag:$0x1] =	stream.indirect.gather [hbm4b:s5+s23], $0x30, s28, s23, $0xb8;
	[tilespmem:$0xB800] =	vst v63  }
0x95: {  	_ =	swait.ge [sflag:s12], $0xC00  }
0x96: {  	[sflag:s12] =	ssyncset.done $0x0  }
0x97: {  	s31 =	simm.s32 $0x3880;
	[sflag:s12] =	ssyncadd.s32 $0xFFFFF400  }
0x98: {  	[spmem:s3] =	stream.indirect.scatter.add.f32 [tilespmem:s29], [sflag:$0x7], $0x30, s31, s23, $0xb8;
	[tilespmem:$0xB800] =	vst v63  }
0x99: {  	_ =	swait.ge [sflag:s14], $0xC00  }
0x9a: {  	[sflag:s14] =	ssyncset.done $0x0  }
0x9b: {  	[sflag:s14] =	ssyncadd.s32 $0xFFFFF400  }
0x9c: {  	[tilespmem:s26], [sflag:$0x2] =	stream.indirect.gather [hbm4b:s5+s23], $0x30, s15, s23, $0xb8;
	[tilespmem:$0xB800] =	vst v63  }
0x9d: {  	_ =	swait.ge [sflag:s16], $0xC00  }
0x9e: {  	[sflag:s16] =	ssyncset.done $0x0  }
0x9f: {  	[sflag:s16] =	ssyncadd.s32 $0xFFFFF400  }
0xa0: {  	[spmem:s3] =	stream.indirect.scatter.add.f32 [tilespmem:s0], [sflag:$0x8], $0x30, s17, s23, $0xb8;
	[tilespmem:$0xB800] =	vst v63  }
0xa1: {  	_ =	swait.ge [sflag:s18], $0xC00  }
0xa2: {  	[sflag:s18] =	ssyncset.done $0x0  }
0xa3: {  	s24 =	simm.s32 $0x0;
	[sflag:s18] =	ssyncadd.s32 $0xFFFFF400  }
0xa4: {  	[tilespmem:s29], [sflag:$0x3] =	stream.indirect.gather [hbm4b:s5+s23], $0x30, s19, s23, $0xb8;
	[tilespmem:$0xB800] =	vst v63  }
.LBB2_5:
0xa5: {  	_ =	swait.ge [sflag:s30], $0xC00  }
0xa6: {  	s28 =	sshra.s32 s24, $0x2;
	[sflag:s30] =	ssyncset.done $0x0  }
0xa7: {  	s31 =	sadd.s32 $0x3900, s28;
	[sflag:s30] =	ssyncadd.s32 $0xFFFFF400  }
0xa8: {  	[spmem:s3] =	stream.indirect.scatter.add.f32 [tilespmem:s4], [sflag:$0x5], $0x30, s31, s23, $0xb8;
	[tilespmem:$0xB800] =	vst v63  }
0xa9: {  	_ =	swait.ge [sflag:s25], $0xC00  }
0xaa: {  	[sflag:s25] =	ssyncset.done $0x0  }
0xab: {  	s11 =	sadd.s32 $0x31C0, s28;
	[sflag:s25] =	ssyncadd.s32 $0xFFFFF400  }
0xac: {  	[tilespmem:s0], [sflag:$0x4] =	stream.indirect.gather [hbm4b:s5+s23], $0x30, s11, s23, $0xb8;
	[tilespmem:$0xB800] =	vst v63  }
0xad: {  	_ =	swait.ge [sflag:s1], $0xC00  }
0xae: {  	p0 =	seq.s32 s24, $0x1800;
	[sflag:s1] =	ssyncset.done $0x0  }
0xaf: {  	s13 =	sadd.s32 $0x3940, s28;
	s31 =	simm.s32 @p0 $0x3;
	[sflag:s1] =	ssyncadd.s32 $0xFFFFF400  }
0xb0: {  	[spmem:s3] =	stream.indirect.scatter.add.f32 [tilespmem:s26], [sflag:$0x6], $0x30, s13, s23, $0xb8;
	[tilespmem:$0xB800] =	vst v63  }
0xb1: {  	_ =	swait.ge @p0 [sflag:s31], $0xC00  }
0xb2: {  	[sflag:s31] =	ssyncset.done @p0 $0x0  }
0xb3: {  	[sflag:s31] =	ssyncadd.s32 @p0 $0xFFFFF400;
	s31 =	sshra.s32 @p0 s24, $0x2  }
0xb4: {  	s8 =	simm.s32 @p0 $0x40;
	s11 =	simm.s32 @p0 $0x1800;
	s31 =	sadd.s32 @p0 $0x3980, s31  }
0xb5: {  	[spmem:s3] =	stream.indirect.scatter.add.f32 @p0 [tilespmem:s11], [sflag:$0x7], $0x30, s31, s8, $0xb8;
	[tilespmem:$0xB800] =	vst v63  }
0xb6: {  	s8 =	simm.s32 @!p0 $0x5  }
0xb7: {  	_ =	swait.ge @!p0 [sflag:s8], $0xC00  }
0xb8: {  	[sflag:s8] =	ssyncset.done @!p0 $0x0  }
0xb9: {  	[sflag:s8] =	ssyncadd.s32 @!p0 $0xFFFFF400;
	s8 =	sshra.s32 @!p0 s24, $0x2  }
0xba: {  	s13 =	simm.s32 @!p0 $0x0;
	s31 =	simm.s32 @!p0 $0x40;
	s11 =	sadd.s32 @!p0 $0x3200, s8  }
0xbb: {  	[tilespmem:s13], [sflag:$0x1] =	stream.indirect.gather @!p0 [hbm4b:s5+s31], $0x30, s11, s31, $0xb8;
	[tilespmem:$0xB800] =	vst v63  }
0xbc: {  	s11 =	simm.s32 @!p0 $0x3  }
0xbd: {  	_ =	swait.ge @!p0 [sflag:s11], $0xC00  }
0xbe: {  	[sflag:s11] =	ssyncset.done @!p0 $0x0  }
0xbf: {  	s13 =	simm.s32 @!p0 $0x1800;
	[sflag:s11] =	ssyncadd.s32 @!p0 $0xFFFFF400;
	s11 =	sadd.s32 @!p0 $0x3980, s8  }
0xc0: {  	[spmem:s3] =	stream.indirect.scatter.add.f32 @!p0 [tilespmem:s13], [sflag:$0x7], $0x30, s11, s31, $0xb8;
	[tilespmem:$0xB800] =	vst v63  }
0xc1: {  	s11 =	simm.s32 @!p0 $0x6  }
0xc2: {  	_ =	swait.ge @!p0 [sflag:s11], $0xC00  }
0xc3: {  	[sflag:s11] =	ssyncset.done @!p0 $0x0  }
0xc4: {  	s8 =	sadd.s32 @!p0 $0x3240, s8;
	[sflag:s11] =	ssyncadd.s32 @!p0 $0xFFFFF400;
	s11 =	simm.s32 @!p0 $0xC00  }
0xc5: {  	[tilespmem:s11], [sflag:$0x2] =	stream.indirect.gather @!p0 [hbm4b:s5+s31], $0x30, s8, s31, $0xb8;
	[tilespmem:$0xB800] =	vst v63  }
.Ltmp5:
0xc6: {  	_ = 	snop;
	(pc) =	sbr.rel @p0 .LBB2_7-.Ltmp5, $4  }
0xc7: {  	_ =	swait.ge [sflag:s16], $0xC00  }
0xc8: {  	[sflag:s16] =	ssyncset.done $0x0  }
0xc9: {  	s31 =	sadd.s32 $0x39C0, s28;
	[sflag:s16] =	ssyncadd.s32 $0xFFFFF400  }
0xca: {  	[spmem:s3] =	stream.indirect.scatter.add.f32 [tilespmem:s0], [sflag:$0x8], $0x30, s31, s23, $0xb8;
	[tilespmem:$0xB800] =	vst v63  }
.Ltmp6:
0xcb: {  	(pc) =	sbr.rel .LBB2_5-.Ltmp6, $4  }
0xcc: {  	_ =	swait.ge [sflag:s18], $0xC00  }
0xcd: {  	[sflag:s18] =	ssyncset.done $0x0  }
0xce: {  	s8 =	sadd.s32 $0x3280, s28;
	s24 =	sadd.s32 $0x400, s24;
	[sflag:s18] =	ssyncadd.s32 $0xFFFFF400  }
0xcf: {  	[tilespmem:s29], [sflag:$0x3] =	stream.indirect.gather [hbm4b:s5+s23], $0x30, s8, s23, $0xb8;
	[tilespmem:$0xB800] =	vst v63  }
.LBB2_9:
0xd0: {  	_ =	sfence.sel $0x180000  }
0xd1: {  	[bflag:$0x0] =	sbarrier.arrive $0xFFFF  }
0xd2: {  	_ =	strace $0x9000004D  }
0xd3: {  	s0 =	stileid.u32;
	[bflag:$0x2] =	sbarrier.arrive $0xFFFF  }
0xd4: {  	p0 =	sne.s32 s0, $0x0;
	s0 =	rddreg [dreg:$0x3]  }
0xd5: {  	s0 =	sadd.s32 @!p0 $0x100000, s0  }
0xd6: {  	[sflag:s0] =	ssyncadd.tile.s32 @!p0 $0x1;
	_ =	shalt  }
.Lfunc_end2:
_tile_overlayer_lowered:
.L_overlay_start_2:
0xd7: {  	(tag) =	ssettag $0x2  }
0xd8: {  	s0 =	rddreg [dreg:$0x0];
	s2 =	stileid.u32  }
0xd9: {  	s1 =	rddreg [dreg:$0x1];
	p0 =	sne.s32 s2, $0x0  }
0xda: {  	s3 =	rddreg [dreg:$0x2];
	[bflag:$0x3] =	sbarrier.arrive $0xFFFF;
	s2 =	simm.s32 @!p0 $0x1C09  }
0xdb: {  	[timem:s3], [sflag:s2] =	dma.local @!p0 [hbm:s0], s1  }
0xdc: {  	s0 =	simm.s32 @!p0 $0x9  }
0xdd: {  	_ =	swait.ge @!p0 [sflag:s0], s1  }
0xde: {  	s1 =	ssub.s32 @!p0 $0x0, s1;
	[sflag:s0] =	ssyncset.done @!p0 $0x0  }
0xdf: {  	[sflag:s0] =	ssyncadd.s32 @!p0 s1  }
0xe0: {  	[bflag:$0x3] =	sbarrier.arrive $0xFFFF  }
0xe1: {  	_ =	shalt  }

// kernel: kernel.8.cloned.1.call-start
scs
__scs_entry_jumppad:
0x0: {  	(pc) =	sbr.rel $0x88, $3  }
0x1: {  	(tag) =	ssettag $0x0;
	lr =	simm.s32 $0x1  }
0x2: {  	[smem:$0x3F9B] =	sst lr;
	_ =	strace $0xD0000000  }
0x3: {  	_ = 	snop  }
0x4: {  	_ = 	snop  }
0x5: {  	_ = 	snop  }
0x6: {  	_ = 	snop  }
0x7: {  	_ = 	snop  }
__scs_overlays_trampoline_lowered:
0x8: {  	[smem:$0x3FAA] =	sst s0  }
0x9: {  	[smem:$0x3FAB] =	sst s1  }
0xa: {  	[smem:$0x3FAC] =	sst s2  }
0xb: {  	[smem:$0x3FAD] =	sst s3  }
0xc: {  	[smem:$0x3FAE] =	sst s4  }
0xd: {  	[smem:$0x3FAF] =	sst s5  }
0xe: {  	[smem:$0x3FB0] =	sst s6  }
0xf: {  	[smem:$0x3FB1] =	sst s7  }
0x10: {  	[smem:$0x3FB2] =	sst s8  }
0x11: {  	[smem:$0x3FB3] =	sst s9;
	s0 =	simm.s32 @!p0 $0x0  }
0x12: {  	s1 =	sld [smem:$0x3F99];
	s0 =	simm.s32 @p0 $0x1  }
0x13: {  	[smem:$0x3FB4] =	sst s0;
	s0 =	simm.s32 @!p1 $0x0  }
0x14: {  	s2 =	sld [smem:$0x3F98];
	s0 =	simm.s32 @p1 $0x1  }
0x15: {  	[smem:$0x3FB5] =	sst s0;
	s0 =	simm.s32 @!p2 $0x0  }
0x16: {  	s3 =	sld [smem:$0x3FDB];
	s0 =	simm.s32 @p2 $0x1  }
0x17: {  	s4 =	simm.s32 $0x1BF5;
	[smem:$0x3FB7] =	sst s0  }
0x18: {  	s0 =	sld [smem:$0x3F9A];
	_ =	swait.ge [sflag:s4], $0x0  }
0x19: {  	s7 =	sld [smem:$0x3F9B]  }
0x1a: {  	s8 =	sadd.s32 $0xFFFFE003, lr  }
0x1b: {  	s9 =	sadd.s32 $0xFFFFFEF7, lr;
	s5 =	simm.s32 $0xFFFFFFFF;
	p2 =	slt.u32 s8, $0xFFFFF086  }
0x1c: {  	p1 =	slt.u32 s9, $0xF7A;
	s5 =	simm.s32 @!p2 $0x0  }
0x1d: {  	s5 =	simm.s32 @p1 $0x1;
	p0 =	seq.s32 s7, s2  }
0x1e: {  	s7 =	smul.u32 @!p0 $0xF7A, s2;
	p2 =	seq.s32 @!p0 s5, $0x0  }
0x1f: {  	s9 =	smul.u32 $0xF7A, s1;
	s8 =	simm.s32 @!p0 $0x1BF5;
	p2 =	por !p2, p0  }
0x20: {  	[sflag:s8] =	ssyncset.s32 @!p0 $0xFFFFF086;
	s6 =	sadd.s32 @!p0 s3, s7;
	s7 =	simm.s32 @!p0 $0x108  }
0x21: {  	s3 =	sadd.s32 s3, s9;
	s6 =	sadd.s32 @!p0 $0x88, s6;
	s7 =	simm.s32 @p2 $0x1082  }
0x22: {  	[simem:s7], [sflag:s8] =	dma.local @!p0 [hbm:s6], $0xF7A  }
0x23: {  	s9 =	sor.u32 $0xD0000000, s2;
	s6 =	simm.s32 $0x108;
	_ =	swait.ge @!p0 [sflag:s8], $0x0  }
0x24: {  	s3 =	sadd.s32 $0x88, s3;
	s6 =	simm.s32 @!p1 $0x1082;
	[sflag:s4] =	ssyncset.s32 $0xFFFFF086  }
0x25: {  	[simem:s6], [sflag:s4] =	dma.local [hbm:s3], $0xF7A  }
0x26: {  	[smem:$0x3F9B] =	sst s1;
	(tag) =	ssettag s2;
	_ =	strace s9  }
0x27: {  	s1 =	sld [smem:$0x3FAB]  }
0x28: {  	s2 =	sld [smem:$0x3FAC]  }
0x29: {  	s4 =	sld [smem:$0x3FAE]  }
0x2a: {  	p0 =	seq.s32 s5, $0x0;
	s5 =	sld [smem:$0x3FAF]  }
0x2b: {  	s6 =	sld [smem:$0x3FB0]  }
0x2c: {  	s7 =	sld [smem:$0x3FB1]  }
0x2d: {  	s3 =	simm.s32 $0x108;
	s8 =	sld [smem:$0x3FB2]  }
0x2e: {  	s3 =	simm.s32 @!p0 $0x1082;
	s9 =	sld [smem:$0x3FB3]  }
0x2f: {  	lr =	sadd.s32 s0, s3;
	s0 =	sld [smem:$0x3FAA]  }
0x30: {  	s3 =	sld [smem:$0x3FAD]  }
0x31: {  	[smem:$0x3FB6] =	sst s10  }
0x32: {  	s10 =	sld [smem:$0x3FB4];
	_ =	sdelay $0x3  }
0x33: {  	p0 =	seq.s32 s10, $0x1;
	s10 =	sld [smem:$0x3FB6];
	_ =	sdelay $0x3  }
0x34: {  	[smem:$0x3FB6] =	sst s10  }
0x35: {  	s10 =	sld [smem:$0x3FB5];
	_ =	sdelay $0x3  }
0x36: {  	p1 =	seq.s32 s10, $0x1;
	s10 =	sld [smem:$0x3FB6];
	_ =	sdelay $0x3  }
0x37: {  	[smem:$0x3FB6] =	sst s10  }
0x38: {  	s10 =	sld [smem:$0x3FB7]  }
0x39: {  	_ = 	snop;
	(pc) =	sbr.ind lr, $3  }
0x3a: {  	_ = 	snop  }
0x3b: {  	_ = 	snop  }
0x3c: {  	p2 =	seq.s32 s10, $0x1;
	s10 =	sld [smem:$0x3FB6]  }
0x3d: {  	_ =	shalt  }
0x3e: {  	_ =	shalt  }
0x3f: {  	_ =	shalt  }
0x40: {  	_ =	shalt  }
0x41: {  	_ =	shalt  }
0x42: {  	_ =	shalt  }
0x43: {  	_ =	shalt  }
0x44: {  	_ =	shalt  }
0x45: {  	_ =	shalt  }
0x46: {  	_ =	shalt  }
0x47: {  	_ =	shalt  }
0x48: {  	_ =	shalt  }
0x49: {  	_ =	shalt  }
0x4a: {  	_ =	shalt  }
0x4b: {  	_ =	shalt  }
0x4c: {  	_ =	shalt  }
0x4d: {  	_ =	shalt  }
0x4e: {  	_ =	shalt  }
0x4f: {  	_ =	shalt  }
0x50: {  	_ =	shalt  }
0x51: {  	_ =	shalt  }
0x52: {  	_ =	shalt  }
0x53: {  	_ =	shalt  }
0x54: {  	_ =	shalt  }
0x55: {  	_ =	shalt  }
0x56: {  	_ =	shalt  }
0x57: {  	_ =	shalt  }
0x58: {  	_ =	shalt  }
0x59: {  	_ =	shalt  }
0x5a: {  	_ =	shalt  }
0x5b: {  	_ =	shalt  }
0x5c: {  	_ =	shalt  }
0x5d: {  	_ =	shalt  }
0x5e: {  	_ =	shalt  }
0x5f: {  	_ =	shalt  }
0x60: {  	_ =	shalt  }
0x61: {  	_ =	shalt  }
0x62: {  	_ =	shalt  }
0x63: {  	_ =	shalt  }
0x64: {  	_ =	shalt  }
0x65: {  	_ =	shalt  }
0x66: {  	_ =	shalt  }
0x67: {  	_ =	shalt  }
0x68: {  	_ =	shalt  }
0x69: {  	_ =	shalt  }
0x6a: {  	_ =	shalt  }
0x6b: {  	_ =	shalt  }
0x6c: {  	_ =	shalt  }
0x6d: {  	_ =	shalt  }
0x6e: {  	_ =	shalt  }
0x6f: {  	_ =	shalt  }
0x70: {  	_ =	shalt  }
0x71: {  	_ =	shalt  }
0x72: {  	_ =	shalt  }
0x73: {  	_ =	shalt  }
0x74: {  	_ =	shalt  }
0x75: {  	_ =	shalt  }
0x76: {  	_ =	shalt  }
0x77: {  	_ =	shalt  }
0x78: {  	_ =	shalt  }
0x79: {  	_ =	shalt  }
0x7a: {  	_ =	shalt  }
0x7b: {  	_ =	shalt  }
0x7c: {  	_ =	shalt  }
0x7d: {  	_ =	shalt  }
0x7e: {  	_ =	shalt  }
0x7f: {  	_ =	shalt  }
0x80: {  	_ =	shalt  }
0x81: {  	_ =	shalt  }
0x82: {  	_ =	shalt  }
0x83: {  	_ =	shalt  }
0x84: {  	_ =	shalt  }
0x85: {  	_ =	shalt  }
0x86: {  	_ =	shalt  }
0x87: {  	_ =	shalt  }
.Lfunc_end0:
.L_simem_size_0:
called_computation_lowered:
.L_overlay_start_0:
0x88: {  	s2 =	sld [smem:$0x3FD9]  }
0x89: {  	s3 =	sld [smem:$0x3FFE];
	_ =	sdelay $0x1  }
0x8a: {  	s1 =	srdreg.scid  }
0x8b: {  	s0 =	sand.u32 $0x1, s1  }
0x8c: {  	s17 =	sshll.u32 s0, $0xA;
	s2 =	sadd.s32 s3, s2  }
0x8d: {  	s2 =	sadd.s32 s2, s17  }
0x8e: {  	[smem:$0x3FC2] =	sst s2  }
0x8f: {  	_ = 	snop  }
0x90: {  	s2 =	sld [smem:$0x3FD0];
	(tm) =	ssettm $0x1  }
0x91: {  	s18 =	sld [smem:$0x3FFB];
	_ =	sdelay $0x3  }
0x92: {  	_ =	strace s18  }
0x93: {  	s3 =	sld [smem:$0x3FFC];
	_ =	sdelay $0x3  }
0x94: {  	_ =	strace s3  }
0x95: {  	s3 =	sld [smem:$0x3FFD];
	_ =	sdelay $0x3  }
0x96: {  	_ =	strace s3  }
0x97: {  	_ =	strace $0x8FFFFFFF  }
0x98: {  	s19 =	sld [smem:$0x3FDB];
	_ =	sdelay $0x1  }
0x99: {  	s4 =	simm.s32 $_scs_section_size  }
0x9a: {  	s5 =	simm.s32 $_size__tile_overlayer_lowered;
	s6 =	simm.s32 $_tile_overlayer_lowered  }
0x9b: {  	s22 =	simm.s32 $0x1BFF;
	s21 =	sshll.u32 s6, $0x1;
	s3 =	sadd.s32 s4, s19  }
0x9c: {  	s7 =	simm.s32 $0x0;
	s20 =	sshll.u32 s5, $0x1;
	s5 =	sadd.s32 s21, s3  }
0x9d: {  	[timem:s7], [sflag:s22] =	dma.local [hbm:s5], s20  }
0x9e: {  	_ =	swait.ge [sflag:s22], s20  }
0x9f: {  	s4 =	ssub.s32 $0x0, s20;
	[sflag:s22] =	ssyncset.done $0x0  }
0xa0: {  	[sflag:s22] =	ssyncadd.s32 s4;
	_ =	sdelay $0x1  }
0xa1: {  	s23 =	simm.s32 $0x1B8B  }
0xa2: {  	_ =	swait.ge [sflag:s23], $0x1  }
0xa3: {  	[sflag:s23] =	ssyncset.done $0x0  }
0xa4: {  	s25 =	simm.s32 $0x1B8E;
	s24 =	sld [smem:$0x3FFE];
	[sflag:s23] =	ssyncadd.s32 $0xFFFFFFFF  }
0xa5: {  	s26 =	simm.s32 $execute0_lowered;
	[smem:$0x3FD2] =	sst s25  }
0xa6: {  	s5 =	sshll.u32 s26, $0x1;
	_ =	strace $0x80000046;
	[dreg:$0x1] =	wrdreg $0xFFFFFFFF  }
0xa7: {  	s28 =	simm.s32 $_size_execute0_lowered;
	s3 =	sadd.s32 s3, s5;
	[dreg:$0x0] =	wrdreg $0x0  }
0xa8: {  	s5 =	sshll.u32 s28, $0x1;
	[dreg:$0x2] =	wrdreg s3  }
0xa9: {  	[dreg:$0x3] =	wrdreg s5  }
0xaa: {  	[dreg:$0x4] =	wrdreg $0xC0  }
0xab: {  	_ =	task [dreg:s7], $0x5FFFF  }
0xac: {  	[dreg:$0x1] =	wrdreg $0xFFFFFFFF  }
0xad: {  	[dreg:$0x0] =	wrdreg $0x60  }
0xae: {  	[dreg:$0x2] =	wrdreg s2  }
0xaf: {  	[dreg:$0x3] =	wrdreg s24  }
0xb0: {  	[dreg:$0x4] =	wrdreg $0x2B000  }
0xb1: {  	[dreg:$0x5] =	wrdreg $0x9  }
0xb2: {  	_ =	task.clear_ibuf [dreg:s7], $0x6FFFF;
	_ =	strace $0x90000046  }
0xb3: {  	s29 =	simm.s32 $0x9;
	_ =	strace $0x80000048  }
0xb4: {  	_ =	swait.ge [sflag:s29], $0x1  }
0xb5: {  	[sflag:s29] =	ssyncadd.s32 $0xFFFFFFFF  }
0xb6: {  	_ =	strace $0x90000048  }
0xb7: {  	_ =	sfence  }
0xb8: {  	s30 =	sld [smem:$0x0];
	_ =	sdelay $0x2  }
0xb9: {  	s31 =	sshll.u32 s1, $0xD;
	s1 =	sshrl.u32 s1, $0x2  }
0xba: {  	s3 =	sand.u32 $0x4000, s31;
	s1 =	sadd.s32 s1, s30  }
0xbb: {  	s0 =	sor.u32 s3, s0;
	s1 =	sshll.u32 s1, $0x11  }
0xbc: {  	s0 =	sor.u32 s1, s0  }
0xbd: {  	s0 =	sadd.s32 $0x8F2B, s0  }
0xbe: {  	[sflag:s0] =	ssyncadd.remote.s32 $0x1  }
0xbf: {  	_ =	sfence.sel $0xFFFF  }
0xc0: {  	[dreg:$0x0] =	wrdreg $0xFFFFFFFF;
	(pc) =	sbr.abs _section_cstart, $3  }
0xc1: {  	[dreg:$0x1] =	wrdreg $0xFFFFFFFF  }
0xc2: {  	_ =	task.clear_ibuf [dreg:s7], $0x2FFFF;
	_ =	strace $0x9FFFFFFF  }
0xc3: {  	(tm) =	ssettm $0x7FFFFFFF  }
tec
execute0_lowered:
.L_overlay_start_1:
0x0: {  	(tag) =	ssettag $0x1  }
0x1: {  	s5 =	rddreg [dreg:$0x0]  }
0x2: {  	s4 =	rddreg [dreg:$0x1]  }
0x3: {  	s2 =	rddreg [dreg:$0x2]  }
0x4: {  	s0 =	rddreg [dreg:$0x3];
	s3 =	simm.s32 $0x0;
	s6 =	srdreg.scid  }
0x5: {  	s1 =	stileid.u32;
	s13 =	simm.s32 $0x20;
	s14 =	simm.s32 $0x10  }
0x6: {  	s15 =	simm.s32 $0x0;
	[smem:$0x7FF] =	sst s3;
	s7 =	smul.u32 $0x500, s1  }
0x7: {  	s6 =	sand.u32 $0x1, s6;
	s9 =	smul.u32 $0xA00, s1;
	s11 =	sshll.u32 s1, $0x6  }
0x8: {  	_ =	strace $0x80000047;
	s8 =	sshll.u32 s6, $0x7;
	s31 =	sshll.u32 s6, $0x4  }
0x9: {  	s6 =	ssub.s32 $0x2, s6;
	s11 =	sor.u32 $0x1C01, s11;
	s7 =	sor.u32 s8, s7  }
0xa: {  	s8 =	sor.u32 s1, s31;
	s10 =	sshrl.u32 s6, $0x1;
	s9 =	sshrl.u32 s9, $0x2  }
0xb: {  	s7 =	sshrl.u32 s7, $0x3;
	s8 =	smul.u32 $0x500, s8;
	s10 =	ssub.s32 s6, s10  }
0xc: {  	s7 =	sadd.s32 s7, s4;
	s4 =	sadd.s32 s9, s2;
	s9 =	simm.s32 $0x1  }
0xd: {  	s5 =	sadd.s32 s5, s8;
	s6 =	sadd.s32 $0x1A00, s7;
	s7 =	smax.u32 s10, $0x1  }
0xe: {  	v0 =	vimm.f32 $1.000000000e+00;
	v1 =	vimm.f32 $0.0e+00;
	s8 =	simm.s32 $0x80;
	s10 =	simm.s32 $0x300;
	s12 =	sshrl.u32 s4, $0x3  }
.LBB2_1:
0xf: {  	[tilespmem:$0x0] =	vst v0  }
0x10: {  	[tilespmem:$0x10] =	vst v0  }
0x11: {  	[tilespmem:$0x20] =	vst v0  }
0x12: {  	[tilespmem:$0x30] =	vst v0  }
0x13: {  	[tilespmem:$0x40] =	vst v0  }
0x14: {  	[tilespmem:$0x50] =	vst v0  }
0x15: {  	[tilespmem:$0x60] =	vst v0  }
0x16: {  	[tilespmem:$0x70] =	vst v0  }
0x17: {  	[tilespmem:$0x80] =	vst v1  }
0x18: {  	[tilespmem:$0x90] =	vst v1  }
0x19: {  	[tilespmem:$0xA0] =	vst v1  }
0x1a: {  	[tilespmem:$0xB0] =	vst v1  }
0x1b: {  	[tilespmem:$0xC0] =	vst v1  }
0x1c: {  	[tilespmem:$0xD0] =	vst v1  }
0x1d: {  	[tilespmem:$0xE0] =	vst v1  }
0x1e: {  	[tilespmem:$0xF0] =	vst v1  }
0x1f: {  	[tilespmem:$0x100] =	vst v1  }
0x20: {  	[tilespmem:$0x110] =	vst v1  }
0x21: {  	[tilespmem:$0x120] =	vst v1  }
0x22: {  	[tilespmem:$0x130] =	vst v1  }
0x23: {  	[tilespmem:$0x140] =	vst v1  }
0x24: {  	[tilespmem:$0x150] =	vst v1  }
0x25: {  	[tilespmem:$0x160] =	vst v1  }
0x26: {  	[tilespmem:$0x170] =	vst v1  }
0x27: {  	[tilespmem:$0x180] =	vst v1  }
0x28: {  	[tilespmem:$0x190] =	vst v1  }
0x29: {  	[tilespmem:$0x1A0] =	vst v1  }
0x2a: {  	[tilespmem:$0x1B0] =	vst v1  }
0x2b: {  	[tilespmem:$0x1C0] =	vst v1  }
0x2c: {  	[tilespmem:$0x1D0] =	vst v1  }
0x2d: {  	[tilespmem:$0x1E0] =	vst v1  }
0x2e: {  	[tilespmem:$0x1F0] =	vst v1  }
0x2f: {  	[tilespmem:$0x200] =	vst v1  }
0x30: {  	[tilespmem:$0x210] =	vst v1  }
0x31: {  	[tilespmem:$0x220] =	vst v1  }
0x32: {  	[tilespmem:$0x230] =	vst v1  }
0x33: {  	[tilespmem:$0x240] =	vst v1  }
0x34: {  	[tilespmem:$0x250] =	vst v1  }
0x35: {  	[tilespmem:$0x260] =	vst v1  }
0x36: {  	[tilespmem:$0x270] =	vst v1  }
0x37: {  	[tilespmem:$0x280] =	vst v1  }
0x38: {  	[tilespmem:$0x290] =	vst v1  }
0x39: {  	[tilespmem:$0x2A0] =	vst v1  }
0x3a: {  	[tilespmem:$0x2B0] =	vst v1  }
0x3b: {  	[tilespmem:$0x2C0] =	vst v1  }
0x3c: {  	[tilespmem:$0x2D0] =	vst v1  }
0x3d: {  	[tilespmem:$0x2E0] =	vst v1  }
0x3e: {  	[tilespmem:$0x2F0] =	vst v1  }
0x3f: {  	[spmem:s4] =	stream.linear.scatter [tilespmem:s8], [sflag:$0x1], $0x280, $0x38;
	[tilespmem:$0x2D80] =	vst v63  }
0x40: {  	_ =	swait.ge [sflag:s9], $0x280  }
0x41: {  	[sflag:s9] =	ssyncset.done $0x0  }
0x42: {  	[sflag:s9] =	ssyncadd.s32 $0xFFFFFD80  }
0x43: {  	[bflag:$0x0] =	sbarrier.arrive $0xFFFF  }
0x44: {  	[tilespmem:s10], [sflag:$0x1] =	stream.linear.gather [hbm4b:s5+s3], $0x2800, $0x38;
	[tilespmem:$0x2D80] =	vst v63  }
0x45: {  	_ =	swait.ge [sflag:s9], $0x2800  }
0x46: {  	[sflag:s9] =	ssyncset.done $0x0  }
0x47: {  	s16 =	simm.s32 $0x300;
	[sflag:s9] =	ssyncadd.s32 $0xFFFFD800  }
0x48: {  	[spmem:s2] =	stream.indirect.scatter.add.f32 [tilespmem:s3], [sflag:$0x1], $0x1, s16, s8, $0xb8;
	[tilespmem:$0x2D80] =	vst v63  }
0x49: {  	s16 =	simm.s32 $0x200;
	_ =	swait.ge [sflag:s9], $0x80  }
.LBB2_2:
0x4a: {  	s17 =	sshra.s32 s16, $0x2;
	[sflag:s9] =	ssyncset.done $0x0;
	p0 =	sne.s32 s16, $0x9E00  }
.Ltmp0:
0x4b: {  	s17 =	sadd.s32 $0x300, s17;
	[sflag:s9] =	ssyncadd.s32 $0xFFFFFF80;
	(pc) =	sbr.rel @p0 .LBB2_2-.Ltmp0, $3  }
0x4c: {  	[spmem:s2] =	stream.indirect.scatter.add.f32 [tilespmem:s3], [sflag:$0x1], $0x1, s17, s8, $0xb8;
	[tilespmem:$0x2D80] =	vst v63  }
0x4d: {  	s16 =	sadd.s32 $0x200, s16;
	_ =	sdelay $0x1  }
0x4e: {  	_ =	swait.ge [sflag:s9], $0x80  }
0x4f: {  	[sflag:s9] =	ssyncset.done $0x0;
	s15 =	sadd.s32 $0x1, s15  }
0x50: {  	[sflag:s9] =	ssyncadd.s32 $0xFFFFFF80;
	p0 =	sne.s32 s15, s7  }
.Ltmp1:
0x51: {  	[bflag:$0x0] =	sbarrier.arrive $0xFFFF;
	(pc) =	sbr.rel @p0 .LBB2_1-.Ltmp1, $4  }
0x52: {  	[hbm:s6@s13], [sflag:s11] =	dma.strided [spmem:s12@s14], $0x50, s9, $0x10   }
0x53: {  	_ =	swait.ge [sflag:s9], $0x50  }
0x54: {  	[sflag:s9] =	ssyncset.done $0x0  }
0x55: {  	[sflag:s9] =	ssyncadd.s32 $0xFFFFFFB0  }
0x56: {  	_ =	sfence.sel $0x180000  }
0x57: {  	[bflag:$0x0] =	sbarrier.arrive $0xFFFF  }
0x58: {  	p0 =	sne.s32 s1, $0x0;
	_ =	strace $0x90000047  }
0x59: {  	s0 =	sadd.s32 @!p0 $0x100000, s0;
	[bflag:$0x2] =	sbarrier.arrive $0xFFFF  }
0x5a: {  	[sflag:s0] =	ssyncadd.tile.s32 @!p0 $0x1;
	_ =	shalt  }
.Lfunc_end2:
_tile_overlayer_lowered:
.L_overlay_start_2:
0x5b: {  	(tag) =	ssettag $0x2  }
0x5c: {  	s0 =	rddreg [dreg:$0x0];
	s2 =	stileid.u32  }
0x5d: {  	s1 =	rddreg [dreg:$0x1];
	p0 =	sne.s32 s2, $0x0  }
0x5e: {  	s3 =	rddreg [dreg:$0x2];
	[bflag:$0x3] =	sbarrier.arrive $0xFFFF;
	s2 =	simm.s32 @!p0 $0x1C01  }
0x5f: {  	[timem:s3], [sflag:s2] =	dma.local @!p0 [hbm:s0], s1  }
0x60: {  	s0 =	simm.s32 @!p0 $0x1  }
0x61: {  	_ =	swait.ge @!p0 [sflag:s0], s1  }
0x62: {  	s1 =	ssub.s32 @!p0 $0x0, s1;
	[sflag:s0] =	ssyncset.done @!p0 $0x0  }
0x63: {  	[sflag:s0] =	ssyncadd.s32 @!p0 s1  }
0x64: {  	[bflag:$0x3] =	sbarrier.arrive $0xFFFF  }
0x65: {  	_ =	shalt  }

</sc_bundles>
